<compile_context>
chip_gen: v7x
topology: tpu7x:2x2x1
jax: 0.10.2.dev20260603
libtpu: 0.0.44.dev20260713+nightly
codegen_flags: <defaults>
</compile_context>

<pallas_src>
import functools

import jax
import jax.numpy as jnp
from jax import lax
from jax.experimental import pallas as pl
from jax.experimental.pallas import tpu as pltpu
from jax.experimental.pallas import tpu_sc as plsc

N = 10000
E = 320000
D = 128

NC = 2
NS = 16
NW = NC * NS
CHUNK = 125
EPW = E // NW
NCHUNK = EPW // CHUNK
SB = 16
NSB = NCHUNK // SB
NP = 10240
ROWS_PER_TILE = NP // NS


def _sc_agg_kernel(*args, with_cnt):
    if with_cnt:
        (table, edges, zrows, zcnt, ones_hbm, pout, cout,
         accum, cnts, srcv, dstv, rows, onesv, sem, ssem, csem,
         isem) = args
    else:
        (table, edges, zrows, pout,
         accum, srcv, dstv, rows, sem, ssem, isem) = args
        csem = None
        cnts = onesv = cout = zcnt = ones_hbm = None

    c = lax.axis_index("c")
    s = lax.axis_index("s")
    w = c * NS + s
    sl = pl.ds(s * ROWS_PER_TILE, ROWS_PER_TILE)

    pltpu.sync_copy(zrows, accum.at[sl])
    if with_cnt:
        pltpu.sync_copy(zcnt, cnts.at[sl])
        pltpu.sync_copy(ones_hbm, onesv)
    pltpu.sync_copy(edges.at[0, w], srcv)
    pltpu.sync_copy(edges.at[1, w, pl.ds(0, SB)], dstv.at[0])
    plsc.subcore_barrier()

    pltpu.async_copy(table.at[srcv.at[0]], rows.at[0], sem.at[0])

    def superblock(t, carry):
        sb = lax.rem(t, 2)

        @pl.when(t > 0)
        def _drain_cur():
            pltpu.make_async_copy(edges.at[1, w, pl.ds(t * SB, SB)],
                                  dstv.at[sb], isem).wait()

        for k in range(SB):
            b = k % 2
            j = t * SB + k
            pltpu.make_async_copy(table.at[srcv.at[j]], rows.at[b],
                                  sem.at[b]).wait()

            @pl.when(j >= 1)
            def _drain_prev_scatter():
                pltpu.make_async_copy(rows.at[1 - b],
                                      accum.at[dstv.at[sb, k]],
                                      ssem.at[1 - b]).wait()
                if with_cnt:
                    pltpu.make_async_copy(onesv, cnts.at[dstv.at[sb, k]],
                                          csem).wait()

            if k == 0:
                @pl.when(t + 1 < NSB)
                def _stage_next():
                    pltpu.async_copy(edges.at[1, w, pl.ds((t + 1) * SB, SB)],
                                     dstv.at[1 - sb], isem)

            @pl.when(j + 1 < NCHUNK)
            def _prefetch():
                pltpu.async_copy(table.at[srcv.at[j + 1]], rows.at[1 - b],
                                 sem.at[1 - b])

            pltpu.async_copy(rows.at[b], accum.at[dstv.at[sb, k]],
                             ssem.at[b], add=True)
            if with_cnt:
                pltpu.async_copy(onesv, cnts.at[dstv.at[sb, k]], csem,
                                 add=True)
        return carry

    lax.fori_loop(0, NSB, superblock, 0)

    pltpu.make_async_copy(rows.at[1], accum.at[dstv.at[1, SB - 1]],
                          ssem.at[1]).wait()
    if with_cnt:
        pltpu.make_async_copy(onesv, cnts.at[dstv.at[1, SB - 1]],
                              csem).wait()
    plsc.subcore_barrier()

    pltpu.sync_copy(accum.at[sl], pout.at[c, sl])
    if with_cnt:
        pltpu.sync_copy(cnts.at[sl], cout.at[c, sl])


@functools.partial(jax.jit, static_argnames=("with_cnt",))
def _sc_agg(table, edges, with_cnt):
    mesh = plsc.VectorSubcoreMesh(core_axis_name="c", subcore_axis_name="s")
    out_type = [jax.ShapeDtypeStruct((NC, NP, D), jnp.float32)]
    scratch = [pltpu.VMEM_SHARED((NP, D), jnp.float32)]
    if with_cnt:
        out_type.append(jax.ShapeDtypeStruct((NC, NP), jnp.float32))
        scratch.append(pltpu.VMEM_SHARED((NP,), jnp.float32))
    scratch += [
        pltpu.VMEM((NCHUNK, CHUNK), jnp.int32),
        pltpu.VMEM((2, SB, CHUNK), jnp.int32),
        pltpu.VMEM((2, CHUNK, D), jnp.float32),
    ]
    if with_cnt:
        scratch.append(pltpu.VMEM((CHUNK,), jnp.float32))
    scratch.append(pltpu.SemaphoreType.DMA((2,)))
    scratch.append(pltpu.SemaphoreType.DMA((2,)))
    if with_cnt:
        scratch.append(pltpu.SemaphoreType.DMA)
    scratch.append(pltpu.SemaphoreType.DMA)

    inputs = [table, edges, jnp.zeros((ROWS_PER_TILE, D), jnp.float32)]
    if with_cnt:
        inputs += [jnp.zeros((ROWS_PER_TILE,), jnp.float32),
                   jnp.ones((CHUNK,), jnp.float32)]
    f = functools.partial(
        pl.kernel,
        out_type=out_type,
        mesh=mesh,
        scratch_types=scratch,
    )(functools.partial(_sc_agg_kernel, with_cnt=with_cnt))
    return f(*inputs)


def _dense_kernel(p_ref, c_ref, x_ref, wn_ref, wr_ref, b_ref, o_ref, *, relu):
    agg = p_ref[0] + p_ref[1]
    cnt = c_ref[0, :, 0] + c_ref[1, :, 0]
    mean = agg * (1.0 / jnp.maximum(cnt, 1.0))[:, None]
    out = (jnp.dot(mean, wn_ref[...], precision=lax.Precision.HIGHEST)
           + jnp.dot(x_ref[...], wr_ref[...], precision=lax.Precision.HIGHEST)
           + b_ref[...][None, :])
    if relu:
        out = jnp.maximum(out, 0.0)
    o_ref[...] = out


def _dense(p, c, x, Wn, Wr, b, relu):
    BR = 2000
    grid = (N // BR,)
    return pl.pallas_call(
        functools.partial(_dense_kernel, relu=relu),
        grid=grid,
        in_specs=[
            pl.BlockSpec((NC, BR, D), lambda i: (0, i, 0)),
            pl.BlockSpec((NC, BR, 1), lambda i: (0, i, 0)),
            pl.BlockSpec((BR, D), lambda i: (i, 0)),
            pl.BlockSpec((D, D), lambda i: (0, 0)),
            pl.BlockSpec((D, D), lambda i: (0, 0)),
            pl.BlockSpec((D,), lambda i: (0,)),
        ],
        out_specs=pl.BlockSpec((BR, D), lambda i: (i, 0)),
        out_shape=jax.ShapeDtypeStruct((N, D), jnp.float32),
    )(p, c, x, Wn, Wr, b)


def kernel(x, edge_index, Wn1, Wr1, b1, Wn2, Wr2, b2):
    edges = edge_index.astype(jnp.int32).reshape(2, NW, NCHUNK, CHUNK)

    p1, c1 = _sc_agg(x, edges, with_cnt=True)
    c1 = c1[..., None]
    h = _dense(p1, c1, x, Wn1, Wr1, b1, relu=True)
    p2 = _sc_agg(h, edges, with_cnt=False)
    if isinstance(p2, (list, tuple)):
        p2 = p2[0]
    out = _dense(p2, c1, h, Wn2, Wr2, b2, relu=False)
    return out

# --- scband reference (transcript-rebuilt; emitter-appended) ---
"""Pipeline reference for scband-sage-86466281603835 (READ-ONLY COPY).

The authoritative reference and input builder live on the scoring server;
editing this copy changes nothing except your own understanding.
"""

import jax, jax.numpy as jnp
import numpy as np

N = 10000
E = 320000
D_IN = 128
D_HID = 128
D_OUT = 128


def setup_inputs(seed: int = 0) -> dict:
    key = jax.random.key(seed)
    ks = jax.random.split(key, 8)
    x = jax.random.normal(ks[0], (N, D_IN), dtype=jnp.float32)
    edge_index = jax.random.randint(ks[1], (2, E), 0, N, dtype=jnp.int64)
    s1 = 1.0 / np.sqrt(D_IN)
    s2 = 1.0 / np.sqrt(D_HID)
    Wn1 = jax.random.uniform(ks[2], (D_IN, D_HID), dtype=jnp.float32, minval=-s1, maxval=s1)
    Wr1 = jax.random.uniform(ks[3], (D_IN, D_HID), dtype=jnp.float32, minval=-s1, maxval=s1)
    b1 = jnp.zeros((D_HID,), dtype=jnp.float32)
    Wn2 = jax.random.uniform(ks[4], (D_HID, D_OUT), dtype=jnp.float32, minval=-s2, maxval=s2)
    Wr2 = jax.random.uniform(ks[5], (D_HID, D_OUT), dtype=jnp.float32, minval=-s2, maxval=s2)
    b2 = jnp.zeros((D_OUT,), dtype=jnp.float32)
    return {"x": x, "edge_index": edge_index, "Wn1": Wn1, "Wr1": Wr1, "b1": b1,
            "Wn2": Wn2, "Wr2": Wr2, "b2": b2}


def _sage_conv(x, edge_index, Wn, Wr, b):
    # PyG SAGEConv with mean aggregation:
    #   out = lin_l(mean_{j in N(i)} x_j) + lin_r(x_i)
    src = edge_index[0]
    dst = edge_index[1]
    msg = jnp.take(x, src, axis=0)                      # gather  [E, d]
    summed = jax.ops.segment_sum(msg, dst, num_segments=x.shape[0])
    cnt = jax.ops.segment_sum(jnp.ones((edge_index.shape[1],), dtype=x.dtype),
                              dst, num_segments=x.shape[0])
    mean = summed / jnp.clip(cnt, 1.0, None)[:, None]
    return mean @ Wn + x @ Wr + b


def reference(x, edge_index, Wn1, Wr1, b1, Wn2, Wr2, b2):
    h = _sage_conv(x, edge_index, Wn1, Wr1, b1)
    h = jax.nn.relu(h)
    out = _sage_conv(h, edge_index, Wn2, Wr2, b2)
    return out

if __name__ == "__main__":
    import jax
    _d = setup_inputs()
    print(jax.jit(kernel)(*tuple(_d.values())))

</pallas_src>

<mosaic_0001>
#map = affine_map<(d0, d1) -> (0, 0)>
#map1 = affine_map<(d0, d1) -> (0, 0, 0, 0)>
#map2 = affine_map<(d0, d1) -> (0)>
#map3 = affine_map<(d0, d1) -> (0, 0, 0)>
module attributes {stable_mosaic.version = 14 : i64} {
  func.func @_sc_agg_kernel(%arg0: i32, %arg1: i32, %arg2: memref<10000x128xf32, #tpu.memory_space<hbm>>, %arg3: memref<2x32x80x125xi32, #tpu.memory_space<hbm>>, %arg4: memref<640x128xf32, #tpu.memory_space<hbm>>, %arg5: memref<640xf32, #tpu.memory_space<hbm>>, %arg6: memref<125xf32, #tpu.memory_space<hbm>>, %arg7: memref<2x10240x128xf32, #tpu.memory_space<hbm>>, %arg8: memref<2x10240xf32, #tpu.memory_space<hbm>>, %arg9: memref<10240x128xf32, #tpu.memory_space<vmem_shared>>, %arg10: memref<10240xf32, #tpu.memory_space<vmem_shared>>, %arg11: memref<80x125xi32, #tpu.memory_space<vmem>>, %arg12: memref<2x16x125xi32, #tpu.memory_space<vmem>>, %arg13: memref<2x125x128xf32, #tpu.memory_space<vmem>>, %arg14: memref<125xf32, #tpu.memory_space<vmem>>, %arg15: memref<2x!tpu.dma_semaphore, #tpu.memory_space<semaphore_mem>>, %arg16: memref<2x!tpu.dma_semaphore, #tpu.memory_space<semaphore_mem>>, %arg17: memref<!tpu.dma_semaphore, #tpu.memory_space<semaphore_mem>>, %arg18: memref<!tpu.dma_semaphore, #tpu.memory_space<semaphore_mem>>) attributes {dimension_semantics = [#tpu.dimension_semantics<core_parallel>, #tpu.dimension_semantics<subcore_parallel>], iteration_bounds = array<i64: 2, 16>, scalar_prefetch = 0 : i64, scratch_operands = 10 : i64, tpu.core_type = #tpu.core_type<sc_vector_subcore>, window_params = [{transform_indices = #map}, {transform_indices = #map1}, {transform_indices = #map}, {transform_indices = #map2}, {transform_indices = #map2}, {transform_indices = #map3}, {transform_indices = #map}]} {
    %mul3A = arith.constant 16 : i32
    %mul3A_0 = arith.muli %arg0, %mul3A : i32
    %add3A = arith.addi %mul3A_0, %arg1 : i32
    %mul3A_1 = arith.constant 640 : i32
    %mul3A_2 = arith.muli %arg1, %mul3A_1 : i32
    "tpu.region"() ({
      %run_scoped3A_47 = tpu.sem_alloc : memref<!tpu.dma_semaphore, #tpu.memory_space<semaphore_mem>>
      %dma_start3A_48 = arith.constant 0 : i32
      %dma_start3A_49 = tpu.memref_slice %arg9[%mul3A_2, %dma_start3A_48] : memref<10240x128xf32, #tpu.memory_space<vmem_shared>> -> memref<640x128xf32, #tpu.memory_space<vmem_shared>>
      tpu.enqueue_dma source(%arg4 : memref<640x128xf32, #tpu.memory_space<hbm>>) target(%dma_start3A_49 : memref<640x128xf32, #tpu.memory_space<vmem_shared>>) target_semaphore(%run_scoped3A_47 : memref<!tpu.dma_semaphore, #tpu.memory_space<semaphore_mem>>)
      %dma_wait3A_50 = arith.constant 0 : i32
      %dma_wait3A_51 = tpu.memref_slice %arg9[%mul3A_2, %dma_wait3A_50] : memref<10240x128xf32, #tpu.memory_space<vmem_shared>> -> memref<640x128xf32, #tpu.memory_space<vmem_shared>>
      tpu.wait_dma2 semaphore(%run_scoped3A_47 : memref<!tpu.dma_semaphore, #tpu.memory_space<semaphore_mem>>) src(%arg4 : memref<640x128xf32, #tpu.memory_space<hbm>>) dst(%dma_wait3A_51 : memref<640x128xf32, #tpu.memory_space<vmem_shared>>)
      tpu.yield
    }) : () -> ()
    "tpu.region"() ({
      %run_scoped3A_47 = tpu.sem_alloc : memref<!tpu.dma_semaphore, #tpu.memory_space<semaphore_mem>>
      %dma_start3A_48 = tpu.memref_slice %arg10[%mul3A_2] : memref<10240xf32, #tpu.memory_space<vmem_shared>> -> memref<640xf32, #tpu.memory_space<vmem_shared>>
      tpu.enqueue_dma source(%arg5 : memref<640xf32, #tpu.memory_space<hbm>>) target(%dma_start3A_48 : memref<640xf32, #tpu.memory_space<vmem_shared>>) target_semaphore(%run_scoped3A_47 : memref<!tpu.dma_semaphore, #tpu.memory_space<semaphore_mem>>)
      %dma_wait3A_49 = tpu.memref_slice %arg10[%mul3A_2] : memref<10240xf32, #tpu.memory_space<vmem_shared>> -> memref<640xf32, #tpu.memory_space<vmem_shared>>
      tpu.wait_dma2 semaphore(%run_scoped3A_47 : memref<!tpu.dma_semaphore, #tpu.memory_space<semaphore_mem>>) src(%arg5 : memref<640xf32, #tpu.memory_space<hbm>>) dst(%dma_wait3A_49 : memref<640xf32, #tpu.memory_space<vmem_shared>>)
      tpu.yield
    }) : () -> ()
    "tpu.region"() ({
      %run_scoped3A_47 = tpu.sem_alloc : memref<!tpu.dma_semaphore, #tpu.memory_space<semaphore_mem>>
      tpu.enqueue_dma source(%arg6 : memref<125xf32, #tpu.memory_space<hbm>>) target(%arg14 : memref<125xf32, #tpu.memory_space<vmem>>) target_semaphore(%run_scoped3A_47 : memref<!tpu.dma_semaphore, #tpu.memory_space<semaphore_mem>>)
      tpu.wait_dma2 semaphore(%run_scoped3A_47 : memref<!tpu.dma_semaphore, #tpu.memory_space<semaphore_mem>>) src(%arg6 : memref<125xf32, #tpu.memory_space<hbm>>) dst(%arg14 : memref<125xf32, #tpu.memory_space<vmem>>)
      tpu.yield
    }) : () -> ()
    %run_scoped3A = arith.constant 0 : i32
    "tpu.region"() ({
      %run_scoped3A_47 = tpu.sem_alloc : memref<!tpu.dma_semaphore, #tpu.memory_space<semaphore_mem>>
      %dma_start3A_48 = arith.constant 0 : i32
      %dma_start3A_49 = arith.constant 0 : i32
      %dma_start3A_50 = tpu.memref_slice %arg3[%run_scoped3A, %add3A, %dma_start3A_48, %dma_start3A_49] : memref<2x32x80x125xi32, #tpu.memory_space<hbm>> -> memref<1x1x80x125xi32, #tpu.memory_space<hbm>>
      %dma_start3A_51 = tpu.memref_squeeze %dma_start3A_50 : memref<1x1x80x125xi32, #tpu.memory_space<hbm>> -> memref<80x125xi32, #tpu.memory_space<hbm>>
      %dma_start3A_52 = arith.constant 0 : i32
      %dma_start3A_53 = arith.constant 0 : i32
      %dma_start3A_54 = tpu.memref_slice %arg3[%run_scoped3A, %add3A, %dma_start3A_52, %dma_start3A_53] : memref<2x32x80x125xi32, #tpu.memory_space<hbm>> -> memref<1x1x80x125xi32, #tpu.memory_space<hbm>>
      %dma_start3A_55 = tpu.memref_squeeze %dma_start3A_54 : memref<1x1x80x125xi32, #tpu.memory_space<hbm>> -> memref<80x125xi32, #tpu.memory_space<hbm>>
      tpu.enqueue_dma source(%dma_start3A_55 : memref<80x125xi32, #tpu.memory_space<hbm>>) target(%arg11 : memref<80x125xi32, #tpu.memory_space<vmem>>) target_semaphore(%run_scoped3A_47 : memref<!tpu.dma_semaphore, #tpu.memory_space<semaphore_mem>>)
      %dma_wait3A_56 = arith.constant 0 : i32
      %dma_wait3A_57 = arith.constant 0 : i32
      %dma_wait3A_58 = tpu.memref_slice %arg3[%run_scoped3A, %add3A, %dma_wait3A_56, %dma_wait3A_57] : memref<2x32x80x125xi32, #tpu.memory_space<hbm>> -> memref<1x1x80x125xi32, #tpu.memory_space<hbm>>
      %dma_wait3A_59 = tpu.memref_squeeze %dma_wait3A_58 : memref<1x1x80x125xi32, #tpu.memory_space<hbm>> -> memref<80x125xi32, #tpu.memory_space<hbm>>
      %dma_wait3A_60 = arith.constant 0 : i32
      %dma_wait3A_61 = arith.constant 0 : i32
      %dma_wait3A_62 = tpu.memref_slice %arg3[%run_scoped3A, %add3A, %dma_wait3A_60, %dma_wait3A_61] : memref<2x32x80x125xi32, #tpu.memory_space<hbm>> -> memref<1x1x80x125xi32, #tpu.memory_space<hbm>>
      %dma_wait3A_63 = tpu.memref_squeeze %dma_wait3A_62 : memref<1x1x80x125xi32, #tpu.memory_space<hbm>> -> memref<80x125xi32, #tpu.memory_space<hbm>>
      tpu.wait_dma2 semaphore(%run_scoped3A_47 : memref<!tpu.dma_semaphore, #tpu.memory_space<semaphore_mem>>) src(%dma_wait3A_63 : memref<80x125xi32, #tpu.memory_space<hbm>>) dst(%arg11 : memref<80x125xi32, #tpu.memory_space<vmem>>)
      tpu.yield
    }) : () -> ()
    %run_scoped3A_3 = arith.constant 1 : i32
    %run_scoped3A_4 = arith.constant 0 : i32
    "tpu.region"() ({
      %run_scoped3A_47 = tpu.sem_alloc : memref<!tpu.dma_semaphore, #tpu.memory_space<semaphore_mem>>
      %dma_start3A_48 = arith.constant 0 : i32
      %dma_start3A_49 = arith.constant 0 : i32
      %dma_start3A_50 = tpu.memref_slice %arg12[%run_scoped3A_4, %dma_start3A_48, %dma_start3A_49] : memref<2x16x125xi32, #tpu.memory_space<vmem>> -> memref<1x16x125xi32, #tpu.memory_space<vmem>>
      %dma_start3A_51 = tpu.memref_squeeze %dma_start3A_50 : memref<1x16x125xi32, #tpu.memory_space<vmem>> -> memref<16x125xi32, #tpu.memory_space<vmem>>
      %dma_start3A_52 = arith.constant 0 : i32
      %dma_start3A_53 = arith.constant 0 : i32
      %dma_start3A_54 = tpu.memref_slice %arg3[%run_scoped3A_3, %add3A, %dma_start3A_52, %dma_start3A_53] : memref<2x32x80x125xi32, #tpu.memory_space<hbm>> -> memref<1x1x16x125xi32, #tpu.memory_space<hbm>>
      %dma_start3A_55 = tpu.memref_squeeze %dma_start3A_54 : memref<1x1x16x125xi32, #tpu.memory_space<hbm>> -> memref<16x125xi32, #tpu.memory_space<hbm>>
      %dma_start3A_56 = arith.constant 0 : i32
      %dma_start3A_57 = arith.constant 0 : i32
      %dma_start3A_58 = tpu.memref_slice %arg12[%run_scoped3A_4, %dma_start3A_56, %dma_start3A_57] : memref<2x16x125xi32, #tpu.memory_space<vmem>> -> memref<1x16x125xi32, #tpu.memory_space<vmem>>
      %dma_start3A_59 = tpu.memref_squeeze %dma_start3A_58 : memref<1x16x125xi32, #tpu.memory_space<vmem>> -> memref<16x125xi32, #tpu.memory_space<vmem>>
      %dma_start3A_60 = arith.constant 0 : i32
      %dma_start3A_61 = arith.constant 0 : i32
      %dma_start3A_62 = tpu.memref_slice %arg3[%run_scoped3A_3, %add3A, %dma_start3A_60, %dma_start3A_61] : memref<2x32x80x125xi32, #tpu.memory_space<hbm>> -> memref<1x1x16x125xi32, #tpu.memory_space<hbm>>
      %dma_start3A_63 = tpu.memref_squeeze %dma_start3A_62 : memref<1x1x16x125xi32, #tpu.memory_space<hbm>> -> memref<16x125xi32, #tpu.memory_space<hbm>>
      tpu.enqueue_dma source(%dma_start3A_63 : memref<16x125xi32, #tpu.memory_space<hbm>>) target(%dma_start3A_59 : memref<16x125xi32, #tpu.memory_space<vmem>>) target_semaphore(%run_scoped3A_47 : memref<!tpu.dma_semaphore, #tpu.memory_space<semaphore_mem>>)
      %dma_wait3A_64 = arith.constant 0 : i32
      %dma_wait3A_65 = arith.constant 0 : i32
      %dma_wait3A_66 = tpu.memref_slice %arg12[%run_scoped3A_4, %dma_wait3A_64, %dma_wait3A_65] : memref<2x16x125xi32, #tpu.memory_space<vmem>> -> memref<1x16x125xi32, #tpu.memory_space<vmem>>
      %dma_wait3A_67 = tpu.memref_squeeze %dma_wait3A_66 : memref<1x16x125xi32, #tpu.memory_space<vmem>> -> memref<16x125xi32, #tpu.memory_space<vmem>>
      %dma_wait3A_68 = arith.constant 0 : i32
      %dma_wait3A_69 = arith.constant 0 : i32
      %dma_wait3A_70 = tpu.memref_slice %arg3[%run_scoped3A_3, %add3A, %dma_wait3A_68, %dma_wait3A_69] : memref<2x32x80x125xi32, #tpu.memory_space<hbm>> -> memref<1x1x16x125xi32, #tpu.memory_space<hbm>>
      %dma_wait3A_71 = tpu.memref_squeeze %dma_wait3A_70 : memref<1x1x16x125xi32, #tpu.memory_space<hbm>> -> memref<16x125xi32, #tpu.memory_space<hbm>>
      %dma_wait3A_72 = arith.constant 0 : i32
      %dma_wait3A_73 = arith.constant 0 : i32
      %dma_wait3A_74 = tpu.memref_slice %arg12[%run_scoped3A_4, %dma_wait3A_72, %dma_wait3A_73] : memref<2x16x125xi32, #tpu.memory_space<vmem>> -> memref<1x16x125xi32, #tpu.memory_space<vmem>>
      %dma_wait3A_75 = tpu.memref_squeeze %dma_wait3A_74 : memref<1x16x125xi32, #tpu.memory_space<vmem>> -> memref<16x125xi32, #tpu.memory_space<vmem>>
      %dma_wait3A_76 = arith.constant 0 : i32
      %dma_wait3A_77 = arith.constant 0 : i32
      %dma_wait3A_78 = tpu.memref_slice %arg3[%run_scoped3A_3, %add3A, %dma_wait3A_76, %dma_wait3A_77] : memref<2x32x80x125xi32, #tpu.memory_space<hbm>> -> memref<1x1x16x125xi32, #tpu.memory_space<hbm>>
      %dma_wait3A_79 = tpu.memref_squeeze %dma_wait3A_78 : memref<1x1x16x125xi32, #tpu.memory_space<hbm>> -> memref<16x125xi32, #tpu.memory_space<hbm>>
      tpu.wait_dma2 semaphore(%run_scoped3A_47 : memref<!tpu.dma_semaphore, #tpu.memory_space<semaphore_mem>>) src(%dma_wait3A_79 : memref<16x125xi32, #tpu.memory_space<hbm>>) dst(%dma_wait3A_75 : memref<16x125xi32, #tpu.memory_space<vmem>>)
      tpu.yield
    }) : () -> ()
    %barrier3A = arith.constant 0 : index
    tpu.barrier barrier_id(%barrier3A)
    %dma_start3A = arith.constant 0 : i32
    %dma_start3A_5 = arith.constant 0 : i32
    %dma_start3A_6 = arith.constant 0 : i32
    %dma_start3A_7 = arith.constant 0 : i32
    %dma_start3A_8 = arith.constant 0 : i32
    %dma_start3A_9 = tpu.memref_slice %arg13[%dma_start3A_5, %dma_start3A_7, %dma_start3A_8] : memref<2x125x128xf32, #tpu.memory_space<vmem>> -> memref<1x125x128xf32, #tpu.memory_space<vmem>>
    %dma_start3A_10 = tpu.memref_squeeze %dma_start3A_9 : memref<1x125x128xf32, #tpu.memory_space<vmem>> -> memref<125x128xf32, #tpu.memory_space<vmem>>
    %dma_start3A_11 = arith.constant 0 : i32
    %dma_start3A_12 = tpu.memref_slice %arg11[%dma_start3A, %dma_start3A_11] : memref<80x125xi32, #tpu.memory_space<vmem>> -> memref<1x125xi32, #tpu.memory_space<vmem>>
    %dma_start3A_13 = tpu.memref_squeeze %dma_start3A_12 : memref<1x125xi32, #tpu.memory_space<vmem>> -> memref<125xi32, #tpu.memory_space<vmem>>
    %dma_start3A_14 = arith.constant 0 : i32
    %dma_start3A_15 = arith.constant 0 : i32
    %dma_start3A_16 = tpu.memref_slice %arg2[%dma_start3A_14, %dma_start3A_15] : memref<10000x128xf32, #tpu.memory_space<hbm>> -> memref<10000x128xf32, #tpu.memory_space<hbm>>
    %dma_start3A_17 = tpu.memref_slice %arg15[%dma_start3A_6] : memref<2x!tpu.dma_semaphore, #tpu.memory_space<semaphore_mem>> -> memref<1x!tpu.dma_semaphore, #tpu.memory_space<semaphore_mem>>
    %dma_start3A_18 = tpu.memref_squeeze %dma_start3A_17 : memref<1x!tpu.dma_semaphore, #tpu.memory_space<semaphore_mem>> -> memref<!tpu.dma_semaphore, #tpu.memory_space<semaphore_mem>>
    tpu.enqueue_indirect_dma source(%dma_start3A_16 : memref<10000x128xf32, #tpu.memory_space<hbm>>) target(%dma_start3A_10 : memref<125x128xf32, #tpu.memory_space<vmem>>) offsets(%dma_start3A_13 : memref<125xi32, #tpu.memory_space<vmem>>) semaphore(%dma_start3A_18 : memref<!tpu.dma_semaphore, #tpu.memory_space<semaphore_mem>>)
    %scan3A = arith.constant 0 : i32
    %scan3A_19 = arith.constant 0 : i32
    %scan3A_20 = arith.constant 5 : i32
    %scan3A_21 = arith.addi %scan3A_19, %scan3A_20 : i32
    %scan3A_22 = arith.constant 1 : i32
    scf.for %scan3A_47 = %scan3A_19 to %scan3A_21 step %scan3A_22  : i32 {
      %rem3A = arith.constant 2 : i32
      %rem3A_48 = arith.remsi %scan3A_47, %rem3A : i32
      %gt3A = arith.constant 0 : i32
      %gt3A_49 = arith.cmpi sgt, %scan3A_47, %gt3A : i32
      %convert_element_type3A = arith.extui %gt3A_49 : i1 to i32
      %cond3A = arith.constant 0 : i32
      %cond3A_50 = arith.cmpi ne, %convert_element_type3A, %cond3A : i32
      scf.if %cond3A_50 {
        %mul3A_872 = arith.constant 16 : i32
        %mul3A_873 = arith.muli %scan3A_47, %mul3A_872 : i32
        %dma_wait3A_874 = arith.constant 1 : i32
        %dma_wait3A_875 = arith.constant 0 : i32
        %dma_wait3A_876 = arith.constant 0 : i32
        %dma_wait3A_877 = tpu.memref_slice %arg12[%rem3A_48, %dma_wait3A_875, %dma_wait3A_876] : memref<2x16x125xi32, #tpu.memory_space<vmem>> -> memref<1x16x125xi32, #tpu.memory_space<vmem>>
        %dma_wait3A_878 = tpu.memref_squeeze %dma_wait3A_877 : memref<1x16x125xi32, #tpu.memory_space<vmem>> -> memref<16x125xi32, #tpu.memory_space<vmem>>
        %dma_wait3A_879 = arith.constant 0 : i32
        %dma_wait3A_880 = tpu.memref_slice %arg3[%dma_wait3A_874, %add3A, %mul3A_873, %dma_wait3A_879] : memref<2x32x80x125xi32, #tpu.memory_space<hbm>> -> memref<1x1x16x125xi32, #tpu.memory_space<hbm>>
        %dma_wait3A_881 = tpu.memref_squeeze %dma_wait3A_880 : memref<1x1x16x125xi32, #tpu.memory_space<hbm>> -> memref<16x125xi32, #tpu.memory_space<hbm>>
        %dma_wait3A_882 = arith.constant 0 : i32
        %dma_wait3A_883 = arith.constant 0 : i32
        %dma_wait3A_884 = tpu.memref_slice %arg12[%rem3A_48, %dma_wait3A_882, %dma_wait3A_883] : memref<2x16x125xi32, #tpu.memory_space<vmem>> -> memref<1x16x125xi32, #tpu.memory_space<vmem>>
        %dma_wait3A_885 = tpu.memref_squeeze %dma_wait3A_884 : memref<1x16x125xi32, #tpu.memory_space<vmem>> -> memref<16x125xi32, #tpu.memory_space<vmem>>
        %dma_wait3A_886 = arith.constant 0 : i32
        %dma_wait3A_887 = tpu.memref_slice %arg3[%dma_wait3A_874, %add3A, %mul3A_873, %dma_wait3A_886] : memref<2x32x80x125xi32, #tpu.memory_space<hbm>> -> memref<1x1x16x125xi32, #tpu.memory_space<hbm>>
        %dma_wait3A_888 = tpu.memref_squeeze %dma_wait3A_887 : memref<1x1x16x125xi32, #tpu.memory_space<hbm>> -> memref<16x125xi32, #tpu.memory_space<hbm>>
        tpu.wait_dma2 semaphore(%arg18 : memref<!tpu.dma_semaphore, #tpu.memory_space<semaphore_mem>>) src(%dma_wait3A_888 : memref<16x125xi32, #tpu.memory_space<hbm>>) dst(%dma_wait3A_885 : memref<16x125xi32, #tpu.memory_space<vmem>>)
      } else {
      }
      %mul3A_51 = arith.constant 16 : i32
      %mul3A_52 = arith.muli %scan3A_47, %mul3A_51 : i32
      %add3A_53 = arith.constant 0 : i32
      %add3A_54 = arith.addi %mul3A_52, %add3A_53 : i32
      %dma_wait3A_55 = arith.constant 0 : i32
      %dma_wait3A_56 = arith.constant 0 : i32
      %dma_wait3A_57 = arith.constant 0 : i32
      %dma_wait3A_58 = arith.constant 0 : i32
      %dma_wait3A_59 = tpu.memref_slice %arg13[%dma_wait3A_55, %dma_wait3A_57, %dma_wait3A_58] : memref<2x125x128xf32, #tpu.memory_space<vmem>> -> memref<1x125x128xf32, #tpu.memory_space<vmem>>
      %dma_wait3A_60 = tpu.memref_squeeze %dma_wait3A_59 : memref<1x125x128xf32, #tpu.memory_space<vmem>> -> memref<125x128xf32, #tpu.memory_space<vmem>>
      %dma_wait3A_61 = arith.constant 0 : i32
      %dma_wait3A_62 = tpu.memref_slice %arg11[%add3A_54, %dma_wait3A_61] : memref<80x125xi32, #tpu.memory_space<vmem>> -> memref<1x125xi32, #tpu.memory_space<vmem>>
      %dma_wait3A_63 = tpu.memref_squeeze %dma_wait3A_62 : memref<1x125xi32, #tpu.memory_space<vmem>> -> memref<125xi32, #tpu.memory_space<vmem>>
      %dma_wait3A_64 = arith.constant 0 : i32
      %dma_wait3A_65 = arith.constant 0 : i32
      %dma_wait3A_66 = tpu.memref_slice %arg2[%dma_wait3A_64, %dma_wait3A_65] : memref<10000x128xf32, #tpu.memory_space<hbm>> -> memref<10000x128xf32, #tpu.memory_space<hbm>>
      %dma_wait3A_67 = tpu.memref_slice %arg15[%dma_wait3A_56] : memref<2x!tpu.dma_semaphore, #tpu.memory_space<semaphore_mem>> -> memref<1x!tpu.dma_semaphore, #tpu.memory_space<semaphore_mem>>
      %dma_wait3A_68 = tpu.memref_squeeze %dma_wait3A_67 : memref<1x!tpu.dma_semaphore, #tpu.memory_space<semaphore_mem>> -> memref<!tpu.dma_semaphore, #tpu.memory_space<semaphore_mem>>
      tpu.wait_indirect_dma semaphore(%dma_wait3A_68 : memref<!tpu.dma_semaphore, #tpu.memory_space<semaphore_mem>>) src(%dma_wait3A_66 : memref<10000x128xf32, #tpu.memory_space<hbm>>) dst(%dma_wait3A_60 : memref<125x128xf32, #tpu.memory_space<vmem>>)
      %ge3A = arith.constant 1 : i32
      %ge3A_69 = arith.cmpi sge, %add3A_54, %ge3A : i32
      %convert_element_type3A_70 = arith.extui %ge3A_69 : i1 to i32
      %cond3A_71 = arith.constant 0 : i32
      %cond3A_72 = arith.cmpi ne, %convert_element_type3A_70, %cond3A_71 : i32
      scf.if %cond3A_72 {
        %dma_wait3A_872 = arith.constant 1 : i32
        %dma_wait3A_873 = arith.constant 0 : i32
        %dma_wait3A_874 = arith.constant 1 : i32
        %dma_wait3A_875 = arith.constant 0 : i32
        %dma_wait3A_876 = arith.constant 0 : i32
        %dma_wait3A_877 = tpu.memref_slice %arg13[%dma_wait3A_872, %dma_wait3A_875, %dma_wait3A_876] : memref<2x125x128xf32, #tpu.memory_space<vmem>> -> memref<1x125x128xf32, #tpu.memory_space<vmem>>
        %dma_wait3A_878 = tpu.memref_squeeze %dma_wait3A_877 : memref<1x125x128xf32, #tpu.memory_space<vmem>> -> memref<125x128xf32, #tpu.memory_space<vmem>>
        %dma_wait3A_879 = arith.constant 0 : i32
        %dma_wait3A_880 = tpu.memref_slice %arg12[%rem3A_48, %dma_wait3A_873, %dma_wait3A_879] : memref<2x16x125xi32, #tpu.memory_space<vmem>> -> memref<1x1x125xi32, #tpu.memory_space<vmem>>
        %dma_wait3A_881 = tpu.memref_squeeze %dma_wait3A_880 : memref<1x1x125xi32, #tpu.memory_space<vmem>> -> memref<125xi32, #tpu.memory_space<vmem>>
        %dma_wait3A_882 = arith.constant 0 : i32
        %dma_wait3A_883 = arith.constant 0 : i32
        %dma_wait3A_884 = tpu.memref_slice %arg9[%dma_wait3A_882, %dma_wait3A_883] : memref<10240x128xf32, #tpu.memory_space<vmem_shared>> -> memref<10240x128xf32, #tpu.memory_space<vmem_shared>>
        %dma_wait3A_885 = tpu.memref_slice %arg16[%dma_wait3A_874] : memref<2x!tpu.dma_semaphore, #tpu.memory_space<semaphore_mem>> -> memref<1x!tpu.dma_semaphore, #tpu.memory_space<semaphore_mem>>
        %dma_wait3A_886 = tpu.memref_squeeze %dma_wait3A_885 : memref<1x!tpu.dma_semaphore, #tpu.memory_space<semaphore_mem>> -> memref<!tpu.dma_semaphore, #tpu.memory_space<semaphore_mem>>
        tpu.wait_indirect_dma semaphore(%dma_wait3A_886 : memref<!tpu.dma_semaphore, #tpu.memory_space<semaphore_mem>>) src(%dma_wait3A_878 : memref<125x128xf32, #tpu.memory_space<vmem>>) dst(%dma_wait3A_884 : memref<10240x128xf32, #tpu.memory_space<vmem_shared>>)
        %dma_wait3A_887 = arith.constant 0 : i32
        %dma_wait3A_888 = arith.constant 0 : i32
        %dma_wait3A_889 = tpu.memref_slice %arg12[%rem3A_48, %dma_wait3A_887, %dma_wait3A_888] : memref<2x16x125xi32, #tpu.memory_space<vmem>> -> memref<1x1x125xi32, #tpu.memory_space<vmem>>
        %dma_wait3A_890 = tpu.memref_squeeze %dma_wait3A_889 : memref<1x1x125xi32, #tpu.memory_space<vmem>> -> memref<125xi32, #tpu.memory_space<vmem>>
        %dma_wait3A_891 = arith.constant 0 : i32
        %dma_wait3A_892 = tpu.memref_slice %arg10[%dma_wait3A_891] : memref<10240xf32, #tpu.memory_space<vmem_shared>> -> memref<10240xf32, #tpu.memory_space<vmem_shared>>
        tpu.wait_indirect_dma semaphore(%arg17 : memref<!tpu.dma_semaphore, #tpu.memory_space<semaphore_mem>>) src(%arg14 : memref<125xf32, #tpu.memory_space<vmem>>) dst(%dma_wait3A_892 : memref<10240xf32, #tpu.memory_space<vmem_shared>>)
      } else {
      }
      %add3A_73 = arith.constant 1 : i32
      %add3A_74 = arith.addi %scan3A_47, %add3A_73 : i32
      %lt3A = arith.constant 5 : i32
      %lt3A_75 = arith.cmpi slt, %add3A_74, %lt3A : i32
      %convert_element_type3A_76 = arith.extui %lt3A_75 : i1 to i32
      %cond3A_77 = arith.constant 0 : i32
      %cond3A_78 = arith.cmpi ne, %convert_element_type3A_76, %cond3A_77 : i32
      scf.if %cond3A_78 {
        %add3A_872 = arith.constant 1 : i32
        %add3A_873 = arith.addi %scan3A_47, %add3A_872 : i32
        %mul3A_874 = arith.constant 16 : i32
        %mul3A_875 = arith.muli %add3A_873, %mul3A_874 : i32
        %sub3A = arith.constant 1 : i32
        %sub3A_876 = arith.subi %sub3A, %rem3A_48 : i32
        %dma_start3A_877 = arith.constant 1 : i32
        %dma_start3A_878 = arith.constant 0 : i32
        %dma_start3A_879 = arith.constant 0 : i32
        %dma_start3A_880 = tpu.memref_slice %arg12[%sub3A_876, %dma_start3A_878, %dma_start3A_879] : memref<2x16x125xi32, #tpu.memory_space<vmem>> -> memref<1x16x125xi32, #tpu.memory_space<vmem>>
        %dma_start3A_881 = tpu.memref_squeeze %dma_start3A_880 : memref<1x16x125xi32, #tpu.memory_space<vmem>> -> memref<16x125xi32, #tpu.memory_space<vmem>>
        %dma_start3A_882 = arith.constant 0 : i32
        %dma_start3A_883 = tpu.memref_slice %arg3[%dma_start3A_877, %add3A, %mul3A_875, %dma_start3A_882] : memref<2x32x80x125xi32, #tpu.memory_space<hbm>> -> memref<1x1x16x125xi32, #tpu.memory_space<hbm>>
        %dma_start3A_884 = tpu.memref_squeeze %dma_start3A_883 : memref<1x1x16x125xi32, #tpu.memory_space<hbm>> -> memref<16x125xi32, #tpu.memory_space<hbm>>
        %dma_start3A_885 = arith.constant 0 : i32
        %dma_start3A_886 = arith.constant 0 : i32
        %dma_start3A_887 = tpu.memref_slice %arg12[%sub3A_876, %dma_start3A_885, %dma_start3A_886] : memref<2x16x125xi32, #tpu.memory_space<vmem>> -> memref<1x16x125xi32, #tpu.memory_space<vmem>>
        %dma_start3A_888 = tpu.memref_squeeze %dma_start3A_887 : memref<1x16x125xi32, #tpu.memory_space<vmem>> -> memref<16x125xi32, #tpu.memory_space<vmem>>
        %dma_start3A_889 = arith.constant 0 : i32
        %dma_start3A_890 = tpu.memref_slice %arg3[%dma_start3A_877, %add3A, %mul3A_875, %dma_start3A_889] : memref<2x32x80x125xi32, #tpu.memory_space<hbm>> -> memref<1x1x16x125xi32, #tpu.memory_space<hbm>>
        %dma_start3A_891 = tpu.memref_squeeze %dma_start3A_890 : memref<1x1x16x125xi32, #tpu.memory_space<hbm>> -> memref<16x125xi32, #tpu.memory_space<hbm>>
        tpu.enqueue_dma source(%dma_start3A_891 : memref<16x125xi32, #tpu.memory_space<hbm>>) target(%dma_start3A_888 : memref<16x125xi32, #tpu.memory_space<vmem>>) target_semaphore(%arg18 : memref<!tpu.dma_semaphore, #tpu.memory_space<semaphore_mem>>)
      } else {
      }
      %add3A_79 = arith.constant 1 : i32
      %add3A_80 = arith.addi %add3A_54, %add3A_79 : i32
      %lt3A_81 = arith.constant 80 : i32
      %lt3A_82 = arith.cmpi slt, %add3A_80, %lt3A_81 : i32
      %convert_element_type3A_83 = arith.extui %lt3A_82 : i1 to i32
      %cond3A_84 = arith.constant 0 : i32
      %cond3A_85 = arith.cmpi ne, %convert_element_type3A_83, %cond3A_84 : i32
      scf.if %cond3A_85 {
        %add3A_872 = arith.constant 1 : i32
        %add3A_873 = arith.addi %add3A_54, %add3A_872 : i32
        %dma_start3A_874 = arith.constant 1 : i32
        %dma_start3A_875 = arith.constant 1 : i32
        %dma_start3A_876 = arith.constant 0 : i32
        %dma_start3A_877 = arith.constant 0 : i32
        %dma_start3A_878 = tpu.memref_slice %arg13[%dma_start3A_874, %dma_start3A_876, %dma_start3A_877] : memref<2x125x128xf32, #tpu.memory_space<vmem>> -> memref<1x125x128xf32, #tpu.memory_space<vmem>>
        %dma_start3A_879 = tpu.memref_squeeze %dma_start3A_878 : memref<1x125x128xf32, #tpu.memory_space<vmem>> -> memref<125x128xf32, #tpu.memory_space<vmem>>
        %dma_start3A_880 = arith.constant 0 : i32
        %dma_start3A_881 = tpu.memref_slice %arg11[%add3A_873, %dma_start3A_880] : memref<80x125xi32, #tpu.memory_space<vmem>> -> memref<1x125xi32, #tpu.memory_space<vmem>>
        %dma_start3A_882 = tpu.memref_squeeze %dma_start3A_881 : memref<1x125xi32, #tpu.memory_space<vmem>> -> memref<125xi32, #tpu.memory_space<vmem>>
        %dma_start3A_883 = arith.constant 0 : i32
        %dma_start3A_884 = arith.constant 0 : i32
        %dma_start3A_885 = tpu.memref_slice %arg2[%dma_start3A_883, %dma_start3A_884] : memref<10000x128xf32, #tpu.memory_space<hbm>> -> memref<10000x128xf32, #tpu.memory_space<hbm>>
        %dma_start3A_886 = tpu.memref_slice %arg15[%dma_start3A_875] : memref<2x!tpu.dma_semaphore, #tpu.memory_space<semaphore_mem>> -> memref<1x!tpu.dma_semaphore, #tpu.memory_space<semaphore_mem>>
        %dma_start3A_887 = tpu.memref_squeeze %dma_start3A_886 : memref<1x!tpu.dma_semaphore, #tpu.memory_space<semaphore_mem>> -> memref<!tpu.dma_semaphore, #tpu.memory_space<semaphore_mem>>
        tpu.enqueue_indirect_dma source(%dma_start3A_885 : memref<10000x128xf32, #tpu.memory_space<hbm>>) target(%dma_start3A_879 : memref<125x128xf32, #tpu.memory_space<vmem>>) offsets(%dma_start3A_882 : memref<125xi32, #tpu.memory_space<vmem>>) semaphore(%dma_start3A_887 : memref<!tpu.dma_semaphore, #tpu.memory_space<semaphore_mem>>)
      } else {
      }
      %dma_start3A_86 = arith.constant 0 : i32
      %dma_start3A_87 = arith.constant 0 : i32
      %dma_start3A_88 = arith.constant 0 : i32
      %dma_start3A_89 = arith.constant 0 : i32
      %dma_start3A_90 = arith.constant 0 : i32
      %dma_start3A_91 = tpu.memref_slice %arg13[%dma_start3A_86, %dma_start3A_89, %dma_start3A_90] : memref<2x125x128xf32, #tpu.memory_space<vmem>> -> memref<1x125x128xf32, #tpu.memory_space<vmem>>
      %dma_start3A_92 = tpu.memref_squeeze %dma_start3A_91 : memref<1x125x128xf32, #tpu.memory_space<vmem>> -> memref<125x128xf32, #tpu.memory_space<vmem>>
      %dma_start3A_93 = arith.constant 0 : i32
      %dma_start3A_94 = tpu.memref_slice %arg12[%rem3A_48, %dma_start3A_87, %dma_start3A_93] : memref<2x16x125xi32, #tpu.memory_space<vmem>> -> memref<1x1x125xi32, #tpu.memory_space<vmem>>
      %dma_start3A_95 = tpu.memref_squeeze %dma_start3A_94 : memref<1x1x125xi32, #tpu.memory_space<vmem>> -> memref<125xi32, #tpu.memory_space<vmem>>
      %dma_start3A_96 = arith.constant 0 : i32
      %dma_start3A_97 = arith.constant 0 : i32
      %dma_start3A_98 = tpu.memref_slice %arg9[%dma_start3A_96, %dma_start3A_97] : memref<10240x128xf32, #tpu.memory_space<vmem_shared>> -> memref<10240x128xf32, #tpu.memory_space<vmem_shared>>
      %dma_start3A_99 = tpu.memref_slice %arg16[%dma_start3A_88] : memref<2x!tpu.dma_semaphore, #tpu.memory_space<semaphore_mem>> -> memref<1x!tpu.dma_semaphore, #tpu.memory_space<semaphore_mem>>
      %dma_start3A_100 = tpu.memref_squeeze %dma_start3A_99 : memref<1x!tpu.dma_semaphore, #tpu.memory_space<semaphore_mem>> -> memref<!tpu.dma_semaphore, #tpu.memory_space<semaphore_mem>>
      tpu.enqueue_indirect_dma source(%dma_start3A_92 : memref<125x128xf32, #tpu.memory_space<vmem>>) target(%dma_start3A_98 : memref<10240x128xf32, #tpu.memory_space<vmem_shared>>) offsets(%dma_start3A_95 : memref<125xi32, #tpu.memory_space<vmem>>) semaphore(%dma_start3A_100 : memref<!tpu.dma_semaphore, #tpu.memory_space<semaphore_mem>>) {add = true}
      %dma_start3A_101 = arith.constant 0 : i32
      %dma_start3A_102 = arith.constant 0 : i32
      %dma_start3A_103 = tpu.memref_slice %arg12[%rem3A_48, %dma_start3A_101, %dma_start3A_102] : memref<2x16x125xi32, #tpu.memory_space<vmem>> -> memref<1x1x125xi32, #tpu.memory_space<vmem>>
      %dma_start3A_104 = tpu.memref_squeeze %dma_start3A_103 : memref<1x1x125xi32, #tpu.memory_space<vmem>> -> memref<125xi32, #tpu.memory_space<vmem>>
      %dma_start3A_105 = arith.constant 0 : i32
      %dma_start3A_106 = tpu.memref_slice %arg10[%dma_start3A_105] : memref<10240xf32, #tpu.memory_space<vmem_shared>> -> memref<10240xf32, #tpu.memory_space<vmem_shared>>
      tpu.enqueue_indirect_dma source(%arg14 : memref<125xf32, #tpu.memory_space<vmem>>) target(%dma_start3A_106 : memref<10240xf32, #tpu.memory_space<vmem_shared>>) offsets(%dma_start3A_104 : memref<125xi32, #tpu.memory_space<vmem>>) semaphore(%arg17 : memref<!tpu.dma_semaphore, #tpu.memory_space<semaphore_mem>>) {add = true}
      %mul3A_107 = arith.constant 16 : i32
      %mul3A_108 = arith.muli %scan3A_47, %mul3A_107 : i32
      %add3A_109 = arith.constant 1 : i32
      %add3A_110 = arith.addi %mul3A_108, %add3A_109 : i32
      %dma_wait3A_111 = arith.constant 1 : i32
      %dma_wait3A_112 = arith.constant 1 : i32
      %dma_wait3A_113 = arith.constant 0 : i32
      %dma_wait3A_114 = arith.constant 0 : i32
      %dma_wait3A_115 = tpu.memref_slice %arg13[%dma_wait3A_111, %dma_wait3A_113, %dma_wait3A_114] : memref<2x125x128xf32, #tpu.memory_space<vmem>> -> memref<1x125x128xf32, #tpu.memory_space<vmem>>
      %dma_wait3A_116 = tpu.memref_squeeze %dma_wait3A_115 : memref<1x125x128xf32, #tpu.memory_space<vmem>> -> memref<125x128xf32, #tpu.memory_space<vmem>>
      %dma_wait3A_117 = arith.constant 0 : i32
      %dma_wait3A_118 = tpu.memref_slice %arg11[%add3A_110, %dma_wait3A_117] : memref<80x125xi32, #tpu.memory_space<vmem>> -> memref<1x125xi32, #tpu.memory_space<vmem>>
      %dma_wait3A_119 = tpu.memref_squeeze %dma_wait3A_118 : memref<1x125xi32, #tpu.memory_space<vmem>> -> memref<125xi32, #tpu.memory_space<vmem>>
      %dma_wait3A_120 = arith.constant 0 : i32
      %dma_wait3A_121 = arith.constant 0 : i32
      %dma_wait3A_122 = tpu.memref_slice %arg2[%dma_wait3A_120, %dma_wait3A_121] : memref<10000x128xf32, #tpu.memory_space<hbm>> -> memref<10000x128xf32, #tpu.memory_space<hbm>>
      %dma_wait3A_123 = tpu.memref_slice %arg15[%dma_wait3A_112] : memref<2x!tpu.dma_semaphore, #tpu.memory_space<semaphore_mem>> -> memref<1x!tpu.dma_semaphore, #tpu.memory_space<semaphore_mem>>
      %dma_wait3A_124 = tpu.memref_squeeze %dma_wait3A_123 : memref<1x!tpu.dma_semaphore, #tpu.memory_space<semaphore_mem>> -> memref<!tpu.dma_semaphore, #tpu.memory_space<semaphore_mem>>
      tpu.wait_indirect_dma semaphore(%dma_wait3A_124 : memref<!tpu.dma_semaphore, #tpu.memory_space<semaphore_mem>>) src(%dma_wait3A_122 : memref<10000x128xf32, #tpu.memory_space<hbm>>) dst(%dma_wait3A_116 : memref<125x128xf32, #tpu.memory_space<vmem>>)
      %ge3A_125 = arith.constant 1 : i32
      %ge3A_126 = arith.cmpi sge, %add3A_110, %ge3A_125 : i32
      %convert_element_type3A_127 = arith.extui %ge3A_126 : i1 to i32
      %cond3A_128 = arith.constant 0 : i32
      %cond3A_129 = arith.cmpi ne, %convert_element_type3A_127, %cond3A_128 : i32
      scf.if %cond3A_129 {
        %dma_wait3A_872 = arith.constant 0 : i32
        %dma_wait3A_873 = arith.constant 1 : i32
        %dma_wait3A_874 = arith.constant 0 : i32
        %dma_wait3A_875 = arith.constant 0 : i32
        %dma_wait3A_876 = arith.constant 0 : i32
        %dma_wait3A_877 = tpu.memref_slice %arg13[%dma_wait3A_872, %dma_wait3A_875, %dma_wait3A_876] : memref<2x125x128xf32, #tpu.memory_space<vmem>> -> memref<1x125x128xf32, #tpu.memory_space<vmem>>
        %dma_wait3A_878 = tpu.memref_squeeze %dma_wait3A_877 : memref<1x125x128xf32, #tpu.memory_space<vmem>> -> memref<125x128xf32, #tpu.memory_space<vmem>>
        %dma_wait3A_879 = arith.constant 0 : i32
        %dma_wait3A_880 = tpu.memref_slice %arg12[%rem3A_48, %dma_wait3A_873, %dma_wait3A_879] : memref<2x16x125xi32, #tpu.memory_space<vmem>> -> memref<1x1x125xi32, #tpu.memory_space<vmem>>
        %dma_wait3A_881 = tpu.memref_squeeze %dma_wait3A_880 : memref<1x1x125xi32, #tpu.memory_space<vmem>> -> memref<125xi32, #tpu.memory_space<vmem>>
        %dma_wait3A_882 = arith.constant 0 : i32
        %dma_wait3A_883 = arith.constant 0 : i32
        %dma_wait3A_884 = tpu.memref_slice %arg9[%dma_wait3A_882, %dma_wait3A_883] : memref<10240x128xf32, #tpu.memory_space<vmem_shared>> -> memref<10240x128xf32, #tpu.memory_space<vmem_shared>>
        %dma_wait3A_885 = tpu.memref_slice %arg16[%dma_wait3A_874] : memref<2x!tpu.dma_semaphore, #tpu.memory_space<semaphore_mem>> -> memref<1x!tpu.dma_semaphore, #tpu.memory_space<semaphore_mem>>
        %dma_wait3A_886 = tpu.memref_squeeze %dma_wait3A_885 : memref<1x!tpu.dma_semaphore, #tpu.memory_space<semaphore_mem>> -> memref<!tpu.dma_semaphore, #tpu.memory_space<semaphore_mem>>
        tpu.wait_indirect_dma semaphore(%dma_wait3A_886 : memref<!tpu.dma_semaphore, #tpu.memory_space<semaphore_mem>>) src(%dma_wait3A_878 : memref<125x128xf32, #tpu.memory_space<vmem>>) dst(%dma_wait3A_884 : memref<10240x128xf32, #tpu.memory_space<vmem_shared>>)
        %dma_wait3A_887 = arith.constant 1 : i32
        %dma_wait3A_888 = arith.constant 0 : i32
        %dma_wait3A_889 = tpu.memref_slice %arg12[%rem3A_48, %dma_wait3A_887, %dma_wait3A_888] : memref<2x16x125xi32, #tpu.memory_space<vmem>> -> memref<1x1x125xi32, #tpu.memory_space<vmem>>
        %dma_wait3A_890 = tpu.memref_squeeze %dma_wait3A_889 : memref<1x1x125xi32, #tpu.memory_space<vmem>> -> memref<125xi32, #tpu.memory_space<vmem>>
        %dma_wait3A_891 = arith.constant 0 : i32
        %dma_wait3A_892 = tpu.memref_slice %arg10[%dma_wait3A_891] : memref<10240xf32, #tpu.memory_space<vmem_shared>> -> memref<10240xf32, #tpu.memory_space<vmem_shared>>
        tpu.wait_indirect_dma semaphore(%arg17 : memref<!tpu.dma_semaphore, #tpu.memory_space<semaphore_mem>>) src(%arg14 : memref<125xf32, #tpu.memory_space<vmem>>) dst(%dma_wait3A_892 : memref<10240xf32, #tpu.memory_space<vmem_shared>>)
      } else {
      }
      %add3A_130 = arith.constant 1 : i32
      %add3A_131 = arith.addi %add3A_110, %add3A_130 : i32
      %lt3A_132 = arith.constant 80 : i32
      %lt3A_133 = arith.cmpi slt, %add3A_131, %lt3A_132 : i32
      %convert_element_type3A_134 = arith.extui %lt3A_133 : i1 to i32
      %cond3A_135 = arith.constant 0 : i32
      %cond3A_136 = arith.cmpi ne, %convert_element_type3A_134, %cond3A_135 : i32
      scf.if %cond3A_136 {
        %add3A_872 = arith.constant 1 : i32
        %add3A_873 = arith.addi %add3A_110, %add3A_872 : i32
        %dma_start3A_874 = arith.constant 0 : i32
        %dma_start3A_875 = arith.constant 0 : i32
        %dma_start3A_876 = arith.constant 0 : i32
        %dma_start3A_877 = arith.constant 0 : i32
        %dma_start3A_878 = tpu.memref_slice %arg13[%dma_start3A_874, %dma_start3A_876, %dma_start3A_877] : memref<2x125x128xf32, #tpu.memory_space<vmem>> -> memref<1x125x128xf32, #tpu.memory_space<vmem>>
        %dma_start3A_879 = tpu.memref_squeeze %dma_start3A_878 : memref<1x125x128xf32, #tpu.memory_space<vmem>> -> memref<125x128xf32, #tpu.memory_space<vmem>>
        %dma_start3A_880 = arith.constant 0 : i32
        %dma_start3A_881 = tpu.memref_slice %arg11[%add3A_873, %dma_start3A_880] : memref<80x125xi32, #tpu.memory_space<vmem>> -> memref<1x125xi32, #tpu.memory_space<vmem>>
        %dma_start3A_882 = tpu.memref_squeeze %dma_start3A_881 : memref<1x125xi32, #tpu.memory_space<vmem>> -> memref<125xi32, #tpu.memory_space<vmem>>
        %dma_start3A_883 = arith.constant 0 : i32
        %dma_start3A_884 = arith.constant 0 : i32
        %dma_start3A_885 = tpu.memref_slice %arg2[%dma_start3A_883, %dma_start3A_884] : memref<10000x128xf32, #tpu.memory_space<hbm>> -> memref<10000x128xf32, #tpu.memory_space<hbm>>
        %dma_start3A_886 = tpu.memref_slice %arg15[%dma_start3A_875] : memref<2x!tpu.dma_semaphore, #tpu.memory_space<semaphore_mem>> -> memref<1x!tpu.dma_semaphore, #tpu.memory_space<semaphore_mem>>
        %dma_start3A_887 = tpu.memref_squeeze %dma_start3A_886 : memref<1x!tpu.dma_semaphore, #tpu.memory_space<semaphore_mem>> -> memref<!tpu.dma_semaphore, #tpu.memory_space<semaphore_mem>>
        tpu.enqueue_indirect_dma source(%dma_start3A_885 : memref<10000x128xf32, #tpu.memory_space<hbm>>) target(%dma_start3A_879 : memref<125x128xf32, #tpu.memory_space<vmem>>) offsets(%dma_start3A_882 : memref<125xi32, #tpu.memory_space<vmem>>) semaphore(%dma_start3A_887 : memref<!tpu.dma_semaphore, #tpu.memory_space<semaphore_mem>>)
      } else {
      }
      %dma_start3A_137 = arith.constant 1 : i32
      %dma_start3A_138 = arith.constant 1 : i32
      %dma_start3A_139 = arith.constant 1 : i32
      %dma_start3A_140 = arith.constant 0 : i32
      %dma_start3A_141 = arith.constant 0 : i32
      %dma_start3A_142 = tpu.memref_slice %arg13[%dma_start3A_137, %dma_start3A_140, %dma_start3A_141] : memref<2x125x128xf32, #tpu.memory_space<vmem>> -> memref<1x125x128xf32, #tpu.memory_space<vmem>>
      %dma_start3A_143 = tpu.memref_squeeze %dma_start3A_142 : memref<1x125x128xf32, #tpu.memory_space<vmem>> -> memref<125x128xf32, #tpu.memory_space<vmem>>
      %dma_start3A_144 = arith.constant 0 : i32
      %dma_start3A_145 = tpu.memref_slice %arg12[%rem3A_48, %dma_start3A_138, %dma_start3A_144] : memref<2x16x125xi32, #tpu.memory_space<vmem>> -> memref<1x1x125xi32, #tpu.memory_space<vmem>>
      %dma_start3A_146 = tpu.memref_squeeze %dma_start3A_145 : memref<1x1x125xi32, #tpu.memory_space<vmem>> -> memref<125xi32, #tpu.memory_space<vmem>>
      %dma_start3A_147 = arith.constant 0 : i32
      %dma_start3A_148 = arith.constant 0 : i32
      %dma_start3A_149 = tpu.memref_slice %arg9[%dma_start3A_147, %dma_start3A_148] : memref<10240x128xf32, #tpu.memory_space<vmem_shared>> -> memref<10240x128xf32, #tpu.memory_space<vmem_shared>>
      %dma_start3A_150 = tpu.memref_slice %arg16[%dma_start3A_139] : memref<2x!tpu.dma_semaphore, #tpu.memory_space<semaphore_mem>> -> memref<1x!tpu.dma_semaphore, #tpu.memory_space<semaphore_mem>>
      %dma_start3A_151 = tpu.memref_squeeze %dma_start3A_150 : memref<1x!tpu.dma_semaphore, #tpu.memory_space<semaphore_mem>> -> memref<!tpu.dma_semaphore, #tpu.memory_space<semaphore_mem>>
      tpu.enqueue_indirect_dma source(%dma_start3A_143 : memref<125x128xf32, #tpu.memory_space<vmem>>) target(%dma_start3A_149 : memref<10240x128xf32, #tpu.memory_space<vmem_shared>>) offsets(%dma_start3A_146 : memref<125xi32, #tpu.memory_space<vmem>>) semaphore(%dma_start3A_151 : memref<!tpu.dma_semaphore, #tpu.memory_space<semaphore_mem>>) {add = true}
      %dma_start3A_152 = arith.constant 1 : i32
      %dma_start3A_153 = arith.constant 0 : i32
      %dma_start3A_154 = tpu.memref_slice %arg12[%rem3A_48, %dma_start3A_152, %dma_start3A_153] : memref<2x16x125xi32, #tpu.memory_space<vmem>> -> memref<1x1x125xi32, #tpu.memory_space<vmem>>
      %dma_start3A_155 = tpu.memref_squeeze %dma_start3A_154 : memref<1x1x125xi32, #tpu.memory_space<vmem>> -> memref<125xi32, #tpu.memory_space<vmem>>
      %dma_start3A_156 = arith.constant 0 : i32
      %dma_start3A_157 = tpu.memref_slice %arg10[%dma_start3A_156] : memref<10240xf32, #tpu.memory_space<vmem_shared>> -> memref<10240xf32, #tpu.memory_space<vmem_shared>>
      tpu.enqueue_indirect_dma source(%arg14 : memref<125xf32, #tpu.memory_space<vmem>>) target(%dma_start3A_157 : memref<10240xf32, #tpu.memory_space<vmem_shared>>) offsets(%dma_start3A_155 : memref<125xi32, #tpu.memory_space<vmem>>) semaphore(%arg17 : memref<!tpu.dma_semaphore, #tpu.memory_space<semaphore_mem>>) {add = true}
      %mul3A_158 = arith.constant 16 : i32
      %mul3A_159 = arith.muli %scan3A_47, %mul3A_158 : i32
      %add3A_160 = arith.constant 2 : i32
      %add3A_161 = arith.addi %mul3A_159, %add3A_160 : i32
      %dma_wait3A_162 = arith.constant 0 : i32
      %dma_wait3A_163 = arith.constant 0 : i32
      %dma_wait3A_164 = arith.constant 0 : i32
      %dma_wait3A_165 = arith.constant 0 : i32
      %dma_wait3A_166 = tpu.memref_slice %arg13[%dma_wait3A_162, %dma_wait3A_164, %dma_wait3A_165] : memref<2x125x128xf32, #tpu.memory_space<vmem>> -> memref<1x125x128xf32, #tpu.memory_space<vmem>>
      %dma_wait3A_167 = tpu.memref_squeeze %dma_wait3A_166 : memref<1x125x128xf32, #tpu.memory_space<vmem>> -> memref<125x128xf32, #tpu.memory_space<vmem>>
      %dma_wait3A_168 = arith.constant 0 : i32
      %dma_wait3A_169 = tpu.memref_slice %arg11[%add3A_161, %dma_wait3A_168] : memref<80x125xi32, #tpu.memory_space<vmem>> -> memref<1x125xi32, #tpu.memory_space<vmem>>
      %dma_wait3A_170 = tpu.memref_squeeze %dma_wait3A_169 : memref<1x125xi32, #tpu.memory_space<vmem>> -> memref<125xi32, #tpu.memory_space<vmem>>
      %dma_wait3A_171 = arith.constant 0 : i32
      %dma_wait3A_172 = arith.constant 0 : i32
      %dma_wait3A_173 = tpu.memref_slice %arg2[%dma_wait3A_171, %dma_wait3A_172] : memref<10000x128xf32, #tpu.memory_space<hbm>> -> memref<10000x128xf32, #tpu.memory_space<hbm>>
      %dma_wait3A_174 = tpu.memref_slice %arg15[%dma_wait3A_163] : memref<2x!tpu.dma_semaphore, #tpu.memory_space<semaphore_mem>> -> memref<1x!tpu.dma_semaphore, #tpu.memory_space<semaphore_mem>>
      %dma_wait3A_175 = tpu.memref_squeeze %dma_wait3A_174 : memref<1x!tpu.dma_semaphore, #tpu.memory_space<semaphore_mem>> -> memref<!tpu.dma_semaphore, #tpu.memory_space<semaphore_mem>>
      tpu.wait_indirect_dma semaphore(%dma_wait3A_175 : memref<!tpu.dma_semaphore, #tpu.memory_space<semaphore_mem>>) src(%dma_wait3A_173 : memref<10000x128xf32, #tpu.memory_space<hbm>>) dst(%dma_wait3A_167 : memref<125x128xf32, #tpu.memory_space<vmem>>)
      %ge3A_176 = arith.constant 1 : i32
      %ge3A_177 = arith.cmpi sge, %add3A_161, %ge3A_176 : i32
      %convert_element_type3A_178 = arith.extui %ge3A_177 : i1 to i32
      %cond3A_179 = arith.constant 0 : i32
      %cond3A_180 = arith.cmpi ne, %convert_element_type3A_178, %cond3A_179 : i32
      scf.if %cond3A_180 {
        %dma_wait3A_872 = arith.constant 1 : i32
        %dma_wait3A_873 = arith.constant 2 : i32
        %dma_wait3A_874 = arith.constant 1 : i32
        %dma_wait3A_875 = arith.constant 0 : i32
        %dma_wait3A_876 = arith.constant 0 : i32
        %dma_wait3A_877 = tpu.memref_slice %arg13[%dma_wait3A_872, %dma_wait3A_875, %dma_wait3A_876] : memref<2x125x128xf32, #tpu.memory_space<vmem>> -> memref<1x125x128xf32, #tpu.memory_space<vmem>>
        %dma_wait3A_878 = tpu.memref_squeeze %dma_wait3A_877 : memref<1x125x128xf32, #tpu.memory_space<vmem>> -> memref<125x128xf32, #tpu.memory_space<vmem>>
        %dma_wait3A_879 = arith.constant 0 : i32
        %dma_wait3A_880 = tpu.memref_slice %arg12[%rem3A_48, %dma_wait3A_873, %dma_wait3A_879] : memref<2x16x125xi32, #tpu.memory_space<vmem>> -> memref<1x1x125xi32, #tpu.memory_space<vmem>>
        %dma_wait3A_881 = tpu.memref_squeeze %dma_wait3A_880 : memref<1x1x125xi32, #tpu.memory_space<vmem>> -> memref<125xi32, #tpu.memory_space<vmem>>
        %dma_wait3A_882 = arith.constant 0 : i32
        %dma_wait3A_883 = arith.constant 0 : i32
        %dma_wait3A_884 = tpu.memref_slice %arg9[%dma_wait3A_882, %dma_wait3A_883] : memref<10240x128xf32, #tpu.memory_space<vmem_shared>> -> memref<10240x128xf32, #tpu.memory_space<vmem_shared>>
        %dma_wait3A_885 = tpu.memref_slice %arg16[%dma_wait3A_874] : memref<2x!tpu.dma_semaphore, #tpu.memory_space<semaphore_mem>> -> memref<1x!tpu.dma_semaphore, #tpu.memory_space<semaphore_mem>>
        %dma_wait3A_886 = tpu.memref_squeeze %dma_wait3A_885 : memref<1x!tpu.dma_semaphore, #tpu.memory_space<semaphore_mem>> -> memref<!tpu.dma_semaphore, #tpu.memory_space<semaphore_mem>>
        tpu.wait_indirect_dma semaphore(%dma_wait3A_886 : memref<!tpu.dma_semaphore, #tpu.memory_space<semaphore_mem>>) src(%dma_wait3A_878 : memref<125x128xf32, #tpu.memory_space<vmem>>) dst(%dma_wait3A_884 : memref<10240x128xf32, #tpu.memory_space<vmem_shared>>)
        %dma_wait3A_887 = arith.constant 2 : i32
        %dma_wait3A_888 = arith.constant 0 : i32
        %dma_wait3A_889 = tpu.memref_slice %arg12[%rem3A_48, %dma_wait3A_887, %dma_wait3A_888] : memref<2x16x125xi32, #tpu.memory_space<vmem>> -> memref<1x1x125xi32, #tpu.memory_space<vmem>>
        %dma_wait3A_890 = tpu.memref_squeeze %dma_wait3A_889 : memref<1x1x125xi32, #tpu.memory_space<vmem>> -> memref<125xi32, #tpu.memory_space<vmem>>
        %dma_wait3A_891 = arith.constant 0 : i32
        %dma_wait3A_892 = tpu.memref_slice %arg10[%dma_wait3A_891] : memref<10240xf32, #tpu.memory_space<vmem_shared>> -> memref<10240xf32, #tpu.memory_space<vmem_shared>>
        tpu.wait_indirect_dma semaphore(%arg17 : memref<!tpu.dma_semaphore, #tpu.memory_space<semaphore_mem>>) src(%arg14 : memref<125xf32, #tpu.memory_space<vmem>>) dst(%dma_wait3A_892 : memref<10240xf32, #tpu.memory_space<vmem_shared>>)
      } else {
      }
      %add3A_181 = arith.constant 1 : i32
      %add3A_182 = arith.addi %add3A_161, %add3A_181 : i32
      %lt3A_183 = arith.constant 80 : i32
      %lt3A_184 = arith.cmpi slt, %add3A_182, %lt3A_183 : i32
      %convert_element_type3A_185 = arith.extui %lt3A_184 : i1 to i32
      %cond3A_186 = arith.constant 0 : i32
      %cond3A_187 = arith.cmpi ne, %convert_element_type3A_185, %cond3A_186 : i32
      scf.if %cond3A_187 {
        %add3A_872 = arith.constant 1 : i32
        %add3A_873 = arith.addi %add3A_161, %add3A_872 : i32
        %dma_start3A_874 = arith.constant 1 : i32
        %dma_start3A_875 = arith.constant 1 : i32
        %dma_start3A_876 = arith.constant 0 : i32
        %dma_start3A_877 = arith.constant 0 : i32
        %dma_start3A_878 = tpu.memref_slice %arg13[%dma_start3A_874, %dma_start3A_876, %dma_start3A_877] : memref<2x125x128xf32, #tpu.memory_space<vmem>> -> memref<1x125x128xf32, #tpu.memory_space<vmem>>
        %dma_start3A_879 = tpu.memref_squeeze %dma_start3A_878 : memref<1x125x128xf32, #tpu.memory_space<vmem>> -> memref<125x128xf32, #tpu.memory_space<vmem>>
        %dma_start3A_880 = arith.constant 0 : i32
        %dma_start3A_881 = tpu.memref_slice %arg11[%add3A_873, %dma_start3A_880] : memref<80x125xi32, #tpu.memory_space<vmem>> -> memref<1x125xi32, #tpu.memory_space<vmem>>
        %dma_start3A_882 = tpu.memref_squeeze %dma_start3A_881 : memref<1x125xi32, #tpu.memory_space<vmem>> -> memref<125xi32, #tpu.memory_space<vmem>>
        %dma_start3A_883 = arith.constant 0 : i32
        %dma_start3A_884 = arith.constant 0 : i32
        %dma_start3A_885 = tpu.memref_slice %arg2[%dma_start3A_883, %dma_start3A_884] : memref<10000x128xf32, #tpu.memory_space<hbm>> -> memref<10000x128xf32, #tpu.memory_space<hbm>>
        %dma_start3A_886 = tpu.memref_slice %arg15[%dma_start3A_875] : memref<2x!tpu.dma_semaphore, #tpu.memory_space<semaphore_mem>> -> memref<1x!tpu.dma_semaphore, #tpu.memory_space<semaphore_mem>>
        %dma_start3A_887 = tpu.memref_squeeze %dma_start3A_886 : memref<1x!tpu.dma_semaphore, #tpu.memory_space<semaphore_mem>> -> memref<!tpu.dma_semaphore, #tpu.memory_space<semaphore_mem>>
        tpu.enqueue_indirect_dma source(%dma_start3A_885 : memref<10000x128xf32, #tpu.memory_space<hbm>>) target(%dma_start3A_879 : memref<125x128xf32, #tpu.memory_space<vmem>>) offsets(%dma_start3A_882 : memref<125xi32, #tpu.memory_space<vmem>>) semaphore(%dma_start3A_887 : memref<!tpu.dma_semaphore, #tpu.memory_space<semaphore_mem>>)
      } else {
      }
      %dma_start3A_188 = arith.constant 0 : i32
      %dma_start3A_189 = arith.constant 2 : i32
      %dma_start3A_190 = arith.constant 0 : i32
      %dma_start3A_191 = arith.constant 0 : i32
      %dma_start3A_192 = arith.constant 0 : i32
      %dma_start3A_193 = tpu.memref_slice %arg13[%dma_start3A_188, %dma_start3A_191, %dma_start3A_192] : memref<2x125x128xf32, #tpu.memory_space<vmem>> -> memref<1x125x128xf32, #tpu.memory_space<vmem>>
      %dma_start3A_194 = tpu.memref_squeeze %dma_start3A_193 : memref<1x125x128xf32, #tpu.memory_space<vmem>> -> memref<125x128xf32, #tpu.memory_space<vmem>>
      %dma_start3A_195 = arith.constant 0 : i32
      %dma_start3A_196 = tpu.memref_slice %arg12[%rem3A_48, %dma_start3A_189, %dma_start3A_195] : memref<2x16x125xi32, #tpu.memory_space<vmem>> -> memref<1x1x125xi32, #tpu.memory_space<vmem>>
      %dma_start3A_197 = tpu.memref_squeeze %dma_start3A_196 : memref<1x1x125xi32, #tpu.memory_space<vmem>> -> memref<125xi32, #tpu.memory_space<vmem>>
      %dma_start3A_198 = arith.constant 0 : i32
      %dma_start3A_199 = arith.constant 0 : i32
      %dma_start3A_200 = tpu.memref_slice %arg9[%dma_start3A_198, %dma_start3A_199] : memref<10240x128xf32, #tpu.memory_space<vmem_shared>> -> memref<10240x128xf32, #tpu.memory_space<vmem_shared>>
      %dma_start3A_201 = tpu.memref_slice %arg16[%dma_start3A_190] : memref<2x!tpu.dma_semaphore, #tpu.memory_space<semaphore_mem>> -> memref<1x!tpu.dma_semaphore, #tpu.memory_space<semaphore_mem>>
      %dma_start3A_202 = tpu.memref_squeeze %dma_start3A_201 : memref<1x!tpu.dma_semaphore, #tpu.memory_space<semaphore_mem>> -> memref<!tpu.dma_semaphore, #tpu.memory_space<semaphore_mem>>
      tpu.enqueue_indirect_dma source(%dma_start3A_194 : memref<125x128xf32, #tpu.memory_space<vmem>>) target(%dma_start3A_200 : memref<10240x128xf32, #tpu.memory_space<vmem_shared>>) offsets(%dma_start3A_197 : memref<125xi32, #tpu.memory_space<vmem>>) semaphore(%dma_start3A_202 : memref<!tpu.dma_semaphore, #tpu.memory_space<semaphore_mem>>) {add = true}
      %dma_start3A_203 = arith.constant 2 : i32
      %dma_start3A_204 = arith.constant 0 : i32
      %dma_start3A_205 = tpu.memref_slice %arg12[%rem3A_48, %dma_start3A_203, %dma_start3A_204] : memref<2x16x125xi32, #tpu.memory_space<vmem>> -> memref<1x1x125xi32, #tpu.memory_space<vmem>>
      %dma_start3A_206 = tpu.memref_squeeze %dma_start3A_205 : memref<1x1x125xi32, #tpu.memory_space<vmem>> -> memref<125xi32, #tpu.memory_space<vmem>>
      %dma_start3A_207 = arith.constant 0 : i32
      %dma_start3A_208 = tpu.memref_slice %arg10[%dma_start3A_207] : memref<10240xf32, #tpu.memory_space<vmem_shared>> -> memref<10240xf32, #tpu.memory_space<vmem_shared>>
      tpu.enqueue_indirect_dma source(%arg14 : memref<125xf32, #tpu.memory_space<vmem>>) target(%dma_start3A_208 : memref<10240xf32, #tpu.memory_space<vmem_shared>>) offsets(%dma_start3A_206 : memref<125xi32, #tpu.memory_space<vmem>>) semaphore(%arg17 : memref<!tpu.dma_semaphore, #tpu.memory_space<semaphore_mem>>) {add = true}
      %mul3A_209 = arith.constant 16 : i32
      %mul3A_210 = arith.muli %scan3A_47, %mul3A_209 : i32
      %add3A_211 = arith.constant 3 : i32
      %add3A_212 = arith.addi %mul3A_210, %add3A_211 : i32
      %dma_wait3A_213 = arith.constant 1 : i32
      %dma_wait3A_214 = arith.constant 1 : i32
      %dma_wait3A_215 = arith.constant 0 : i32
      %dma_wait3A_216 = arith.constant 0 : i32
      %dma_wait3A_217 = tpu.memref_slice %arg13[%dma_wait3A_213, %dma_wait3A_215, %dma_wait3A_216] : memref<2x125x128xf32, #tpu.memory_space<vmem>> -> memref<1x125x128xf32, #tpu.memory_space<vmem>>
      %dma_wait3A_218 = tpu.memref_squeeze %dma_wait3A_217 : memref<1x125x128xf32, #tpu.memory_space<vmem>> -> memref<125x128xf32, #tpu.memory_space<vmem>>
      %dma_wait3A_219 = arith.constant 0 : i32
      %dma_wait3A_220 = tpu.memref_slice %arg11[%add3A_212, %dma_wait3A_219] : memref<80x125xi32, #tpu.memory_space<vmem>> -> memref<1x125xi32, #tpu.memory_space<vmem>>
      %dma_wait3A_221 = tpu.memref_squeeze %dma_wait3A_220 : memref<1x125xi32, #tpu.memory_space<vmem>> -> memref<125xi32, #tpu.memory_space<vmem>>
      %dma_wait3A_222 = arith.constant 0 : i32
      %dma_wait3A_223 = arith.constant 0 : i32
      %dma_wait3A_224 = tpu.memref_slice %arg2[%dma_wait3A_222, %dma_wait3A_223] : memref<10000x128xf32, #tpu.memory_space<hbm>> -> memref<10000x128xf32, #tpu.memory_space<hbm>>
      %dma_wait3A_225 = tpu.memref_slice %arg15[%dma_wait3A_214] : memref<2x!tpu.dma_semaphore, #tpu.memory_space<semaphore_mem>> -> memref<1x!tpu.dma_semaphore, #tpu.memory_space<semaphore_mem>>
      %dma_wait3A_226 = tpu.memref_squeeze %dma_wait3A_225 : memref<1x!tpu.dma_semaphore, #tpu.memory_space<semaphore_mem>> -> memref<!tpu.dma_semaphore, #tpu.memory_space<semaphore_mem>>
      tpu.wait_indirect_dma semaphore(%dma_wait3A_226 : memref<!tpu.dma_semaphore, #tpu.memory_space<semaphore_mem>>) src(%dma_wait3A_224 : memref<10000x128xf32, #tpu.memory_space<hbm>>) dst(%dma_wait3A_218 : memref<125x128xf32, #tpu.memory_space<vmem>>)
      %ge3A_227 = arith.constant 1 : i32
      %ge3A_228 = arith.cmpi sge, %add3A_212, %ge3A_227 : i32
      %convert_element_type3A_229 = arith.extui %ge3A_228 : i1 to i32
      %cond3A_230 = arith.constant 0 : i32
      %cond3A_231 = arith.cmpi ne, %convert_element_type3A_229, %cond3A_230 : i32
      scf.if %cond3A_231 {
        %dma_wait3A_872 = arith.constant 0 : i32
        %dma_wait3A_873 = arith.constant 3 : i32
        %dma_wait3A_874 = arith.constant 0 : i32
        %dma_wait3A_875 = arith.constant 0 : i32
        %dma_wait3A_876 = arith.constant 0 : i32
        %dma_wait3A_877 = tpu.memref_slice %arg13[%dma_wait3A_872, %dma_wait3A_875, %dma_wait3A_876] : memref<2x125x128xf32, #tpu.memory_space<vmem>> -> memref<1x125x128xf32, #tpu.memory_space<vmem>>
        %dma_wait3A_878 = tpu.memref_squeeze %dma_wait3A_877 : memref<1x125x128xf32, #tpu.memory_space<vmem>> -> memref<125x128xf32, #tpu.memory_space<vmem>>
        %dma_wait3A_879 = arith.constant 0 : i32
        %dma_wait3A_880 = tpu.memref_slice %arg12[%rem3A_48, %dma_wait3A_873, %dma_wait3A_879] : memref<2x16x125xi32, #tpu.memory_space<vmem>> -> memref<1x1x125xi32, #tpu.memory_space<vmem>>
        %dma_wait3A_881 = tpu.memref_squeeze %dma_wait3A_880 : memref<1x1x125xi32, #tpu.memory_space<vmem>> -> memref<125xi32, #tpu.memory_space<vmem>>
        %dma_wait3A_882 = arith.constant 0 : i32
        %dma_wait3A_883 = arith.constant 0 : i32
        %dma_wait3A_884 = tpu.memref_slice %arg9[%dma_wait3A_882, %dma_wait3A_883] : memref<10240x128xf32, #tpu.memory_space<vmem_shared>> -> memref<10240x128xf32, #tpu.memory_space<vmem_shared>>
        %dma_wait3A_885 = tpu.memref_slice %arg16[%dma_wait3A_874] : memref<2x!tpu.dma_semaphore, #tpu.memory_space<semaphore_mem>> -> memref<1x!tpu.dma_semaphore, #tpu.memory_space<semaphore_mem>>
        %dma_wait3A_886 = tpu.memref_squeeze %dma_wait3A_885 : memref<1x!tpu.dma_semaphore, #tpu.memory_space<semaphore_mem>> -> memref<!tpu.dma_semaphore, #tpu.memory_space<semaphore_mem>>
        tpu.wait_indirect_dma semaphore(%dma_wait3A_886 : memref<!tpu.dma_semaphore, #tpu.memory_space<semaphore_mem>>) src(%dma_wait3A_878 : memref<125x128xf32, #tpu.memory_space<vmem>>) dst(%dma_wait3A_884 : memref<10240x128xf32, #tpu.memory_space<vmem_shared>>)
        %dma_wait3A_887 = arith.constant 3 : i32
        %dma_wait3A_888 = arith.constant 0 : i32
        %dma_wait3A_889 = tpu.memref_slice %arg12[%rem3A_48, %dma_wait3A_887, %dma_wait3A_888] : memref<2x16x125xi32, #tpu.memory_space<vmem>> -> memref<1x1x125xi32, #tpu.memory_space<vmem>>
        %dma_wait3A_890 = tpu.memref_squeeze %dma_wait3A_889 : memref<1x1x125xi32, #tpu.memory_space<vmem>> -> memref<125xi32, #tpu.memory_space<vmem>>
        %dma_wait3A_891 = arith.constant 0 : i32
        %dma_wait3A_892 = tpu.memref_slice %arg10[%dma_wait3A_891] : memref<10240xf32, #tpu.memory_space<vmem_shared>> -> memref<10240xf32, #tpu.memory_space<vmem_shared>>
        tpu.wait_indirect_dma semaphore(%arg17 : memref<!tpu.dma_semaphore, #tpu.memory_space<semaphore_mem>>) src(%arg14 : memref<125xf32, #tpu.memory_space<vmem>>) dst(%dma_wait3A_892 : memref<10240xf32, #tpu.memory_space<vmem_shared>>)
      } else {
      }
      %add3A_232 = arith.constant 1 : i32
      %add3A_233 = arith.addi %add3A_212, %add3A_232 : i32
      %lt3A_234 = arith.constant 80 : i32
      %lt3A_235 = arith.cmpi slt, %add3A_233, %lt3A_234 : i32
      %convert_element_type3A_236 = arith.extui %lt3A_235 : i1 to i32
      %cond3A_237 = arith.constant 0 : i32
      %cond3A_238 = arith.cmpi ne, %convert_element_type3A_236, %cond3A_237 : i32
      scf.if %cond3A_238 {
        %add3A_872 = arith.constant 1 : i32
        %add3A_873 = arith.addi %add3A_212, %add3A_872 : i32
        %dma_start3A_874 = arith.constant 0 : i32
        %dma_start3A_875 = arith.constant 0 : i32
        %dma_start3A_876 = arith.constant 0 : i32
        %dma_start3A_877 = arith.constant 0 : i32
        %dma_start3A_878 = tpu.memref_slice %arg13[%dma_start3A_874, %dma_start3A_876, %dma_start3A_877] : memref<2x125x128xf32, #tpu.memory_space<vmem>> -> memref<1x125x128xf32, #tpu.memory_space<vmem>>
        %dma_start3A_879 = tpu.memref_squeeze %dma_start3A_878 : memref<1x125x128xf32, #tpu.memory_space<vmem>> -> memref<125x128xf32, #tpu.memory_space<vmem>>
        %dma_start3A_880 = arith.constant 0 : i32
        %dma_start3A_881 = tpu.memref_slice %arg11[%add3A_873, %dma_start3A_880] : memref<80x125xi32, #tpu.memory_space<vmem>> -> memref<1x125xi32, #tpu.memory_space<vmem>>
        %dma_start3A_882 = tpu.memref_squeeze %dma_start3A_881 : memref<1x125xi32, #tpu.memory_space<vmem>> -> memref<125xi32, #tpu.memory_space<vmem>>
        %dma_start3A_883 = arith.constant 0 : i32
        %dma_start3A_884 = arith.constant 0 : i32
        %dma_start3A_885 = tpu.memref_slice %arg2[%dma_start3A_883, %dma_start3A_884] : memref<10000x128xf32, #tpu.memory_space<hbm>> -> memref<10000x128xf32, #tpu.memory_space<hbm>>
        %dma_start3A_886 = tpu.memref_slice %arg15[%dma_start3A_875] : memref<2x!tpu.dma_semaphore, #tpu.memory_space<semaphore_mem>> -> memref<1x!tpu.dma_semaphore, #tpu.memory_space<semaphore_mem>>
        %dma_start3A_887 = tpu.memref_squeeze %dma_start3A_886 : memref<1x!tpu.dma_semaphore, #tpu.memory_space<semaphore_mem>> -> memref<!tpu.dma_semaphore, #tpu.memory_space<semaphore_mem>>
        tpu.enqueue_indirect_dma source(%dma_start3A_885 : memref<10000x128xf32, #tpu.memory_space<hbm>>) target(%dma_start3A_879 : memref<125x128xf32, #tpu.memory_space<vmem>>) offsets(%dma_start3A_882 : memref<125xi32, #tpu.memory_space<vmem>>) semaphore(%dma_start3A_887 : memref<!tpu.dma_semaphore, #tpu.memory_space<semaphore_mem>>)
      } else {
      }
      %dma_start3A_239 = arith.constant 1 : i32
      %dma_start3A_240 = arith.constant 3 : i32
      %dma_start3A_241 = arith.constant 1 : i32
      %dma_start3A_242 = arith.constant 0 : i32
      %dma_start3A_243 = arith.constant 0 : i32
      %dma_start3A_244 = tpu.memref_slice %arg13[%dma_start3A_239, %dma_start3A_242, %dma_start3A_243] : memref<2x125x128xf32, #tpu.memory_space<vmem>> -> memref<1x125x128xf32, #tpu.memory_space<vmem>>
      %dma_start3A_245 = tpu.memref_squeeze %dma_start3A_244 : memref<1x125x128xf32, #tpu.memory_space<vmem>> -> memref<125x128xf32, #tpu.memory_space<vmem>>
      %dma_start3A_246 = arith.constant 0 : i32
      %dma_start3A_247 = tpu.memref_slice %arg12[%rem3A_48, %dma_start3A_240, %dma_start3A_246] : memref<2x16x125xi32, #tpu.memory_space<vmem>> -> memref<1x1x125xi32, #tpu.memory_space<vmem>>
      %dma_start3A_248 = tpu.memref_squeeze %dma_start3A_247 : memref<1x1x125xi32, #tpu.memory_space<vmem>> -> memref<125xi32, #tpu.memory_space<vmem>>
      %dma_start3A_249 = arith.constant 0 : i32
      %dma_start3A_250 = arith.constant 0 : i32
      %dma_start3A_251 = tpu.memref_slice %arg9[%dma_start3A_249, %dma_start3A_250] : memref<10240x128xf32, #tpu.memory_space<vmem_shared>> -> memref<10240x128xf32, #tpu.memory_space<vmem_shared>>
      %dma_start3A_252 = tpu.memref_slice %arg16[%dma_start3A_241] : memref<2x!tpu.dma_semaphore, #tpu.memory_space<semaphore_mem>> -> memref<1x!tpu.dma_semaphore, #tpu.memory_space<semaphore_mem>>
      %dma_start3A_253 = tpu.memref_squeeze %dma_start3A_252 : memref<1x!tpu.dma_semaphore, #tpu.memory_space<semaphore_mem>> -> memref<!tpu.dma_semaphore, #tpu.memory_space<semaphore_mem>>
      tpu.enqueue_indirect_dma source(%dma_start3A_245 : memref<125x128xf32, #tpu.memory_space<vmem>>) target(%dma_start3A_251 : memref<10240x128xf32, #tpu.memory_space<vmem_shared>>) offsets(%dma_start3A_248 : memref<125xi32, #tpu.memory_space<vmem>>) semaphore(%dma_start3A_253 : memref<!tpu.dma_semaphore, #tpu.memory_space<semaphore_mem>>) {add = true}
      %dma_start3A_254 = arith.constant 3 : i32
      %dma_start3A_255 = arith.constant 0 : i32
      %dma_start3A_256 = tpu.memref_slice %arg12[%rem3A_48, %dma_start3A_254, %dma_start3A_255] : memref<2x16x125xi32, #tpu.memory_space<vmem>> -> memref<1x1x125xi32, #tpu.memory_space<vmem>>
      %dma_start3A_257 = tpu.memref_squeeze %dma_start3A_256 : memref<1x1x125xi32, #tpu.memory_space<vmem>> -> memref<125xi32, #tpu.memory_space<vmem>>
      %dma_start3A_258 = arith.constant 0 : i32
      %dma_start3A_259 = tpu.memref_slice %arg10[%dma_start3A_258] : memref<10240xf32, #tpu.memory_space<vmem_shared>> -> memref<10240xf32, #tpu.memory_space<vmem_shared>>
      tpu.enqueue_indirect_dma source(%arg14 : memref<125xf32, #tpu.memory_space<vmem>>) target(%dma_start3A_259 : memref<10240xf32, #tpu.memory_space<vmem_shared>>) offsets(%dma_start3A_257 : memref<125xi32, #tpu.memory_space<vmem>>) semaphore(%arg17 : memref<!tpu.dma_semaphore, #tpu.memory_space<semaphore_mem>>) {add = true}
      %mul3A_260 = arith.constant 16 : i32
      %mul3A_261 = arith.muli %scan3A_47, %mul3A_260 : i32
      %add3A_262 = arith.constant 4 : i32
      %add3A_263 = arith.addi %mul3A_261, %add3A_262 : i32
      %dma_wait3A_264 = arith.constant 0 : i32
      %dma_wait3A_265 = arith.constant 0 : i32
      %dma_wait3A_266 = arith.constant 0 : i32
      %dma_wait3A_267 = arith.constant 0 : i32
      %dma_wait3A_268 = tpu.memref_slice %arg13[%dma_wait3A_264, %dma_wait3A_266, %dma_wait3A_267] : memref<2x125x128xf32, #tpu.memory_space<vmem>> -> memref<1x125x128xf32, #tpu.memory_space<vmem>>
      %dma_wait3A_269 = tpu.memref_squeeze %dma_wait3A_268 : memref<1x125x128xf32, #tpu.memory_space<vmem>> -> memref<125x128xf32, #tpu.memory_space<vmem>>
      %dma_wait3A_270 = arith.constant 0 : i32
      %dma_wait3A_271 = tpu.memref_slice %arg11[%add3A_263, %dma_wait3A_270] : memref<80x125xi32, #tpu.memory_space<vmem>> -> memref<1x125xi32, #tpu.memory_space<vmem>>
      %dma_wait3A_272 = tpu.memref_squeeze %dma_wait3A_271 : memref<1x125xi32, #tpu.memory_space<vmem>> -> memref<125xi32, #tpu.memory_space<vmem>>
      %dma_wait3A_273 = arith.constant 0 : i32
      %dma_wait3A_274 = arith.constant 0 : i32
      %dma_wait3A_275 = tpu.memref_slice %arg2[%dma_wait3A_273, %dma_wait3A_274] : memref<10000x128xf32, #tpu.memory_space<hbm>> -> memref<10000x128xf32, #tpu.memory_space<hbm>>
      %dma_wait3A_276 = tpu.memref_slice %arg15[%dma_wait3A_265] : memref<2x!tpu.dma_semaphore, #tpu.memory_space<semaphore_mem>> -> memref<1x!tpu.dma_semaphore, #tpu.memory_space<semaphore_mem>>
      %dma_wait3A_277 = tpu.memref_squeeze %dma_wait3A_276 : memref<1x!tpu.dma_semaphore, #tpu.memory_space<semaphore_mem>> -> memref<!tpu.dma_semaphore, #tpu.memory_space<semaphore_mem>>
      tpu.wait_indirect_dma semaphore(%dma_wait3A_277 : memref<!tpu.dma_semaphore, #tpu.memory_space<semaphore_mem>>) src(%dma_wait3A_275 : memref<10000x128xf32, #tpu.memory_space<hbm>>) dst(%dma_wait3A_269 : memref<125x128xf32, #tpu.memory_space<vmem>>)
      %ge3A_278 = arith.constant 1 : i32
      %ge3A_279 = arith.cmpi sge, %add3A_263, %ge3A_278 : i32
      %convert_element_type3A_280 = arith.extui %ge3A_279 : i1 to i32
      %cond3A_281 = arith.constant 0 : i32
      %cond3A_282 = arith.cmpi ne, %convert_element_type3A_280, %cond3A_281 : i32
      scf.if %cond3A_282 {
        %dma_wait3A_872 = arith.constant 1 : i32
        %dma_wait3A_873 = arith.constant 4 : i32
        %dma_wait3A_874 = arith.constant 1 : i32
        %dma_wait3A_875 = arith.constant 0 : i32
        %dma_wait3A_876 = arith.constant 0 : i32
        %dma_wait3A_877 = tpu.memref_slice %arg13[%dma_wait3A_872, %dma_wait3A_875, %dma_wait3A_876] : memref<2x125x128xf32, #tpu.memory_space<vmem>> -> memref<1x125x128xf32, #tpu.memory_space<vmem>>
        %dma_wait3A_878 = tpu.memref_squeeze %dma_wait3A_877 : memref<1x125x128xf32, #tpu.memory_space<vmem>> -> memref<125x128xf32, #tpu.memory_space<vmem>>
        %dma_wait3A_879 = arith.constant 0 : i32
        %dma_wait3A_880 = tpu.memref_slice %arg12[%rem3A_48, %dma_wait3A_873, %dma_wait3A_879] : memref<2x16x125xi32, #tpu.memory_space<vmem>> -> memref<1x1x125xi32, #tpu.memory_space<vmem>>
        %dma_wait3A_881 = tpu.memref_squeeze %dma_wait3A_880 : memref<1x1x125xi32, #tpu.memory_space<vmem>> -> memref<125xi32, #tpu.memory_space<vmem>>
        %dma_wait3A_882 = arith.constant 0 : i32
        %dma_wait3A_883 = arith.constant 0 : i32
        %dma_wait3A_884 = tpu.memref_slice %arg9[%dma_wait3A_882, %dma_wait3A_883] : memref<10240x128xf32, #tpu.memory_space<vmem_shared>> -> memref<10240x128xf32, #tpu.memory_space<vmem_shared>>
        %dma_wait3A_885 = tpu.memref_slice %arg16[%dma_wait3A_874] : memref<2x!tpu.dma_semaphore, #tpu.memory_space<semaphore_mem>> -> memref<1x!tpu.dma_semaphore, #tpu.memory_space<semaphore_mem>>
        %dma_wait3A_886 = tpu.memref_squeeze %dma_wait3A_885 : memref<1x!tpu.dma_semaphore, #tpu.memory_space<semaphore_mem>> -> memref<!tpu.dma_semaphore, #tpu.memory_space<semaphore_mem>>
        tpu.wait_indirect_dma semaphore(%dma_wait3A_886 : memref<!tpu.dma_semaphore, #tpu.memory_space<semaphore_mem>>) src(%dma_wait3A_878 : memref<125x128xf32, #tpu.memory_space<vmem>>) dst(%dma_wait3A_884 : memref<10240x128xf32, #tpu.memory_space<vmem_shared>>)
        %dma_wait3A_887 = arith.constant 4 : i32
        %dma_wait3A_888 = arith.constant 0 : i32
        %dma_wait3A_889 = tpu.memref_slice %arg12[%rem3A_48, %dma_wait3A_887, %dma_wait3A_888] : memref<2x16x125xi32, #tpu.memory_space<vmem>> -> memref<1x1x125xi32, #tpu.memory_space<vmem>>
        %dma_wait3A_890 = tpu.memref_squeeze %dma_wait3A_889 : memref<1x1x125xi32, #tpu.memory_space<vmem>> -> memref<125xi32, #tpu.memory_space<vmem>>
        %dma_wait3A_891 = arith.constant 0 : i32
        %dma_wait3A_892 = tpu.memref_slice %arg10[%dma_wait3A_891] : memref<10240xf32, #tpu.memory_space<vmem_shared>> -> memref<10240xf32, #tpu.memory_space<vmem_shared>>
        tpu.wait_indirect_dma semaphore(%arg17 : memref<!tpu.dma_semaphore, #tpu.memory_space<semaphore_mem>>) src(%arg14 : memref<125xf32, #tpu.memory_space<vmem>>) dst(%dma_wait3A_892 : memref<10240xf32, #tpu.memory_space<vmem_shared>>)
      } else {
      }
      %add3A_283 = arith.constant 1 : i32
      %add3A_284 = arith.addi %add3A_263, %add3A_283 : i32
      %lt3A_285 = arith.constant 80 : i32
      %lt3A_286 = arith.cmpi slt, %add3A_284, %lt3A_285 : i32
      %convert_element_type3A_287 = arith.extui %lt3A_286 : i1 to i32
      %cond3A_288 = arith.constant 0 : i32
      %cond3A_289 = arith.cmpi ne, %convert_element_type3A_287, %cond3A_288 : i32
      scf.if %cond3A_289 {
        %add3A_872 = arith.constant 1 : i32
        %add3A_873 = arith.addi %add3A_263, %add3A_872 : i32
        %dma_start3A_874 = arith.constant 1 : i32
        %dma_start3A_875 = arith.constant 1 : i32
        %dma_start3A_876 = arith.constant 0 : i32
        %dma_start3A_877 = arith.constant 0 : i32
        %dma_start3A_878 = tpu.memref_slice %arg13[%dma_start3A_874, %dma_start3A_876, %dma_start3A_877] : memref<2x125x128xf32, #tpu.memory_space<vmem>> -> memref<1x125x128xf32, #tpu.memory_space<vmem>>
        %dma_start3A_879 = tpu.memref_squeeze %dma_start3A_878 : memref<1x125x128xf32, #tpu.memory_space<vmem>> -> memref<125x128xf32, #tpu.memory_space<vmem>>
        %dma_start3A_880 = arith.constant 0 : i32
        %dma_start3A_881 = tpu.memref_slice %arg11[%add3A_873, %dma_start3A_880] : memref<80x125xi32, #tpu.memory_space<vmem>> -> memref<1x125xi32, #tpu.memory_space<vmem>>
        %dma_start3A_882 = tpu.memref_squeeze %dma_start3A_881 : memref<1x125xi32, #tpu.memory_space<vmem>> -> memref<125xi32, #tpu.memory_space<vmem>>
        %dma_start3A_883 = arith.constant 0 : i32
        %dma_start3A_884 = arith.constant 0 : i32
        %dma_start3A_885 = tpu.memref_slice %arg2[%dma_start3A_883, %dma_start3A_884] : memref<10000x128xf32, #tpu.memory_space<hbm>> -> memref<10000x128xf32, #tpu.memory_space<hbm>>
        %dma_start3A_886 = tpu.memref_slice %arg15[%dma_start3A_875] : memref<2x!tpu.dma_semaphore, #tpu.memory_space<semaphore_mem>> -> memref<1x!tpu.dma_semaphore, #tpu.memory_space<semaphore_mem>>
        %dma_start3A_887 = tpu.memref_squeeze %dma_start3A_886 : memref<1x!tpu.dma_semaphore, #tpu.memory_space<semaphore_mem>> -> memref<!tpu.dma_semaphore, #tpu.memory_space<semaphore_mem>>
        tpu.enqueue_indirect_dma source(%dma_start3A_885 : memref<10000x128xf32, #tpu.memory_space<hbm>>) target(%dma_start3A_879 : memref<125x128xf32, #tpu.memory_space<vmem>>) offsets(%dma_start3A_882 : memref<125xi32, #tpu.memory_space<vmem>>) semaphore(%dma_start3A_887 : memref<!tpu.dma_semaphore, #tpu.memory_space<semaphore_mem>>)
      } else {
      }
      %dma_start3A_290 = arith.constant 0 : i32
      %dma_start3A_291 = arith.constant 4 : i32
      %dma_start3A_292 = arith.constant 0 : i32
      %dma_start3A_293 = arith.constant 0 : i32
      %dma_start3A_294 = arith.constant 0 : i32
      %dma_start3A_295 = tpu.memref_slice %arg13[%dma_start3A_290, %dma_start3A_293, %dma_start3A_294] : memref<2x125x128xf32, #tpu.memory_space<vmem>> -> memref<1x125x128xf32, #tpu.memory_space<vmem>>
      %dma_start3A_296 = tpu.memref_squeeze %dma_start3A_295 : memref<1x125x128xf32, #tpu.memory_space<vmem>> -> memref<125x128xf32, #tpu.memory_space<vmem>>
      %dma_start3A_297 = arith.constant 0 : i32
      %dma_start3A_298 = tpu.memref_slice %arg12[%rem3A_48, %dma_start3A_291, %dma_start3A_297] : memref<2x16x125xi32, #tpu.memory_space<vmem>> -> memref<1x1x125xi32, #tpu.memory_space<vmem>>
      %dma_start3A_299 = tpu.memref_squeeze %dma_start3A_298 : memref<1x1x125xi32, #tpu.memory_space<vmem>> -> memref<125xi32, #tpu.memory_space<vmem>>
      %dma_start3A_300 = arith.constant 0 : i32
      %dma_start3A_301 = arith.constant 0 : i32
      %dma_start3A_302 = tpu.memref_slice %arg9[%dma_start3A_300, %dma_start3A_301] : memref<10240x128xf32, #tpu.memory_space<vmem_shared>> -> memref<10240x128xf32, #tpu.memory_space<vmem_shared>>
      %dma_start3A_303 = tpu.memref_slice %arg16[%dma_start3A_292] : memref<2x!tpu.dma_semaphore, #tpu.memory_space<semaphore_mem>> -> memref<1x!tpu.dma_semaphore, #tpu.memory_space<semaphore_mem>>
      %dma_start3A_304 = tpu.memref_squeeze %dma_start3A_303 : memref<1x!tpu.dma_semaphore, #tpu.memory_space<semaphore_mem>> -> memref<!tpu.dma_semaphore, #tpu.memory_space<semaphore_mem>>
      tpu.enqueue_indirect_dma source(%dma_start3A_296 : memref<125x128xf32, #tpu.memory_space<vmem>>) target(%dma_start3A_302 : memref<10240x128xf32, #tpu.memory_space<vmem_shared>>) offsets(%dma_start3A_299 : memref<125xi32, #tpu.memory_space<vmem>>) semaphore(%dma_start3A_304 : memref<!tpu.dma_semaphore, #tpu.memory_space<semaphore_mem>>) {add = true}
      %dma_start3A_305 = arith.constant 4 : i32
      %dma_start3A_306 = arith.constant 0 : i32
      %dma_start3A_307 = tpu.memref_slice %arg12[%rem3A_48, %dma_start3A_305, %dma_start3A_306] : memref<2x16x125xi32, #tpu.memory_space<vmem>> -> memref<1x1x125xi32, #tpu.memory_space<vmem>>
      %dma_start3A_308 = tpu.memref_squeeze %dma_start3A_307 : memref<1x1x125xi32, #tpu.memory_space<vmem>> -> memref<125xi32, #tpu.memory_space<vmem>>
      %dma_start3A_309 = arith.constant 0 : i32
      %dma_start3A_310 = tpu.memref_slice %arg10[%dma_start3A_309] : memref<10240xf32, #tpu.memory_space<vmem_shared>> -> memref<10240xf32, #tpu.memory_space<vmem_shared>>
      tpu.enqueue_indirect_dma source(%arg14 : memref<125xf32, #tpu.memory_space<vmem>>) target(%dma_start3A_310 : memref<10240xf32, #tpu.memory_space<vmem_shared>>) offsets(%dma_start3A_308 : memref<125xi32, #tpu.memory_space<vmem>>) semaphore(%arg17 : memref<!tpu.dma_semaphore, #tpu.memory_space<semaphore_mem>>) {add = true}
      %mul3A_311 = arith.constant 16 : i32
      %mul3A_312 = arith.muli %scan3A_47, %mul3A_311 : i32
      %add3A_313 = arith.constant 5 : i32
      %add3A_314 = arith.addi %mul3A_312, %add3A_313 : i32
      %dma_wait3A_315 = arith.constant 1 : i32
      %dma_wait3A_316 = arith.constant 1 : i32
      %dma_wait3A_317 = arith.constant 0 : i32
      %dma_wait3A_318 = arith.constant 0 : i32
      %dma_wait3A_319 = tpu.memref_slice %arg13[%dma_wait3A_315, %dma_wait3A_317, %dma_wait3A_318] : memref<2x125x128xf32, #tpu.memory_space<vmem>> -> memref<1x125x128xf32, #tpu.memory_space<vmem>>
      %dma_wait3A_320 = tpu.memref_squeeze %dma_wait3A_319 : memref<1x125x128xf32, #tpu.memory_space<vmem>> -> memref<125x128xf32, #tpu.memory_space<vmem>>
      %dma_wait3A_321 = arith.constant 0 : i32
      %dma_wait3A_322 = tpu.memref_slice %arg11[%add3A_314, %dma_wait3A_321] : memref<80x125xi32, #tpu.memory_space<vmem>> -> memref<1x125xi32, #tpu.memory_space<vmem>>
      %dma_wait3A_323 = tpu.memref_squeeze %dma_wait3A_322 : memref<1x125xi32, #tpu.memory_space<vmem>> -> memref<125xi32, #tpu.memory_space<vmem>>
      %dma_wait3A_324 = arith.constant 0 : i32
      %dma_wait3A_325 = arith.constant 0 : i32
      %dma_wait3A_326 = tpu.memref_slice %arg2[%dma_wait3A_324, %dma_wait3A_325] : memref<10000x128xf32, #tpu.memory_space<hbm>> -> memref<10000x128xf32, #tpu.memory_space<hbm>>
      %dma_wait3A_327 = tpu.memref_slice %arg15[%dma_wait3A_316] : memref<2x!tpu.dma_semaphore, #tpu.memory_space<semaphore_mem>> -> memref<1x!tpu.dma_semaphore, #tpu.memory_space<semaphore_mem>>
      %dma_wait3A_328 = tpu.memref_squeeze %dma_wait3A_327 : memref<1x!tpu.dma_semaphore, #tpu.memory_space<semaphore_mem>> -> memref<!tpu.dma_semaphore, #tpu.memory_space<semaphore_mem>>
      tpu.wait_indirect_dma semaphore(%dma_wait3A_328 : memref<!tpu.dma_semaphore, #tpu.memory_space<semaphore_mem>>) src(%dma_wait3A_326 : memref<10000x128xf32, #tpu.memory_space<hbm>>) dst(%dma_wait3A_320 : memref<125x128xf32, #tpu.memory_space<vmem>>)
      %ge3A_329 = arith.constant 1 : i32
      %ge3A_330 = arith.cmpi sge, %add3A_314, %ge3A_329 : i32
      %convert_element_type3A_331 = arith.extui %ge3A_330 : i1 to i32
      %cond3A_332 = arith.constant 0 : i32
      %cond3A_333 = arith.cmpi ne, %convert_element_type3A_331, %cond3A_332 : i32
      scf.if %cond3A_333 {
        %dma_wait3A_872 = arith.constant 0 : i32
        %dma_wait3A_873 = arith.constant 5 : i32
        %dma_wait3A_874 = arith.constant 0 : i32
        %dma_wait3A_875 = arith.constant 0 : i32
        %dma_wait3A_876 = arith.constant 0 : i32
        %dma_wait3A_877 = tpu.memref_slice %arg13[%dma_wait3A_872, %dma_wait3A_875, %dma_wait3A_876] : memref<2x125x128xf32, #tpu.memory_space<vmem>> -> memref<1x125x128xf32, #tpu.memory_space<vmem>>
        %dma_wait3A_878 = tpu.memref_squeeze %dma_wait3A_877 : memref<1x125x128xf32, #tpu.memory_space<vmem>> -> memref<125x128xf32, #tpu.memory_space<vmem>>
        %dma_wait3A_879 = arith.constant 0 : i32
        %dma_wait3A_880 = tpu.memref_slice %arg12[%rem3A_48, %dma_wait3A_873, %dma_wait3A_879] : memref<2x16x125xi32, #tpu.memory_space<vmem>> -> memref<1x1x125xi32, #tpu.memory_space<vmem>>
        %dma_wait3A_881 = tpu.memref_squeeze %dma_wait3A_880 : memref<1x1x125xi32, #tpu.memory_space<vmem>> -> memref<125xi32, #tpu.memory_space<vmem>>
        %dma_wait3A_882 = arith.constant 0 : i32
        %dma_wait3A_883 = arith.constant 0 : i32
        %dma_wait3A_884 = tpu.memref_slice %arg9[%dma_wait3A_882, %dma_wait3A_883] : memref<10240x128xf32, #tpu.memory_space<vmem_shared>> -> memref<10240x128xf32, #tpu.memory_space<vmem_shared>>
        %dma_wait3A_885 = tpu.memref_slice %arg16[%dma_wait3A_874] : memref<2x!tpu.dma_semaphore, #tpu.memory_space<semaphore_mem>> -> memref<1x!tpu.dma_semaphore, #tpu.memory_space<semaphore_mem>>
        %dma_wait3A_886 = tpu.memref_squeeze %dma_wait3A_885 : memref<1x!tpu.dma_semaphore, #tpu.memory_space<semaphore_mem>> -> memref<!tpu.dma_semaphore, #tpu.memory_space<semaphore_mem>>
        tpu.wait_indirect_dma semaphore(%dma_wait3A_886 : memref<!tpu.dma_semaphore, #tpu.memory_space<semaphore_mem>>) src(%dma_wait3A_878 : memref<125x128xf32, #tpu.memory_space<vmem>>) dst(%dma_wait3A_884 : memref<10240x128xf32, #tpu.memory_space<vmem_shared>>)
        %dma_wait3A_887 = arith.constant 5 : i32
        %dma_wait3A_888 = arith.constant 0 : i32
        %dma_wait3A_889 = tpu.memref_slice %arg12[%rem3A_48, %dma_wait3A_887, %dma_wait3A_888] : memref<2x16x125xi32, #tpu.memory_space<vmem>> -> memref<1x1x125xi32, #tpu.memory_space<vmem>>
        %dma_wait3A_890 = tpu.memref_squeeze %dma_wait3A_889 : memref<1x1x125xi32, #tpu.memory_space<vmem>> -> memref<125xi32, #tpu.memory_space<vmem>>
        %dma_wait3A_891 = arith.constant 0 : i32
        %dma_wait3A_892 = tpu.memref_slice %arg10[%dma_wait3A_891] : memref<10240xf32, #tpu.memory_space<vmem_shared>> -> memref<10240xf32, #tpu.memory_space<vmem_shared>>
        tpu.wait_indirect_dma semaphore(%arg17 : memref<!tpu.dma_semaphore, #tpu.memory_space<semaphore_mem>>) src(%arg14 : memref<125xf32, #tpu.memory_space<vmem>>) dst(%dma_wait3A_892 : memref<10240xf32, #tpu.memory_space<vmem_shared>>)
      } else {
      }
      %add3A_334 = arith.constant 1 : i32
      %add3A_335 = arith.addi %add3A_314, %add3A_334 : i32
      %lt3A_336 = arith.constant 80 : i32
      %lt3A_337 = arith.cmpi slt, %add3A_335, %lt3A_336 : i32
      %convert_element_type3A_338 = arith.extui %lt3A_337 : i1 to i32
      %cond3A_339 = arith.constant 0 : i32
      %cond3A_340 = arith.cmpi ne, %convert_element_type3A_338, %cond3A_339 : i32
      scf.if %cond3A_340 {
        %add3A_872 = arith.constant 1 : i32
        %add3A_873 = arith.addi %add3A_314, %add3A_872 : i32
        %dma_start3A_874 = arith.constant 0 : i32
        %dma_start3A_875 = arith.constant 0 : i32
        %dma_start3A_876 = arith.constant 0 : i32
        %dma_start3A_877 = arith.constant 0 : i32
        %dma_start3A_878 = tpu.memref_slice %arg13[%dma_start3A_874, %dma_start3A_876, %dma_start3A_877] : memref<2x125x128xf32, #tpu.memory_space<vmem>> -> memref<1x125x128xf32, #tpu.memory_space<vmem>>
        %dma_start3A_879 = tpu.memref_squeeze %dma_start3A_878 : memref<1x125x128xf32, #tpu.memory_space<vmem>> -> memref<125x128xf32, #tpu.memory_space<vmem>>
        %dma_start3A_880 = arith.constant 0 : i32
        %dma_start3A_881 = tpu.memref_slice %arg11[%add3A_873, %dma_start3A_880] : memref<80x125xi32, #tpu.memory_space<vmem>> -> memref<1x125xi32, #tpu.memory_space<vmem>>
        %dma_start3A_882 = tpu.memref_squeeze %dma_start3A_881 : memref<1x125xi32, #tpu.memory_space<vmem>> -> memref<125xi32, #tpu.memory_space<vmem>>
        %dma_start3A_883 = arith.constant 0 : i32
        %dma_start3A_884 = arith.constant 0 : i32
        %dma_start3A_885 = tpu.memref_slice %arg2[%dma_start3A_883, %dma_start3A_884] : memref<10000x128xf32, #tpu.memory_space<hbm>> -> memref<10000x128xf32, #tpu.memory_space<hbm>>
        %dma_start3A_886 = tpu.memref_slice %arg15[%dma_start3A_875] : memref<2x!tpu.dma_semaphore, #tpu.memory_space<semaphore_mem>> -> memref<1x!tpu.dma_semaphore, #tpu.memory_space<semaphore_mem>>
        %dma_start3A_887 = tpu.memref_squeeze %dma_start3A_886 : memref<1x!tpu.dma_semaphore, #tpu.memory_space<semaphore_mem>> -> memref<!tpu.dma_semaphore, #tpu.memory_space<semaphore_mem>>
        tpu.enqueue_indirect_dma source(%dma_start3A_885 : memref<10000x128xf32, #tpu.memory_space<hbm>>) target(%dma_start3A_879 : memref<125x128xf32, #tpu.memory_space<vmem>>) offsets(%dma_start3A_882 : memref<125xi32, #tpu.memory_space<vmem>>) semaphore(%dma_start3A_887 : memref<!tpu.dma_semaphore, #tpu.memory_space<semaphore_mem>>)
      } else {
      }
      %dma_start3A_341 = arith.constant 1 : i32
      %dma_start3A_342 = arith.constant 5 : i32
      %dma_start3A_343 = arith.constant 1 : i32
      %dma_start3A_344 = arith.constant 0 : i32
      %dma_start3A_345 = arith.constant 0 : i32
      %dma_start3A_346 = tpu.memref_slice %arg13[%dma_start3A_341, %dma_start3A_344, %dma_start3A_345] : memref<2x125x128xf32, #tpu.memory_space<vmem>> -> memref<1x125x128xf32, #tpu.memory_space<vmem>>
      %dma_start3A_347 = tpu.memref_squeeze %dma_start3A_346 : memref<1x125x128xf32, #tpu.memory_space<vmem>> -> memref<125x128xf32, #tpu.memory_space<vmem>>
      %dma_start3A_348 = arith.constant 0 : i32
      %dma_start3A_349 = tpu.memref_slice %arg12[%rem3A_48, %dma_start3A_342, %dma_start3A_348] : memref<2x16x125xi32, #tpu.memory_space<vmem>> -> memref<1x1x125xi32, #tpu.memory_space<vmem>>
      %dma_start3A_350 = tpu.memref_squeeze %dma_start3A_349 : memref<1x1x125xi32, #tpu.memory_space<vmem>> -> memref<125xi32, #tpu.memory_space<vmem>>
      %dma_start3A_351 = arith.constant 0 : i32
      %dma_start3A_352 = arith.constant 0 : i32
      %dma_start3A_353 = tpu.memref_slice %arg9[%dma_start3A_351, %dma_start3A_352] : memref<10240x128xf32, #tpu.memory_space<vmem_shared>> -> memref<10240x128xf32, #tpu.memory_space<vmem_shared>>
      %dma_start3A_354 = tpu.memref_slice %arg16[%dma_start3A_343] : memref<2x!tpu.dma_semaphore, #tpu.memory_space<semaphore_mem>> -> memref<1x!tpu.dma_semaphore, #tpu.memory_space<semaphore_mem>>
      %dma_start3A_355 = tpu.memref_squeeze %dma_start3A_354 : memref<1x!tpu.dma_semaphore, #tpu.memory_space<semaphore_mem>> -> memref<!tpu.dma_semaphore, #tpu.memory_space<semaphore_mem>>
      tpu.enqueue_indirect_dma source(%dma_start3A_347 : memref<125x128xf32, #tpu.memory_space<vmem>>) target(%dma_start3A_353 : memref<10240x128xf32, #tpu.memory_space<vmem_shared>>) offsets(%dma_start3A_350 : memref<125xi32, #tpu.memory_space<vmem>>) semaphore(%dma_start3A_355 : memref<!tpu.dma_semaphore, #tpu.memory_space<semaphore_mem>>) {add = true}
      %dma_start3A_356 = arith.constant 5 : i32
      %dma_start3A_357 = arith.constant 0 : i32
      %dma_start3A_358 = tpu.memref_slice %arg12[%rem3A_48, %dma_start3A_356, %dma_start3A_357] : memref<2x16x125xi32, #tpu.memory_space<vmem>> -> memref<1x1x125xi32, #tpu.memory_space<vmem>>
      %dma_start3A_359 = tpu.memref_squeeze %dma_start3A_358 : memref<1x1x125xi32, #tpu.memory_space<vmem>> -> memref<125xi32, #tpu.memory_space<vmem>>
      %dma_start3A_360 = arith.constant 0 : i32
      %dma_start3A_361 = tpu.memref_slice %arg10[%dma_start3A_360] : memref<10240xf32, #tpu.memory_space<vmem_shared>> -> memref<10240xf32, #tpu.memory_space<vmem_shared>>
      tpu.enqueue_indirect_dma source(%arg14 : memref<125xf32, #tpu.memory_space<vmem>>) target(%dma_start3A_361 : memref<10240xf32, #tpu.memory_space<vmem_shared>>) offsets(%dma_start3A_359 : memref<125xi32, #tpu.memory_space<vmem>>) semaphore(%arg17 : memref<!tpu.dma_semaphore, #tpu.memory_space<semaphore_mem>>) {add = true}
      %mul3A_362 = arith.constant 16 : i32
      %mul3A_363 = arith.muli %scan3A_47, %mul3A_362 : i32
      %add3A_364 = arith.constant 6 : i32
      %add3A_365 = arith.addi %mul3A_363, %add3A_364 : i32
      %dma_wait3A_366 = arith.constant 0 : i32
      %dma_wait3A_367 = arith.constant 0 : i32
      %dma_wait3A_368 = arith.constant 0 : i32
      %dma_wait3A_369 = arith.constant 0 : i32
      %dma_wait3A_370 = tpu.memref_slice %arg13[%dma_wait3A_366, %dma_wait3A_368, %dma_wait3A_369] : memref<2x125x128xf32, #tpu.memory_space<vmem>> -> memref<1x125x128xf32, #tpu.memory_space<vmem>>
      %dma_wait3A_371 = tpu.memref_squeeze %dma_wait3A_370 : memref<1x125x128xf32, #tpu.memory_space<vmem>> -> memref<125x128xf32, #tpu.memory_space<vmem>>
      %dma_wait3A_372 = arith.constant 0 : i32
      %dma_wait3A_373 = tpu.memref_slice %arg11[%add3A_365, %dma_wait3A_372] : memref<80x125xi32, #tpu.memory_space<vmem>> -> memref<1x125xi32, #tpu.memory_space<vmem>>
      %dma_wait3A_374 = tpu.memref_squeeze %dma_wait3A_373 : memref<1x125xi32, #tpu.memory_space<vmem>> -> memref<125xi32, #tpu.memory_space<vmem>>
      %dma_wait3A_375 = arith.constant 0 : i32
      %dma_wait3A_376 = arith.constant 0 : i32
      %dma_wait3A_377 = tpu.memref_slice %arg2[%dma_wait3A_375, %dma_wait3A_376] : memref<10000x128xf32, #tpu.memory_space<hbm>> -> memref<10000x128xf32, #tpu.memory_space<hbm>>
      %dma_wait3A_378 = tpu.memref_slice %arg15[%dma_wait3A_367] : memref<2x!tpu.dma_semaphore, #tpu.memory_space<semaphore_mem>> -> memref<1x!tpu.dma_semaphore, #tpu.memory_space<semaphore_mem>>
      %dma_wait3A_379 = tpu.memref_squeeze %dma_wait3A_378 : memref<1x!tpu.dma_semaphore, #tpu.memory_space<semaphore_mem>> -> memref<!tpu.dma_semaphore, #tpu.memory_space<semaphore_mem>>
      tpu.wait_indirect_dma semaphore(%dma_wait3A_379 : memref<!tpu.dma_semaphore, #tpu.memory_space<semaphore_mem>>) src(%dma_wait3A_377 : memref<10000x128xf32, #tpu.memory_space<hbm>>) dst(%dma_wait3A_371 : memref<125x128xf32, #tpu.memory_space<vmem>>)
      %ge3A_380 = arith.constant 1 : i32
      %ge3A_381 = arith.cmpi sge, %add3A_365, %ge3A_380 : i32
      %convert_element_type3A_382 = arith.extui %ge3A_381 : i1 to i32
      %cond3A_383 = arith.constant 0 : i32
      %cond3A_384 = arith.cmpi ne, %convert_element_type3A_382, %cond3A_383 : i32
      scf.if %cond3A_384 {
        %dma_wait3A_872 = arith.constant 1 : i32
        %dma_wait3A_873 = arith.constant 6 : i32
        %dma_wait3A_874 = arith.constant 1 : i32
        %dma_wait3A_875 = arith.constant 0 : i32
        %dma_wait3A_876 = arith.constant 0 : i32
        %dma_wait3A_877 = tpu.memref_slice %arg13[%dma_wait3A_872, %dma_wait3A_875, %dma_wait3A_876] : memref<2x125x128xf32, #tpu.memory_space<vmem>> -> memref<1x125x128xf32, #tpu.memory_space<vmem>>
        %dma_wait3A_878 = tpu.memref_squeeze %dma_wait3A_877 : memref<1x125x128xf32, #tpu.memory_space<vmem>> -> memref<125x128xf32, #tpu.memory_space<vmem>>
        %dma_wait3A_879 = arith.constant 0 : i32
        %dma_wait3A_880 = tpu.memref_slice %arg12[%rem3A_48, %dma_wait3A_873, %dma_wait3A_879] : memref<2x16x125xi32, #tpu.memory_space<vmem>> -> memref<1x1x125xi32, #tpu.memory_space<vmem>>
        %dma_wait3A_881 = tpu.memref_squeeze %dma_wait3A_880 : memref<1x1x125xi32, #tpu.memory_space<vmem>> -> memref<125xi32, #tpu.memory_space<vmem>>
        %dma_wait3A_882 = arith.constant 0 : i32
        %dma_wait3A_883 = arith.constant 0 : i32
        %dma_wait3A_884 = tpu.memref_slice %arg9[%dma_wait3A_882, %dma_wait3A_883] : memref<10240x128xf32, #tpu.memory_space<vmem_shared>> -> memref<10240x128xf32, #tpu.memory_space<vmem_shared>>
        %dma_wait3A_885 = tpu.memref_slice %arg16[%dma_wait3A_874] : memref<2x!tpu.dma_semaphore, #tpu.memory_space<semaphore_mem>> -> memref<1x!tpu.dma_semaphore, #tpu.memory_space<semaphore_mem>>
        %dma_wait3A_886 = tpu.memref_squeeze %dma_wait3A_885 : memref<1x!tpu.dma_semaphore, #tpu.memory_space<semaphore_mem>> -> memref<!tpu.dma_semaphore, #tpu.memory_space<semaphore_mem>>
        tpu.wait_indirect_dma semaphore(%dma_wait3A_886 : memref<!tpu.dma_semaphore, #tpu.memory_space<semaphore_mem>>) src(%dma_wait3A_878 : memref<125x128xf32, #tpu.memory_space<vmem>>) dst(%dma_wait3A_884 : memref<10240x128xf32, #tpu.memory_space<vmem_shared>>)
        %dma_wait3A_887 = arith.constant 6 : i32
        %dma_wait3A_888 = arith.constant 0 : i32
        %dma_wait3A_889 = tpu.memref_slice %arg12[%rem3A_48, %dma_wait3A_887, %dma_wait3A_888] : memref<2x16x125xi32, #tpu.memory_space<vmem>> -> memref<1x1x125xi32, #tpu.memory_space<vmem>>
        %dma_wait3A_890 = tpu.memref_squeeze %dma_wait3A_889 : memref<1x1x125xi32, #tpu.memory_space<vmem>> -> memref<125xi32, #tpu.memory_space<vmem>>
        %dma_wait3A_891 = arith.constant 0 : i32
        %dma_wait3A_892 = tpu.memref_slice %arg10[%dma_wait3A_891] : memref<10240xf32, #tpu.memory_space<vmem_shared>> -> memref<10240xf32, #tpu.memory_space<vmem_shared>>
        tpu.wait_indirect_dma semaphore(%arg17 : memref<!tpu.dma_semaphore, #tpu.memory_space<semaphore_mem>>) src(%arg14 : memref<125xf32, #tpu.memory_space<vmem>>) dst(%dma_wait3A_892 : memref<10240xf32, #tpu.memory_space<vmem_shared>>)
      } else {
      }
      %add3A_385 = arith.constant 1 : i32
      %add3A_386 = arith.addi %add3A_365, %add3A_385 : i32
      %lt3A_387 = arith.constant 80 : i32
      %lt3A_388 = arith.cmpi slt, %add3A_386, %lt3A_387 : i32
      %convert_element_type3A_389 = arith.extui %lt3A_388 : i1 to i32
      %cond3A_390 = arith.constant 0 : i32
      %cond3A_391 = arith.cmpi ne, %convert_element_type3A_389, %cond3A_390 : i32
      scf.if %cond3A_391 {
        %add3A_872 = arith.constant 1 : i32
        %add3A_873 = arith.addi %add3A_365, %add3A_872 : i32
        %dma_start3A_874 = arith.constant 1 : i32
        %dma_start3A_875 = arith.constant 1 : i32
        %dma_start3A_876 = arith.constant 0 : i32
        %dma_start3A_877 = arith.constant 0 : i32
        %dma_start3A_878 = tpu.memref_slice %arg13[%dma_start3A_874, %dma_start3A_876, %dma_start3A_877] : memref<2x125x128xf32, #tpu.memory_space<vmem>> -> memref<1x125x128xf32, #tpu.memory_space<vmem>>
        %dma_start3A_879 = tpu.memref_squeeze %dma_start3A_878 : memref<1x125x128xf32, #tpu.memory_space<vmem>> -> memref<125x128xf32, #tpu.memory_space<vmem>>
        %dma_start3A_880 = arith.constant 0 : i32
        %dma_start3A_881 = tpu.memref_slice %arg11[%add3A_873, %dma_start3A_880] : memref<80x125xi32, #tpu.memory_space<vmem>> -> memref<1x125xi32, #tpu.memory_space<vmem>>
        %dma_start3A_882 = tpu.memref_squeeze %dma_start3A_881 : memref<1x125xi32, #tpu.memory_space<vmem>> -> memref<125xi32, #tpu.memory_space<vmem>>
        %dma_start3A_883 = arith.constant 0 : i32
        %dma_start3A_884 = arith.constant 0 : i32
        %dma_start3A_885 = tpu.memref_slice %arg2[%dma_start3A_883, %dma_start3A_884] : memref<10000x128xf32, #tpu.memory_space<hbm>> -> memref<10000x128xf32, #tpu.memory_space<hbm>>
        %dma_start3A_886 = tpu.memref_slice %arg15[%dma_start3A_875] : memref<2x!tpu.dma_semaphore, #tpu.memory_space<semaphore_mem>> -> memref<1x!tpu.dma_semaphore, #tpu.memory_space<semaphore_mem>>
        %dma_start3A_887 = tpu.memref_squeeze %dma_start3A_886 : memref<1x!tpu.dma_semaphore, #tpu.memory_space<semaphore_mem>> -> memref<!tpu.dma_semaphore, #tpu.memory_space<semaphore_mem>>
        tpu.enqueue_indirect_dma source(%dma_start3A_885 : memref<10000x128xf32, #tpu.memory_space<hbm>>) target(%dma_start3A_879 : memref<125x128xf32, #tpu.memory_space<vmem>>) offsets(%dma_start3A_882 : memref<125xi32, #tpu.memory_space<vmem>>) semaphore(%dma_start3A_887 : memref<!tpu.dma_semaphore, #tpu.memory_space<semaphore_mem>>)
      } else {
      }
      %dma_start3A_392 = arith.constant 0 : i32
      %dma_start3A_393 = arith.constant 6 : i32
      %dma_start3A_394 = arith.constant 0 : i32
      %dma_start3A_395 = arith.constant 0 : i32
      %dma_start3A_396 = arith.constant 0 : i32
      %dma_start3A_397 = tpu.memref_slice %arg13[%dma_start3A_392, %dma_start3A_395, %dma_start3A_396] : memref<2x125x128xf32, #tpu.memory_space<vmem>> -> memref<1x125x128xf32, #tpu.memory_space<vmem>>
      %dma_start3A_398 = tpu.memref_squeeze %dma_start3A_397 : memref<1x125x128xf32, #tpu.memory_space<vmem>> -> memref<125x128xf32, #tpu.memory_space<vmem>>
      %dma_start3A_399 = arith.constant 0 : i32
      %dma_start3A_400 = tpu.memref_slice %arg12[%rem3A_48, %dma_start3A_393, %dma_start3A_399] : memref<2x16x125xi32, #tpu.memory_space<vmem>> -> memref<1x1x125xi32, #tpu.memory_space<vmem>>
      %dma_start3A_401 = tpu.memref_squeeze %dma_start3A_400 : memref<1x1x125xi32, #tpu.memory_space<vmem>> -> memref<125xi32, #tpu.memory_space<vmem>>
      %dma_start3A_402 = arith.constant 0 : i32
      %dma_start3A_403 = arith.constant 0 : i32
      %dma_start3A_404 = tpu.memref_slice %arg9[%dma_start3A_402, %dma_start3A_403] : memref<10240x128xf32, #tpu.memory_space<vmem_shared>> -> memref<10240x128xf32, #tpu.memory_space<vmem_shared>>
      %dma_start3A_405 = tpu.memref_slice %arg16[%dma_start3A_394] : memref<2x!tpu.dma_semaphore, #tpu.memory_space<semaphore_mem>> -> memref<1x!tpu.dma_semaphore, #tpu.memory_space<semaphore_mem>>
      %dma_start3A_406 = tpu.memref_squeeze %dma_start3A_405 : memref<1x!tpu.dma_semaphore, #tpu.memory_space<semaphore_mem>> -> memref<!tpu.dma_semaphore, #tpu.memory_space<semaphore_mem>>
      tpu.enqueue_indirect_dma source(%dma_start3A_398 : memref<125x128xf32, #tpu.memory_space<vmem>>) target(%dma_start3A_404 : memref<10240x128xf32, #tpu.memory_space<vmem_shared>>) offsets(%dma_start3A_401 : memref<125xi32, #tpu.memory_space<vmem>>) semaphore(%dma_start3A_406 : memref<!tpu.dma_semaphore, #tpu.memory_space<semaphore_mem>>) {add = true}
      %dma_start3A_407 = arith.constant 6 : i32
      %dma_start3A_408 = arith.constant 0 : i32
      %dma_start3A_409 = tpu.memref_slice %arg12[%rem3A_48, %dma_start3A_407, %dma_start3A_408] : memref<2x16x125xi32, #tpu.memory_space<vmem>> -> memref<1x1x125xi32, #tpu.memory_space<vmem>>
      %dma_start3A_410 = tpu.memref_squeeze %dma_start3A_409 : memref<1x1x125xi32, #tpu.memory_space<vmem>> -> memref<125xi32, #tpu.memory_space<vmem>>
      %dma_start3A_411 = arith.constant 0 : i32
      %dma_start3A_412 = tpu.memref_slice %arg10[%dma_start3A_411] : memref<10240xf32, #tpu.memory_space<vmem_shared>> -> memref<10240xf32, #tpu.memory_space<vmem_shared>>
      tpu.enqueue_indirect_dma source(%arg14 : memref<125xf32, #tpu.memory_space<vmem>>) target(%dma_start3A_412 : memref<10240xf32, #tpu.memory_space<vmem_shared>>) offsets(%dma_start3A_410 : memref<125xi32, #tpu.memory_space<vmem>>) semaphore(%arg17 : memref<!tpu.dma_semaphore, #tpu.memory_space<semaphore_mem>>) {add = true}
      %mul3A_413 = arith.constant 16 : i32
      %mul3A_414 = arith.muli %scan3A_47, %mul3A_413 : i32
      %add3A_415 = arith.constant 7 : i32
      %add3A_416 = arith.addi %mul3A_414, %add3A_415 : i32
      %dma_wait3A_417 = arith.constant 1 : i32
      %dma_wait3A_418 = arith.constant 1 : i32
      %dma_wait3A_419 = arith.constant 0 : i32
      %dma_wait3A_420 = arith.constant 0 : i32
      %dma_wait3A_421 = tpu.memref_slice %arg13[%dma_wait3A_417, %dma_wait3A_419, %dma_wait3A_420] : memref<2x125x128xf32, #tpu.memory_space<vmem>> -> memref<1x125x128xf32, #tpu.memory_space<vmem>>
      %dma_wait3A_422 = tpu.memref_squeeze %dma_wait3A_421 : memref<1x125x128xf32, #tpu.memory_space<vmem>> -> memref<125x128xf32, #tpu.memory_space<vmem>>
      %dma_wait3A_423 = arith.constant 0 : i32
      %dma_wait3A_424 = tpu.memref_slice %arg11[%add3A_416, %dma_wait3A_423] : memref<80x125xi32, #tpu.memory_space<vmem>> -> memref<1x125xi32, #tpu.memory_space<vmem>>
      %dma_wait3A_425 = tpu.memref_squeeze %dma_wait3A_424 : memref<1x125xi32, #tpu.memory_space<vmem>> -> memref<125xi32, #tpu.memory_space<vmem>>
      %dma_wait3A_426 = arith.constant 0 : i32
      %dma_wait3A_427 = arith.constant 0 : i32
      %dma_wait3A_428 = tpu.memref_slice %arg2[%dma_wait3A_426, %dma_wait3A_427] : memref<10000x128xf32, #tpu.memory_space<hbm>> -> memref<10000x128xf32, #tpu.memory_space<hbm>>
      %dma_wait3A_429 = tpu.memref_slice %arg15[%dma_wait3A_418] : memref<2x!tpu.dma_semaphore, #tpu.memory_space<semaphore_mem>> -> memref<1x!tpu.dma_semaphore, #tpu.memory_space<semaphore_mem>>
      %dma_wait3A_430 = tpu.memref_squeeze %dma_wait3A_429 : memref<1x!tpu.dma_semaphore, #tpu.memory_space<semaphore_mem>> -> memref<!tpu.dma_semaphore, #tpu.memory_space<semaphore_mem>>
      tpu.wait_indirect_dma semaphore(%dma_wait3A_430 : memref<!tpu.dma_semaphore, #tpu.memory_space<semaphore_mem>>) src(%dma_wait3A_428 : memref<10000x128xf32, #tpu.memory_space<hbm>>) dst(%dma_wait3A_422 : memref<125x128xf32, #tpu.memory_space<vmem>>)
      %ge3A_431 = arith.constant 1 : i32
      %ge3A_432 = arith.cmpi sge, %add3A_416, %ge3A_431 : i32
      %convert_element_type3A_433 = arith.extui %ge3A_432 : i1 to i32
      %cond3A_434 = arith.constant 0 : i32
      %cond3A_435 = arith.cmpi ne, %convert_element_type3A_433, %cond3A_434 : i32
      scf.if %cond3A_435 {
        %dma_wait3A_872 = arith.constant 0 : i32
        %dma_wait3A_873 = arith.constant 7 : i32
        %dma_wait3A_874 = arith.constant 0 : i32
        %dma_wait3A_875 = arith.constant 0 : i32
        %dma_wait3A_876 = arith.constant 0 : i32
        %dma_wait3A_877 = tpu.memref_slice %arg13[%dma_wait3A_872, %dma_wait3A_875, %dma_wait3A_876] : memref<2x125x128xf32, #tpu.memory_space<vmem>> -> memref<1x125x128xf32, #tpu.memory_space<vmem>>
        %dma_wait3A_878 = tpu.memref_squeeze %dma_wait3A_877 : memref<1x125x128xf32, #tpu.memory_space<vmem>> -> memref<125x128xf32, #tpu.memory_space<vmem>>
        %dma_wait3A_879 = arith.constant 0 : i32
        %dma_wait3A_880 = tpu.memref_slice %arg12[%rem3A_48, %dma_wait3A_873, %dma_wait3A_879] : memref<2x16x125xi32, #tpu.memory_space<vmem>> -> memref<1x1x125xi32, #tpu.memory_space<vmem>>
        %dma_wait3A_881 = tpu.memref_squeeze %dma_wait3A_880 : memref<1x1x125xi32, #tpu.memory_space<vmem>> -> memref<125xi32, #tpu.memory_space<vmem>>
        %dma_wait3A_882 = arith.constant 0 : i32
        %dma_wait3A_883 = arith.constant 0 : i32
        %dma_wait3A_884 = tpu.memref_slice %arg9[%dma_wait3A_882, %dma_wait3A_883] : memref<10240x128xf32, #tpu.memory_space<vmem_shared>> -> memref<10240x128xf32, #tpu.memory_space<vmem_shared>>
        %dma_wait3A_885 = tpu.memref_slice %arg16[%dma_wait3A_874] : memref<2x!tpu.dma_semaphore, #tpu.memory_space<semaphore_mem>> -> memref<1x!tpu.dma_semaphore, #tpu.memory_space<semaphore_mem>>
        %dma_wait3A_886 = tpu.memref_squeeze %dma_wait3A_885 : memref<1x!tpu.dma_semaphore, #tpu.memory_space<semaphore_mem>> -> memref<!tpu.dma_semaphore, #tpu.memory_space<semaphore_mem>>
        tpu.wait_indirect_dma semaphore(%dma_wait3A_886 : memref<!tpu.dma_semaphore, #tpu.memory_space<semaphore_mem>>) src(%dma_wait3A_878 : memref<125x128xf32, #tpu.memory_space<vmem>>) dst(%dma_wait3A_884 : memref<10240x128xf32, #tpu.memory_space<vmem_shared>>)
        %dma_wait3A_887 = arith.constant 7 : i32
        %dma_wait3A_888 = arith.constant 0 : i32
        %dma_wait3A_889 = tpu.memref_slice %arg12[%rem3A_48, %dma_wait3A_887, %dma_wait3A_888] : memref<2x16x125xi32, #tpu.memory_space<vmem>> -> memref<1x1x125xi32, #tpu.memory_space<vmem>>
        %dma_wait3A_890 = tpu.memref_squeeze %dma_wait3A_889 : memref<1x1x125xi32, #tpu.memory_space<vmem>> -> memref<125xi32, #tpu.memory_space<vmem>>
        %dma_wait3A_891 = arith.constant 0 : i32
        %dma_wait3A_892 = tpu.memref_slice %arg10[%dma_wait3A_891] : memref<10240xf32, #tpu.memory_space<vmem_shared>> -> memref<10240xf32, #tpu.memory_space<vmem_shared>>
        tpu.wait_indirect_dma semaphore(%arg17 : memref<!tpu.dma_semaphore, #tpu.memory_space<semaphore_mem>>) src(%arg14 : memref<125xf32, #tpu.memory_space<vmem>>) dst(%dma_wait3A_892 : memref<10240xf32, #tpu.memory_space<vmem_shared>>)
      } else {
      }
      %add3A_436 = arith.constant 1 : i32
      %add3A_437 = arith.addi %add3A_416, %add3A_436 : i32
      %lt3A_438 = arith.constant 80 : i32
      %lt3A_439 = arith.cmpi slt, %add3A_437, %lt3A_438 : i32
      %convert_element_type3A_440 = arith.extui %lt3A_439 : i1 to i32
      %cond3A_441 = arith.constant 0 : i32
      %cond3A_442 = arith.cmpi ne, %convert_element_type3A_440, %cond3A_441 : i32
      scf.if %cond3A_442 {
        %add3A_872 = arith.constant 1 : i32
        %add3A_873 = arith.addi %add3A_416, %add3A_872 : i32
        %dma_start3A_874 = arith.constant 0 : i32
        %dma_start3A_875 = arith.constant 0 : i32
        %dma_start3A_876 = arith.constant 0 : i32
        %dma_start3A_877 = arith.constant 0 : i32
        %dma_start3A_878 = tpu.memref_slice %arg13[%dma_start3A_874, %dma_start3A_876, %dma_start3A_877] : memref<2x125x128xf32, #tpu.memory_space<vmem>> -> memref<1x125x128xf32, #tpu.memory_space<vmem>>
        %dma_start3A_879 = tpu.memref_squeeze %dma_start3A_878 : memref<1x125x128xf32, #tpu.memory_space<vmem>> -> memref<125x128xf32, #tpu.memory_space<vmem>>
        %dma_start3A_880 = arith.constant 0 : i32
        %dma_start3A_881 = tpu.memref_slice %arg11[%add3A_873, %dma_start3A_880] : memref<80x125xi32, #tpu.memory_space<vmem>> -> memref<1x125xi32, #tpu.memory_space<vmem>>
        %dma_start3A_882 = tpu.memref_squeeze %dma_start3A_881 : memref<1x125xi32, #tpu.memory_space<vmem>> -> memref<125xi32, #tpu.memory_space<vmem>>
        %dma_start3A_883 = arith.constant 0 : i32
        %dma_start3A_884 = arith.constant 0 : i32
        %dma_start3A_885 = tpu.memref_slice %arg2[%dma_start3A_883, %dma_start3A_884] : memref<10000x128xf32, #tpu.memory_space<hbm>> -> memref<10000x128xf32, #tpu.memory_space<hbm>>
        %dma_start3A_886 = tpu.memref_slice %arg15[%dma_start3A_875] : memref<2x!tpu.dma_semaphore, #tpu.memory_space<semaphore_mem>> -> memref<1x!tpu.dma_semaphore, #tpu.memory_space<semaphore_mem>>
        %dma_start3A_887 = tpu.memref_squeeze %dma_start3A_886 : memref<1x!tpu.dma_semaphore, #tpu.memory_space<semaphore_mem>> -> memref<!tpu.dma_semaphore, #tpu.memory_space<semaphore_mem>>
        tpu.enqueue_indirect_dma source(%dma_start3A_885 : memref<10000x128xf32, #tpu.memory_space<hbm>>) target(%dma_start3A_879 : memref<125x128xf32, #tpu.memory_space<vmem>>) offsets(%dma_start3A_882 : memref<125xi32, #tpu.memory_space<vmem>>) semaphore(%dma_start3A_887 : memref<!tpu.dma_semaphore, #tpu.memory_space<semaphore_mem>>)
      } else {
      }
      %dma_start3A_443 = arith.constant 1 : i32
      %dma_start3A_444 = arith.constant 7 : i32
      %dma_start3A_445 = arith.constant 1 : i32
      %dma_start3A_446 = arith.constant 0 : i32
      %dma_start3A_447 = arith.constant 0 : i32
      %dma_start3A_448 = tpu.memref_slice %arg13[%dma_start3A_443, %dma_start3A_446, %dma_start3A_447] : memref<2x125x128xf32, #tpu.memory_space<vmem>> -> memref<1x125x128xf32, #tpu.memory_space<vmem>>
      %dma_start3A_449 = tpu.memref_squeeze %dma_start3A_448 : memref<1x125x128xf32, #tpu.memory_space<vmem>> -> memref<125x128xf32, #tpu.memory_space<vmem>>
      %dma_start3A_450 = arith.constant 0 : i32
      %dma_start3A_451 = tpu.memref_slice %arg12[%rem3A_48, %dma_start3A_444, %dma_start3A_450] : memref<2x16x125xi32, #tpu.memory_space<vmem>> -> memref<1x1x125xi32, #tpu.memory_space<vmem>>
      %dma_start3A_452 = tpu.memref_squeeze %dma_start3A_451 : memref<1x1x125xi32, #tpu.memory_space<vmem>> -> memref<125xi32, #tpu.memory_space<vmem>>
      %dma_start3A_453 = arith.constant 0 : i32
      %dma_start3A_454 = arith.constant 0 : i32
      %dma_start3A_455 = tpu.memref_slice %arg9[%dma_start3A_453, %dma_start3A_454] : memref<10240x128xf32, #tpu.memory_space<vmem_shared>> -> memref<10240x128xf32, #tpu.memory_space<vmem_shared>>
      %dma_start3A_456 = tpu.memref_slice %arg16[%dma_start3A_445] : memref<2x!tpu.dma_semaphore, #tpu.memory_space<semaphore_mem>> -> memref<1x!tpu.dma_semaphore, #tpu.memory_space<semaphore_mem>>
      %dma_start3A_457 = tpu.memref_squeeze %dma_start3A_456 : memref<1x!tpu.dma_semaphore, #tpu.memory_space<semaphore_mem>> -> memref<!tpu.dma_semaphore, #tpu.memory_space<semaphore_mem>>
      tpu.enqueue_indirect_dma source(%dma_start3A_449 : memref<125x128xf32, #tpu.memory_space<vmem>>) target(%dma_start3A_455 : memref<10240x128xf32, #tpu.memory_space<vmem_shared>>) offsets(%dma_start3A_452 : memref<125xi32, #tpu.memory_space<vmem>>) semaphore(%dma_start3A_457 : memref<!tpu.dma_semaphore, #tpu.memory_space<semaphore_mem>>) {add = true}
      %dma_start3A_458 = arith.constant 7 : i32
      %dma_start3A_459 = arith.constant 0 : i32
      %dma_start3A_460 = tpu.memref_slice %arg12[%rem3A_48, %dma_start3A_458, %dma_start3A_459] : memref<2x16x125xi32, #tpu.memory_space<vmem>> -> memref<1x1x125xi32, #tpu.memory_space<vmem>>
      %dma_start3A_461 = tpu.memref_squeeze %dma_start3A_460 : memref<1x1x125xi32, #tpu.memory_space<vmem>> -> memref<125xi32, #tpu.memory_space<vmem>>
      %dma_start3A_462 = arith.constant 0 : i32
      %dma_start3A_463 = tpu.memref_slice %arg10[%dma_start3A_462] : memref<10240xf32, #tpu.memory_space<vmem_shared>> -> memref<10240xf32, #tpu.memory_space<vmem_shared>>
      tpu.enqueue_indirect_dma source(%arg14 : memref<125xf32, #tpu.memory_space<vmem>>) target(%dma_start3A_463 : memref<10240xf32, #tpu.memory_space<vmem_shared>>) offsets(%dma_start3A_461 : memref<125xi32, #tpu.memory_space<vmem>>) semaphore(%arg17 : memref<!tpu.dma_semaphore, #tpu.memory_space<semaphore_mem>>) {add = true}
      %mul3A_464 = arith.constant 16 : i32
      %mul3A_465 = arith.muli %scan3A_47, %mul3A_464 : i32
      %add3A_466 = arith.constant 8 : i32
      %add3A_467 = arith.addi %mul3A_465, %add3A_466 : i32
      %dma_wait3A_468 = arith.constant 0 : i32
      %dma_wait3A_469 = arith.constant 0 : i32
      %dma_wait3A_470 = arith.constant 0 : i32
      %dma_wait3A_471 = arith.constant 0 : i32
      %dma_wait3A_472 = tpu.memref_slice %arg13[%dma_wait3A_468, %dma_wait3A_470, %dma_wait3A_471] : memref<2x125x128xf32, #tpu.memory_space<vmem>> -> memref<1x125x128xf32, #tpu.memory_space<vmem>>
      %dma_wait3A_473 = tpu.memref_squeeze %dma_wait3A_472 : memref<1x125x128xf32, #tpu.memory_space<vmem>> -> memref<125x128xf32, #tpu.memory_space<vmem>>
      %dma_wait3A_474 = arith.constant 0 : i32
      %dma_wait3A_475 = tpu.memref_slice %arg11[%add3A_467, %dma_wait3A_474] : memref<80x125xi32, #tpu.memory_space<vmem>> -> memref<1x125xi32, #tpu.memory_space<vmem>>
      %dma_wait3A_476 = tpu.memref_squeeze %dma_wait3A_475 : memref<1x125xi32, #tpu.memory_space<vmem>> -> memref<125xi32, #tpu.memory_space<vmem>>
      %dma_wait3A_477 = arith.constant 0 : i32
      %dma_wait3A_478 = arith.constant 0 : i32
      %dma_wait3A_479 = tpu.memref_slice %arg2[%dma_wait3A_477, %dma_wait3A_478] : memref<10000x128xf32, #tpu.memory_space<hbm>> -> memref<10000x128xf32, #tpu.memory_space<hbm>>
      %dma_wait3A_480 = tpu.memref_slice %arg15[%dma_wait3A_469] : memref<2x!tpu.dma_semaphore, #tpu.memory_space<semaphore_mem>> -> memref<1x!tpu.dma_semaphore, #tpu.memory_space<semaphore_mem>>
      %dma_wait3A_481 = tpu.memref_squeeze %dma_wait3A_480 : memref<1x!tpu.dma_semaphore, #tpu.memory_space<semaphore_mem>> -> memref<!tpu.dma_semaphore, #tpu.memory_space<semaphore_mem>>
      tpu.wait_indirect_dma semaphore(%dma_wait3A_481 : memref<!tpu.dma_semaphore, #tpu.memory_space<semaphore_mem>>) src(%dma_wait3A_479 : memref<10000x128xf32, #tpu.memory_space<hbm>>) dst(%dma_wait3A_473 : memref<125x128xf32, #tpu.memory_space<vmem>>)
      %ge3A_482 = arith.constant 1 : i32
      %ge3A_483 = arith.cmpi sge, %add3A_467, %ge3A_482 : i32
      %convert_element_type3A_484 = arith.extui %ge3A_483 : i1 to i32
      %cond3A_485 = arith.constant 0 : i32
      %cond3A_486 = arith.cmpi ne, %convert_element_type3A_484, %cond3A_485 : i32
      scf.if %cond3A_486 {
        %dma_wait3A_872 = arith.constant 1 : i32
        %dma_wait3A_873 = arith.constant 8 : i32
        %dma_wait3A_874 = arith.constant 1 : i32
        %dma_wait3A_875 = arith.constant 0 : i32
        %dma_wait3A_876 = arith.constant 0 : i32
        %dma_wait3A_877 = tpu.memref_slice %arg13[%dma_wait3A_872, %dma_wait3A_875, %dma_wait3A_876] : memref<2x125x128xf32, #tpu.memory_space<vmem>> -> memref<1x125x128xf32, #tpu.memory_space<vmem>>
        %dma_wait3A_878 = tpu.memref_squeeze %dma_wait3A_877 : memref<1x125x128xf32, #tpu.memory_space<vmem>> -> memref<125x128xf32, #tpu.memory_space<vmem>>
        %dma_wait3A_879 = arith.constant 0 : i32
        %dma_wait3A_880 = tpu.memref_slice %arg12[%rem3A_48, %dma_wait3A_873, %dma_wait3A_879] : memref<2x16x125xi32, #tpu.memory_space<vmem>> -> memref<1x1x125xi32, #tpu.memory_space<vmem>>
        %dma_wait3A_881 = tpu.memref_squeeze %dma_wait3A_880 : memref<1x1x125xi32, #tpu.memory_space<vmem>> -> memref<125xi32, #tpu.memory_space<vmem>>
        %dma_wait3A_882 = arith.constant 0 : i32
        %dma_wait3A_883 = arith.constant 0 : i32
        %dma_wait3A_884 = tpu.memref_slice %arg9[%dma_wait3A_882, %dma_wait3A_883] : memref<10240x128xf32, #tpu.memory_space<vmem_shared>> -> memref<10240x128xf32, #tpu.memory_space<vmem_shared>>
        %dma_wait3A_885 = tpu.memref_slice %arg16[%dma_wait3A_874] : memref<2x!tpu.dma_semaphore, #tpu.memory_space<semaphore_mem>> -> memref<1x!tpu.dma_semaphore, #tpu.memory_space<semaphore_mem>>
        %dma_wait3A_886 = tpu.memref_squeeze %dma_wait3A_885 : memref<1x!tpu.dma_semaphore, #tpu.memory_space<semaphore_mem>> -> memref<!tpu.dma_semaphore, #tpu.memory_space<semaphore_mem>>
        tpu.wait_indirect_dma semaphore(%dma_wait3A_886 : memref<!tpu.dma_semaphore, #tpu.memory_space<semaphore_mem>>) src(%dma_wait3A_878 : memref<125x128xf32, #tpu.memory_space<vmem>>) dst(%dma_wait3A_884 : memref<10240x128xf32, #tpu.memory_space<vmem_shared>>)
        %dma_wait3A_887 = arith.constant 8 : i32
        %dma_wait3A_888 = arith.constant 0 : i32
        %dma_wait3A_889 = tpu.memref_slice %arg12[%rem3A_48, %dma_wait3A_887, %dma_wait3A_888] : memref<2x16x125xi32, #tpu.memory_space<vmem>> -> memref<1x1x125xi32, #tpu.memory_space<vmem>>
        %dma_wait3A_890 = tpu.memref_squeeze %dma_wait3A_889 : memref<1x1x125xi32, #tpu.memory_space<vmem>> -> memref<125xi32, #tpu.memory_space<vmem>>
        %dma_wait3A_891 = arith.constant 0 : i32
        %dma_wait3A_892 = tpu.memref_slice %arg10[%dma_wait3A_891] : memref<10240xf32, #tpu.memory_space<vmem_shared>> -> memref<10240xf32, #tpu.memory_space<vmem_shared>>
        tpu.wait_indirect_dma semaphore(%arg17 : memref<!tpu.dma_semaphore, #tpu.memory_space<semaphore_mem>>) src(%arg14 : memref<125xf32, #tpu.memory_space<vmem>>) dst(%dma_wait3A_892 : memref<10240xf32, #tpu.memory_space<vmem_shared>>)
      } else {
      }
      %add3A_487 = arith.constant 1 : i32
      %add3A_488 = arith.addi %add3A_467, %add3A_487 : i32
      %lt3A_489 = arith.constant 80 : i32
      %lt3A_490 = arith.cmpi slt, %add3A_488, %lt3A_489 : i32
      %convert_element_type3A_491 = arith.extui %lt3A_490 : i1 to i32
      %cond3A_492 = arith.constant 0 : i32
      %cond3A_493 = arith.cmpi ne, %convert_element_type3A_491, %cond3A_492 : i32
      scf.if %cond3A_493 {
        %add3A_872 = arith.constant 1 : i32
        %add3A_873 = arith.addi %add3A_467, %add3A_872 : i32
        %dma_start3A_874 = arith.constant 1 : i32
        %dma_start3A_875 = arith.constant 1 : i32
        %dma_start3A_876 = arith.constant 0 : i32
        %dma_start3A_877 = arith.constant 0 : i32
        %dma_start3A_878 = tpu.memref_slice %arg13[%dma_start3A_874, %dma_start3A_876, %dma_start3A_877] : memref<2x125x128xf32, #tpu.memory_space<vmem>> -> memref<1x125x128xf32, #tpu.memory_space<vmem>>
        %dma_start3A_879 = tpu.memref_squeeze %dma_start3A_878 : memref<1x125x128xf32, #tpu.memory_space<vmem>> -> memref<125x128xf32, #tpu.memory_space<vmem>>
        %dma_start3A_880 = arith.constant 0 : i32
        %dma_start3A_881 = tpu.memref_slice %arg11[%add3A_873, %dma_start3A_880] : memref<80x125xi32, #tpu.memory_space<vmem>> -> memref<1x125xi32, #tpu.memory_space<vmem>>
        %dma_start3A_882 = tpu.memref_squeeze %dma_start3A_881 : memref<1x125xi32, #tpu.memory_space<vmem>> -> memref<125xi32, #tpu.memory_space<vmem>>
        %dma_start3A_883 = arith.constant 0 : i32
        %dma_start3A_884 = arith.constant 0 : i32
        %dma_start3A_885 = tpu.memref_slice %arg2[%dma_start3A_883, %dma_start3A_884] : memref<10000x128xf32, #tpu.memory_space<hbm>> -> memref<10000x128xf32, #tpu.memory_space<hbm>>
        %dma_start3A_886 = tpu.memref_slice %arg15[%dma_start3A_875] : memref<2x!tpu.dma_semaphore, #tpu.memory_space<semaphore_mem>> -> memref<1x!tpu.dma_semaphore, #tpu.memory_space<semaphore_mem>>
        %dma_start3A_887 = tpu.memref_squeeze %dma_start3A_886 : memref<1x!tpu.dma_semaphore, #tpu.memory_space<semaphore_mem>> -> memref<!tpu.dma_semaphore, #tpu.memory_space<semaphore_mem>>
        tpu.enqueue_indirect_dma source(%dma_start3A_885 : memref<10000x128xf32, #tpu.memory_space<hbm>>) target(%dma_start3A_879 : memref<125x128xf32, #tpu.memory_space<vmem>>) offsets(%dma_start3A_882 : memref<125xi32, #tpu.memory_space<vmem>>) semaphore(%dma_start3A_887 : memref<!tpu.dma_semaphore, #tpu.memory_space<semaphore_mem>>)
      } else {
      }
      %dma_start3A_494 = arith.constant 0 : i32
      %dma_start3A_495 = arith.constant 8 : i32
      %dma_start3A_496 = arith.constant 0 : i32
      %dma_start3A_497 = arith.constant 0 : i32
      %dma_start3A_498 = arith.constant 0 : i32
      %dma_start3A_499 = tpu.memref_slice %arg13[%dma_start3A_494, %dma_start3A_497, %dma_start3A_498] : memref<2x125x128xf32, #tpu.memory_space<vmem>> -> memref<1x125x128xf32, #tpu.memory_space<vmem>>
      %dma_start3A_500 = tpu.memref_squeeze %dma_start3A_499 : memref<1x125x128xf32, #tpu.memory_space<vmem>> -> memref<125x128xf32, #tpu.memory_space<vmem>>
      %dma_start3A_501 = arith.constant 0 : i32
      %dma_start3A_502 = tpu.memref_slice %arg12[%rem3A_48, %dma_start3A_495, %dma_start3A_501] : memref<2x16x125xi32, #tpu.memory_space<vmem>> -> memref<1x1x125xi32, #tpu.memory_space<vmem>>
      %dma_start3A_503 = tpu.memref_squeeze %dma_start3A_502 : memref<1x1x125xi32, #tpu.memory_space<vmem>> -> memref<125xi32, #tpu.memory_space<vmem>>
      %dma_start3A_504 = arith.constant 0 : i32
      %dma_start3A_505 = arith.constant 0 : i32
      %dma_start3A_506 = tpu.memref_slice %arg9[%dma_start3A_504, %dma_start3A_505] : memref<10240x128xf32, #tpu.memory_space<vmem_shared>> -> memref<10240x128xf32, #tpu.memory_space<vmem_shared>>
      %dma_start3A_507 = tpu.memref_slice %arg16[%dma_start3A_496] : memref<2x!tpu.dma_semaphore, #tpu.memory_space<semaphore_mem>> -> memref<1x!tpu.dma_semaphore, #tpu.memory_space<semaphore_mem>>
      %dma_start3A_508 = tpu.memref_squeeze %dma_start3A_507 : memref<1x!tpu.dma_semaphore, #tpu.memory_space<semaphore_mem>> -> memref<!tpu.dma_semaphore, #tpu.memory_space<semaphore_mem>>
      tpu.enqueue_indirect_dma source(%dma_start3A_500 : memref<125x128xf32, #tpu.memory_space<vmem>>) target(%dma_start3A_506 : memref<10240x128xf32, #tpu.memory_space<vmem_shared>>) offsets(%dma_start3A_503 : memref<125xi32, #tpu.memory_space<vmem>>) semaphore(%dma_start3A_508 : memref<!tpu.dma_semaphore, #tpu.memory_space<semaphore_mem>>) {add = true}
      %dma_start3A_509 = arith.constant 8 : i32
      %dma_start3A_510 = arith.constant 0 : i32
      %dma_start3A_511 = tpu.memref_slice %arg12[%rem3A_48, %dma_start3A_509, %dma_start3A_510] : memref<2x16x125xi32, #tpu.memory_space<vmem>> -> memref<1x1x125xi32, #tpu.memory_space<vmem>>
      %dma_start3A_512 = tpu.memref_squeeze %dma_start3A_511 : memref<1x1x125xi32, #tpu.memory_space<vmem>> -> memref<125xi32, #tpu.memory_space<vmem>>
      %dma_start3A_513 = arith.constant 0 : i32
      %dma_start3A_514 = tpu.memref_slice %arg10[%dma_start3A_513] : memref<10240xf32, #tpu.memory_space<vmem_shared>> -> memref<10240xf32, #tpu.memory_space<vmem_shared>>
      tpu.enqueue_indirect_dma source(%arg14 : memref<125xf32, #tpu.memory_space<vmem>>) target(%dma_start3A_514 : memref<10240xf32, #tpu.memory_space<vmem_shared>>) offsets(%dma_start3A_512 : memref<125xi32, #tpu.memory_space<vmem>>) semaphore(%arg17 : memref<!tpu.dma_semaphore, #tpu.memory_space<semaphore_mem>>) {add = true}
      %mul3A_515 = arith.constant 16 : i32
      %mul3A_516 = arith.muli %scan3A_47, %mul3A_515 : i32
      %add3A_517 = arith.constant 9 : i32
      %add3A_518 = arith.addi %mul3A_516, %add3A_517 : i32
      %dma_wait3A_519 = arith.constant 1 : i32
      %dma_wait3A_520 = arith.constant 1 : i32
      %dma_wait3A_521 = arith.constant 0 : i32
      %dma_wait3A_522 = arith.constant 0 : i32
      %dma_wait3A_523 = tpu.memref_slice %arg13[%dma_wait3A_519, %dma_wait3A_521, %dma_wait3A_522] : memref<2x125x128xf32, #tpu.memory_space<vmem>> -> memref<1x125x128xf32, #tpu.memory_space<vmem>>
      %dma_wait3A_524 = tpu.memref_squeeze %dma_wait3A_523 : memref<1x125x128xf32, #tpu.memory_space<vmem>> -> memref<125x128xf32, #tpu.memory_space<vmem>>
      %dma_wait3A_525 = arith.constant 0 : i32
      %dma_wait3A_526 = tpu.memref_slice %arg11[%add3A_518, %dma_wait3A_525] : memref<80x125xi32, #tpu.memory_space<vmem>> -> memref<1x125xi32, #tpu.memory_space<vmem>>
      %dma_wait3A_527 = tpu.memref_squeeze %dma_wait3A_526 : memref<1x125xi32, #tpu.memory_space<vmem>> -> memref<125xi32, #tpu.memory_space<vmem>>
      %dma_wait3A_528 = arith.constant 0 : i32
      %dma_wait3A_529 = arith.constant 0 : i32
      %dma_wait3A_530 = tpu.memref_slice %arg2[%dma_wait3A_528, %dma_wait3A_529] : memref<10000x128xf32, #tpu.memory_space<hbm>> -> memref<10000x128xf32, #tpu.memory_space<hbm>>
      %dma_wait3A_531 = tpu.memref_slice %arg15[%dma_wait3A_520] : memref<2x!tpu.dma_semaphore, #tpu.memory_space<semaphore_mem>> -> memref<1x!tpu.dma_semaphore, #tpu.memory_space<semaphore_mem>>
      %dma_wait3A_532 = tpu.memref_squeeze %dma_wait3A_531 : memref<1x!tpu.dma_semaphore, #tpu.memory_space<semaphore_mem>> -> memref<!tpu.dma_semaphore, #tpu.memory_space<semaphore_mem>>
      tpu.wait_indirect_dma semaphore(%dma_wait3A_532 : memref<!tpu.dma_semaphore, #tpu.memory_space<semaphore_mem>>) src(%dma_wait3A_530 : memref<10000x128xf32, #tpu.memory_space<hbm>>) dst(%dma_wait3A_524 : memref<125x128xf32, #tpu.memory_space<vmem>>)
      %ge3A_533 = arith.constant 1 : i32
      %ge3A_534 = arith.cmpi sge, %add3A_518, %ge3A_533 : i32
      %convert_element_type3A_535 = arith.extui %ge3A_534 : i1 to i32
      %cond3A_536 = arith.constant 0 : i32
      %cond3A_537 = arith.cmpi ne, %convert_element_type3A_535, %cond3A_536 : i32
      scf.if %cond3A_537 {
        %dma_wait3A_872 = arith.constant 0 : i32
        %dma_wait3A_873 = arith.constant 9 : i32
        %dma_wait3A_874 = arith.constant 0 : i32
        %dma_wait3A_875 = arith.constant 0 : i32
        %dma_wait3A_876 = arith.constant 0 : i32
        %dma_wait3A_877 = tpu.memref_slice %arg13[%dma_wait3A_872, %dma_wait3A_875, %dma_wait3A_876] : memref<2x125x128xf32, #tpu.memory_space<vmem>> -> memref<1x125x128xf32, #tpu.memory_space<vmem>>
        %dma_wait3A_878 = tpu.memref_squeeze %dma_wait3A_877 : memref<1x125x128xf32, #tpu.memory_space<vmem>> -> memref<125x128xf32, #tpu.memory_space<vmem>>
        %dma_wait3A_879 = arith.constant 0 : i32
        %dma_wait3A_880 = tpu.memref_slice %arg12[%rem3A_48, %dma_wait3A_873, %dma_wait3A_879] : memref<2x16x125xi32, #tpu.memory_space<vmem>> -> memref<1x1x125xi32, #tpu.memory_space<vmem>>
        %dma_wait3A_881 = tpu.memref_squeeze %dma_wait3A_880 : memref<1x1x125xi32, #tpu.memory_space<vmem>> -> memref<125xi32, #tpu.memory_space<vmem>>
        %dma_wait3A_882 = arith.constant 0 : i32
        %dma_wait3A_883 = arith.constant 0 : i32
        %dma_wait3A_884 = tpu.memref_slice %arg9[%dma_wait3A_882, %dma_wait3A_883] : memref<10240x128xf32, #tpu.memory_space<vmem_shared>> -> memref<10240x128xf32, #tpu.memory_space<vmem_shared>>
        %dma_wait3A_885 = tpu.memref_slice %arg16[%dma_wait3A_874] : memref<2x!tpu.dma_semaphore, #tpu.memory_space<semaphore_mem>> -> memref<1x!tpu.dma_semaphore, #tpu.memory_space<semaphore_mem>>
        %dma_wait3A_886 = tpu.memref_squeeze %dma_wait3A_885 : memref<1x!tpu.dma_semaphore, #tpu.memory_space<semaphore_mem>> -> memref<!tpu.dma_semaphore, #tpu.memory_space<semaphore_mem>>
        tpu.wait_indirect_dma semaphore(%dma_wait3A_886 : memref<!tpu.dma_semaphore, #tpu.memory_space<semaphore_mem>>) src(%dma_wait3A_878 : memref<125x128xf32, #tpu.memory_space<vmem>>) dst(%dma_wait3A_884 : memref<10240x128xf32, #tpu.memory_space<vmem_shared>>)
        %dma_wait3A_887 = arith.constant 9 : i32
        %dma_wait3A_888 = arith.constant 0 : i32
        %dma_wait3A_889 = tpu.memref_slice %arg12[%rem3A_48, %dma_wait3A_887, %dma_wait3A_888] : memref<2x16x125xi32, #tpu.memory_space<vmem>> -> memref<1x1x125xi32, #tpu.memory_space<vmem>>
        %dma_wait3A_890 = tpu.memref_squeeze %dma_wait3A_889 : memref<1x1x125xi32, #tpu.memory_space<vmem>> -> memref<125xi32, #tpu.memory_space<vmem>>
        %dma_wait3A_891 = arith.constant 0 : i32
        %dma_wait3A_892 = tpu.memref_slice %arg10[%dma_wait3A_891] : memref<10240xf32, #tpu.memory_space<vmem_shared>> -> memref<10240xf32, #tpu.memory_space<vmem_shared>>
        tpu.wait_indirect_dma semaphore(%arg17 : memref<!tpu.dma_semaphore, #tpu.memory_space<semaphore_mem>>) src(%arg14 : memref<125xf32, #tpu.memory_space<vmem>>) dst(%dma_wait3A_892 : memref<10240xf32, #tpu.memory_space<vmem_shared>>)
      } else {
      }
      %add3A_538 = arith.constant 1 : i32
      %add3A_539 = arith.addi %add3A_518, %add3A_538 : i32
      %lt3A_540 = arith.constant 80 : i32
      %lt3A_541 = arith.cmpi slt, %add3A_539, %lt3A_540 : i32
      %convert_element_type3A_542 = arith.extui %lt3A_541 : i1 to i32
      %cond3A_543 = arith.constant 0 : i32
      %cond3A_544 = arith.cmpi ne, %convert_element_type3A_542, %cond3A_543 : i32
      scf.if %cond3A_544 {
        %add3A_872 = arith.constant 1 : i32
        %add3A_873 = arith.addi %add3A_518, %add3A_872 : i32
        %dma_start3A_874 = arith.constant 0 : i32
        %dma_start3A_875 = arith.constant 0 : i32
        %dma_start3A_876 = arith.constant 0 : i32
        %dma_start3A_877 = arith.constant 0 : i32
        %dma_start3A_878 = tpu.memref_slice %arg13[%dma_start3A_874, %dma_start3A_876, %dma_start3A_877] : memref<2x125x128xf32, #tpu.memory_space<vmem>> -> memref<1x125x128xf32, #tpu.memory_space<vmem>>
        %dma_start3A_879 = tpu.memref_squeeze %dma_start3A_878 : memref<1x125x128xf32, #tpu.memory_space<vmem>> -> memref<125x128xf32, #tpu.memory_space<vmem>>
        %dma_start3A_880 = arith.constant 0 : i32
        %dma_start3A_881 = tpu.memref_slice %arg11[%add3A_873, %dma_start3A_880] : memref<80x125xi32, #tpu.memory_space<vmem>> -> memref<1x125xi32, #tpu.memory_space<vmem>>
        %dma_start3A_882 = tpu.memref_squeeze %dma_start3A_881 : memref<1x125xi32, #tpu.memory_space<vmem>> -> memref<125xi32, #tpu.memory_space<vmem>>
        %dma_start3A_883 = arith.constant 0 : i32
        %dma_start3A_884 = arith.constant 0 : i32
        %dma_start3A_885 = tpu.memref_slice %arg2[%dma_start3A_883, %dma_start3A_884] : memref<10000x128xf32, #tpu.memory_space<hbm>> -> memref<10000x128xf32, #tpu.memory_space<hbm>>
        %dma_start3A_886 = tpu.memref_slice %arg15[%dma_start3A_875] : memref<2x!tpu.dma_semaphore, #tpu.memory_space<semaphore_mem>> -> memref<1x!tpu.dma_semaphore, #tpu.memory_space<semaphore_mem>>
        %dma_start3A_887 = tpu.memref_squeeze %dma_start3A_886 : memref<1x!tpu.dma_semaphore, #tpu.memory_space<semaphore_mem>> -> memref<!tpu.dma_semaphore, #tpu.memory_space<semaphore_mem>>
        tpu.enqueue_indirect_dma source(%dma_start3A_885 : memref<10000x128xf32, #tpu.memory_space<hbm>>) target(%dma_start3A_879 : memref<125x128xf32, #tpu.memory_space<vmem>>) offsets(%dma_start3A_882 : memref<125xi32, #tpu.memory_space<vmem>>) semaphore(%dma_start3A_887 : memref<!tpu.dma_semaphore, #tpu.memory_space<semaphore_mem>>)
      } else {
      }
      %dma_start3A_545 = arith.constant 1 : i32
      %dma_start3A_546 = arith.constant 9 : i32
      %dma_start3A_547 = arith.constant 1 : i32
      %dma_start3A_548 = arith.constant 0 : i32
      %dma_start3A_549 = arith.constant 0 : i32
      %dma_start3A_550 = tpu.memref_slice %arg13[%dma_start3A_545, %dma_start3A_548, %dma_start3A_549] : memref<2x125x128xf32, #tpu.memory_space<vmem>> -> memref<1x125x128xf32, #tpu.memory_space<vmem>>
      %dma_start3A_551 = tpu.memref_squeeze %dma_start3A_550 : memref<1x125x128xf32, #tpu.memory_space<vmem>> -> memref<125x128xf32, #tpu.memory_space<vmem>>
      %dma_start3A_552 = arith.constant 0 : i32
      %dma_start3A_553 = tpu.memref_slice %arg12[%rem3A_48, %dma_start3A_546, %dma_start3A_552] : memref<2x16x125xi32, #tpu.memory_space<vmem>> -> memref<1x1x125xi32, #tpu.memory_space<vmem>>
      %dma_start3A_554 = tpu.memref_squeeze %dma_start3A_553 : memref<1x1x125xi32, #tpu.memory_space<vmem>> -> memref<125xi32, #tpu.memory_space<vmem>>
      %dma_start3A_555 = arith.constant 0 : i32
      %dma_start3A_556 = arith.constant 0 : i32
      %dma_start3A_557 = tpu.memref_slice %arg9[%dma_start3A_555, %dma_start3A_556] : memref<10240x128xf32, #tpu.memory_space<vmem_shared>> -> memref<10240x128xf32, #tpu.memory_space<vmem_shared>>
      %dma_start3A_558 = tpu.memref_slice %arg16[%dma_start3A_547] : memref<2x!tpu.dma_semaphore, #tpu.memory_space<semaphore_mem>> -> memref<1x!tpu.dma_semaphore, #tpu.memory_space<semaphore_mem>>
      %dma_start3A_559 = tpu.memref_squeeze %dma_start3A_558 : memref<1x!tpu.dma_semaphore, #tpu.memory_space<semaphore_mem>> -> memref<!tpu.dma_semaphore, #tpu.memory_space<semaphore_mem>>
      tpu.enqueue_indirect_dma source(%dma_start3A_551 : memref<125x128xf32, #tpu.memory_space<vmem>>) target(%dma_start3A_557 : memref<10240x128xf32, #tpu.memory_space<vmem_shared>>) offsets(%dma_start3A_554 : memref<125xi32, #tpu.memory_space<vmem>>) semaphore(%dma_start3A_559 : memref<!tpu.dma_semaphore, #tpu.memory_space<semaphore_mem>>) {add = true}
      %dma_start3A_560 = arith.constant 9 : i32
      %dma_start3A_561 = arith.constant 0 : i32
      %dma_start3A_562 = tpu.memref_slice %arg12[%rem3A_48, %dma_start3A_560, %dma_start3A_561] : memref<2x16x125xi32, #tpu.memory_space<vmem>> -> memref<1x1x125xi32, #tpu.memory_space<vmem>>
      %dma_start3A_563 = tpu.memref_squeeze %dma_start3A_562 : memref<1x1x125xi32, #tpu.memory_space<vmem>> -> memref<125xi32, #tpu.memory_space<vmem>>
      %dma_start3A_564 = arith.constant 0 : i32
      %dma_start3A_565 = tpu.memref_slice %arg10[%dma_start3A_564] : memref<10240xf32, #tpu.memory_space<vmem_shared>> -> memref<10240xf32, #tpu.memory_space<vmem_shared>>
      tpu.enqueue_indirect_dma source(%arg14 : memref<125xf32, #tpu.memory_space<vmem>>) target(%dma_start3A_565 : memref<10240xf32, #tpu.memory_space<vmem_shared>>) offsets(%dma_start3A_563 : memref<125xi32, #tpu.memory_space<vmem>>) semaphore(%arg17 : memref<!tpu.dma_semaphore, #tpu.memory_space<semaphore_mem>>) {add = true}
      %mul3A_566 = arith.constant 16 : i32
      %mul3A_567 = arith.muli %scan3A_47, %mul3A_566 : i32
      %add3A_568 = arith.constant 10 : i32
      %add3A_569 = arith.addi %mul3A_567, %add3A_568 : i32
      %dma_wait3A_570 = arith.constant 0 : i32
      %dma_wait3A_571 = arith.constant 0 : i32
      %dma_wait3A_572 = arith.constant 0 : i32
      %dma_wait3A_573 = arith.constant 0 : i32
      %dma_wait3A_574 = tpu.memref_slice %arg13[%dma_wait3A_570, %dma_wait3A_572, %dma_wait3A_573] : memref<2x125x128xf32, #tpu.memory_space<vmem>> -> memref<1x125x128xf32, #tpu.memory_space<vmem>>
      %dma_wait3A_575 = tpu.memref_squeeze %dma_wait3A_574 : memref<1x125x128xf32, #tpu.memory_space<vmem>> -> memref<125x128xf32, #tpu.memory_space<vmem>>
      %dma_wait3A_576 = arith.constant 0 : i32
      %dma_wait3A_577 = tpu.memref_slice %arg11[%add3A_569, %dma_wait3A_576] : memref<80x125xi32, #tpu.memory_space<vmem>> -> memref<1x125xi32, #tpu.memory_space<vmem>>
      %dma_wait3A_578 = tpu.memref_squeeze %dma_wait3A_577 : memref<1x125xi32, #tpu.memory_space<vmem>> -> memref<125xi32, #tpu.memory_space<vmem>>
      %dma_wait3A_579 = arith.constant 0 : i32
      %dma_wait3A_580 = arith.constant 0 : i32
      %dma_wait3A_581 = tpu.memref_slice %arg2[%dma_wait3A_579, %dma_wait3A_580] : memref<10000x128xf32, #tpu.memory_space<hbm>> -> memref<10000x128xf32, #tpu.memory_space<hbm>>
      %dma_wait3A_582 = tpu.memref_slice %arg15[%dma_wait3A_571] : memref<2x!tpu.dma_semaphore, #tpu.memory_space<semaphore_mem>> -> memref<1x!tpu.dma_semaphore, #tpu.memory_space<semaphore_mem>>
      %dma_wait3A_583 = tpu.memref_squeeze %dma_wait3A_582 : memref<1x!tpu.dma_semaphore, #tpu.memory_space<semaphore_mem>> -> memref<!tpu.dma_semaphore, #tpu.memory_space<semaphore_mem>>
      tpu.wait_indirect_dma semaphore(%dma_wait3A_583 : memref<!tpu.dma_semaphore, #tpu.memory_space<semaphore_mem>>) src(%dma_wait3A_581 : memref<10000x128xf32, #tpu.memory_space<hbm>>) dst(%dma_wait3A_575 : memref<125x128xf32, #tpu.memory_space<vmem>>)
      %ge3A_584 = arith.constant 1 : i32
      %ge3A_585 = arith.cmpi sge, %add3A_569, %ge3A_584 : i32
      %convert_element_type3A_586 = arith.extui %ge3A_585 : i1 to i32
      %cond3A_587 = arith.constant 0 : i32
      %cond3A_588 = arith.cmpi ne, %convert_element_type3A_586, %cond3A_587 : i32
      scf.if %cond3A_588 {
        %dma_wait3A_872 = arith.constant 1 : i32
        %dma_wait3A_873 = arith.constant 10 : i32
        %dma_wait3A_874 = arith.constant 1 : i32
        %dma_wait3A_875 = arith.constant 0 : i32
        %dma_wait3A_876 = arith.constant 0 : i32
        %dma_wait3A_877 = tpu.memref_slice %arg13[%dma_wait3A_872, %dma_wait3A_875, %dma_wait3A_876] : memref<2x125x128xf32, #tpu.memory_space<vmem>> -> memref<1x125x128xf32, #tpu.memory_space<vmem>>
        %dma_wait3A_878 = tpu.memref_squeeze %dma_wait3A_877 : memref<1x125x128xf32, #tpu.memory_space<vmem>> -> memref<125x128xf32, #tpu.memory_space<vmem>>
        %dma_wait3A_879 = arith.constant 0 : i32
        %dma_wait3A_880 = tpu.memref_slice %arg12[%rem3A_48, %dma_wait3A_873, %dma_wait3A_879] : memref<2x16x125xi32, #tpu.memory_space<vmem>> -> memref<1x1x125xi32, #tpu.memory_space<vmem>>
        %dma_wait3A_881 = tpu.memref_squeeze %dma_wait3A_880 : memref<1x1x125xi32, #tpu.memory_space<vmem>> -> memref<125xi32, #tpu.memory_space<vmem>>
        %dma_wait3A_882 = arith.constant 0 : i32
        %dma_wait3A_883 = arith.constant 0 : i32
        %dma_wait3A_884 = tpu.memref_slice %arg9[%dma_wait3A_882, %dma_wait3A_883] : memref<10240x128xf32, #tpu.memory_space<vmem_shared>> -> memref<10240x128xf32, #tpu.memory_space<vmem_shared>>
        %dma_wait3A_885 = tpu.memref_slice %arg16[%dma_wait3A_874] : memref<2x!tpu.dma_semaphore, #tpu.memory_space<semaphore_mem>> -> memref<1x!tpu.dma_semaphore, #tpu.memory_space<semaphore_mem>>
        %dma_wait3A_886 = tpu.memref_squeeze %dma_wait3A_885 : memref<1x!tpu.dma_semaphore, #tpu.memory_space<semaphore_mem>> -> memref<!tpu.dma_semaphore, #tpu.memory_space<semaphore_mem>>
        tpu.wait_indirect_dma semaphore(%dma_wait3A_886 : memref<!tpu.dma_semaphore, #tpu.memory_space<semaphore_mem>>) src(%dma_wait3A_878 : memref<125x128xf32, #tpu.memory_space<vmem>>) dst(%dma_wait3A_884 : memref<10240x128xf32, #tpu.memory_space<vmem_shared>>)
        %dma_wait3A_887 = arith.constant 10 : i32
        %dma_wait3A_888 = arith.constant 0 : i32
        %dma_wait3A_889 = tpu.memref_slice %arg12[%rem3A_48, %dma_wait3A_887, %dma_wait3A_888] : memref<2x16x125xi32, #tpu.memory_space<vmem>> -> memref<1x1x125xi32, #tpu.memory_space<vmem>>
        %dma_wait3A_890 = tpu.memref_squeeze %dma_wait3A_889 : memref<1x1x125xi32, #tpu.memory_space<vmem>> -> memref<125xi32, #tpu.memory_space<vmem>>
        %dma_wait3A_891 = arith.constant 0 : i32
        %dma_wait3A_892 = tpu.memref_slice %arg10[%dma_wait3A_891] : memref<10240xf32, #tpu.memory_space<vmem_shared>> -> memref<10240xf32, #tpu.memory_space<vmem_shared>>
        tpu.wait_indirect_dma semaphore(%arg17 : memref<!tpu.dma_semaphore, #tpu.memory_space<semaphore_mem>>) src(%arg14 : memref<125xf32, #tpu.memory_space<vmem>>) dst(%dma_wait3A_892 : memref<10240xf32, #tpu.memory_space<vmem_shared>>)
      } else {
      }
      %add3A_589 = arith.constant 1 : i32
      %add3A_590 = arith.addi %add3A_569, %add3A_589 : i32
      %lt3A_591 = arith.constant 80 : i32
      %lt3A_592 = arith.cmpi slt, %add3A_590, %lt3A_591 : i32
      %convert_element_type3A_593 = arith.extui %lt3A_592 : i1 to i32
      %cond3A_594 = arith.constant 0 : i32
      %cond3A_595 = arith.cmpi ne, %convert_element_type3A_593, %cond3A_594 : i32
      scf.if %cond3A_595 {
        %add3A_872 = arith.constant 1 : i32
        %add3A_873 = arith.addi %add3A_569, %add3A_872 : i32
        %dma_start3A_874 = arith.constant 1 : i32
        %dma_start3A_875 = arith.constant 1 : i32
        %dma_start3A_876 = arith.constant 0 : i32
        %dma_start3A_877 = arith.constant 0 : i32
        %dma_start3A_878 = tpu.memref_slice %arg13[%dma_start3A_874, %dma_start3A_876, %dma_start3A_877] : memref<2x125x128xf32, #tpu.memory_space<vmem>> -> memref<1x125x128xf32, #tpu.memory_space<vmem>>
        %dma_start3A_879 = tpu.memref_squeeze %dma_start3A_878 : memref<1x125x128xf32, #tpu.memory_space<vmem>> -> memref<125x128xf32, #tpu.memory_space<vmem>>
        %dma_start3A_880 = arith.constant 0 : i32
        %dma_start3A_881 = tpu.memref_slice %arg11[%add3A_873, %dma_start3A_880] : memref<80x125xi32, #tpu.memory_space<vmem>> -> memref<1x125xi32, #tpu.memory_space<vmem>>
        %dma_start3A_882 = tpu.memref_squeeze %dma_start3A_881 : memref<1x125xi32, #tpu.memory_space<vmem>> -> memref<125xi32, #tpu.memory_space<vmem>>
        %dma_start3A_883 = arith.constant 0 : i32
        %dma_start3A_884 = arith.constant 0 : i32
        %dma_start3A_885 = tpu.memref_slice %arg2[%dma_start3A_883, %dma_start3A_884] : memref<10000x128xf32, #tpu.memory_space<hbm>> -> memref<10000x128xf32, #tpu.memory_space<hbm>>
        %dma_start3A_886 = tpu.memref_slice %arg15[%dma_start3A_875] : memref<2x!tpu.dma_semaphore, #tpu.memory_space<semaphore_mem>> -> memref<1x!tpu.dma_semaphore, #tpu.memory_space<semaphore_mem>>
        %dma_start3A_887 = tpu.memref_squeeze %dma_start3A_886 : memref<1x!tpu.dma_semaphore, #tpu.memory_space<semaphore_mem>> -> memref<!tpu.dma_semaphore, #tpu.memory_space<semaphore_mem>>
        tpu.enqueue_indirect_dma source(%dma_start3A_885 : memref<10000x128xf32, #tpu.memory_space<hbm>>) target(%dma_start3A_879 : memref<125x128xf32, #tpu.memory_space<vmem>>) offsets(%dma_start3A_882 : memref<125xi32, #tpu.memory_space<vmem>>) semaphore(%dma_start3A_887 : memref<!tpu.dma_semaphore, #tpu.memory_space<semaphore_mem>>)
      } else {
      }
      %dma_start3A_596 = arith.constant 0 : i32
      %dma_start3A_597 = arith.constant 10 : i32
      %dma_start3A_598 = arith.constant 0 : i32
      %dma_start3A_599 = arith.constant 0 : i32
      %dma_start3A_600 = arith.constant 0 : i32
      %dma_start3A_601 = tpu.memref_slice %arg13[%dma_start3A_596, %dma_start3A_599, %dma_start3A_600] : memref<2x125x128xf32, #tpu.memory_space<vmem>> -> memref<1x125x128xf32, #tpu.memory_space<vmem>>
      %dma_start3A_602 = tpu.memref_squeeze %dma_start3A_601 : memref<1x125x128xf32, #tpu.memory_space<vmem>> -> memref<125x128xf32, #tpu.memory_space<vmem>>
      %dma_start3A_603 = arith.constant 0 : i32
      %dma_start3A_604 = tpu.memref_slice %arg12[%rem3A_48, %dma_start3A_597, %dma_start3A_603] : memref<2x16x125xi32, #tpu.memory_space<vmem>> -> memref<1x1x125xi32, #tpu.memory_space<vmem>>
      %dma_start3A_605 = tpu.memref_squeeze %dma_start3A_604 : memref<1x1x125xi32, #tpu.memory_space<vmem>> -> memref<125xi32, #tpu.memory_space<vmem>>
      %dma_start3A_606 = arith.constant 0 : i32
      %dma_start3A_607 = arith.constant 0 : i32
      %dma_start3A_608 = tpu.memref_slice %arg9[%dma_start3A_606, %dma_start3A_607] : memref<10240x128xf32, #tpu.memory_space<vmem_shared>> -> memref<10240x128xf32, #tpu.memory_space<vmem_shared>>
      %dma_start3A_609 = tpu.memref_slice %arg16[%dma_start3A_598] : memref<2x!tpu.dma_semaphore, #tpu.memory_space<semaphore_mem>> -> memref<1x!tpu.dma_semaphore, #tpu.memory_space<semaphore_mem>>
      %dma_start3A_610 = tpu.memref_squeeze %dma_start3A_609 : memref<1x!tpu.dma_semaphore, #tpu.memory_space<semaphore_mem>> -> memref<!tpu.dma_semaphore, #tpu.memory_space<semaphore_mem>>
      tpu.enqueue_indirect_dma source(%dma_start3A_602 : memref<125x128xf32, #tpu.memory_space<vmem>>) target(%dma_start3A_608 : memref<10240x128xf32, #tpu.memory_space<vmem_shared>>) offsets(%dma_start3A_605 : memref<125xi32, #tpu.memory_space<vmem>>) semaphore(%dma_start3A_610 : memref<!tpu.dma_semaphore, #tpu.memory_space<semaphore_mem>>) {add = true}
      %dma_start3A_611 = arith.constant 10 : i32
      %dma_start3A_612 = arith.constant 0 : i32
      %dma_start3A_613 = tpu.memref_slice %arg12[%rem3A_48, %dma_start3A_611, %dma_start3A_612] : memref<2x16x125xi32, #tpu.memory_space<vmem>> -> memref<1x1x125xi32, #tpu.memory_space<vmem>>
      %dma_start3A_614 = tpu.memref_squeeze %dma_start3A_613 : memref<1x1x125xi32, #tpu.memory_space<vmem>> -> memref<125xi32, #tpu.memory_space<vmem>>
      %dma_start3A_615 = arith.constant 0 : i32
      %dma_start3A_616 = tpu.memref_slice %arg10[%dma_start3A_615] : memref<10240xf32, #tpu.memory_space<vmem_shared>> -> memref<10240xf32, #tpu.memory_space<vmem_shared>>
      tpu.enqueue_indirect_dma source(%arg14 : memref<125xf32, #tpu.memory_space<vmem>>) target(%dma_start3A_616 : memref<10240xf32, #tpu.memory_space<vmem_shared>>) offsets(%dma_start3A_614 : memref<125xi32, #tpu.memory_space<vmem>>) semaphore(%arg17 : memref<!tpu.dma_semaphore, #tpu.memory_space<semaphore_mem>>) {add = true}
      %mul3A_617 = arith.constant 16 : i32
      %mul3A_618 = arith.muli %scan3A_47, %mul3A_617 : i32
      %add3A_619 = arith.constant 11 : i32
      %add3A_620 = arith.addi %mul3A_618, %add3A_619 : i32
      %dma_wait3A_621 = arith.constant 1 : i32
      %dma_wait3A_622 = arith.constant 1 : i32
      %dma_wait3A_623 = arith.constant 0 : i32
      %dma_wait3A_624 = arith.constant 0 : i32
      %dma_wait3A_625 = tpu.memref_slice %arg13[%dma_wait3A_621, %dma_wait3A_623, %dma_wait3A_624] : memref<2x125x128xf32, #tpu.memory_space<vmem>> -> memref<1x125x128xf32, #tpu.memory_space<vmem>>
      %dma_wait3A_626 = tpu.memref_squeeze %dma_wait3A_625 : memref<1x125x128xf32, #tpu.memory_space<vmem>> -> memref<125x128xf32, #tpu.memory_space<vmem>>
      %dma_wait3A_627 = arith.constant 0 : i32
      %dma_wait3A_628 = tpu.memref_slice %arg11[%add3A_620, %dma_wait3A_627] : memref<80x125xi32, #tpu.memory_space<vmem>> -> memref<1x125xi32, #tpu.memory_space<vmem>>
      %dma_wait3A_629 = tpu.memref_squeeze %dma_wait3A_628 : memref<1x125xi32, #tpu.memory_space<vmem>> -> memref<125xi32, #tpu.memory_space<vmem>>
      %dma_wait3A_630 = arith.constant 0 : i32
      %dma_wait3A_631 = arith.constant 0 : i32
      %dma_wait3A_632 = tpu.memref_slice %arg2[%dma_wait3A_630, %dma_wait3A_631] : memref<10000x128xf32, #tpu.memory_space<hbm>> -> memref<10000x128xf32, #tpu.memory_space<hbm>>
      %dma_wait3A_633 = tpu.memref_slice %arg15[%dma_wait3A_622] : memref<2x!tpu.dma_semaphore, #tpu.memory_space<semaphore_mem>> -> memref<1x!tpu.dma_semaphore, #tpu.memory_space<semaphore_mem>>
      %dma_wait3A_634 = tpu.memref_squeeze %dma_wait3A_633 : memref<1x!tpu.dma_semaphore, #tpu.memory_space<semaphore_mem>> -> memref<!tpu.dma_semaphore, #tpu.memory_space<semaphore_mem>>
      tpu.wait_indirect_dma semaphore(%dma_wait3A_634 : memref<!tpu.dma_semaphore, #tpu.memory_space<semaphore_mem>>) src(%dma_wait3A_632 : memref<10000x128xf32, #tpu.memory_space<hbm>>) dst(%dma_wait3A_626 : memref<125x128xf32, #tpu.memory_space<vmem>>)
      %ge3A_635 = arith.constant 1 : i32
      %ge3A_636 = arith.cmpi sge, %add3A_620, %ge3A_635 : i32
      %convert_element_type3A_637 = arith.extui %ge3A_636 : i1 to i32
      %cond3A_638 = arith.constant 0 : i32
      %cond3A_639 = arith.cmpi ne, %convert_element_type3A_637, %cond3A_638 : i32
      scf.if %cond3A_639 {
        %dma_wait3A_872 = arith.constant 0 : i32
        %dma_wait3A_873 = arith.constant 11 : i32
        %dma_wait3A_874 = arith.constant 0 : i32
        %dma_wait3A_875 = arith.constant 0 : i32
        %dma_wait3A_876 = arith.constant 0 : i32
        %dma_wait3A_877 = tpu.memref_slice %arg13[%dma_wait3A_872, %dma_wait3A_875, %dma_wait3A_876] : memref<2x125x128xf32, #tpu.memory_space<vmem>> -> memref<1x125x128xf32, #tpu.memory_space<vmem>>
        %dma_wait3A_878 = tpu.memref_squeeze %dma_wait3A_877 : memref<1x125x128xf32, #tpu.memory_space<vmem>> -> memref<125x128xf32, #tpu.memory_space<vmem>>
        %dma_wait3A_879 = arith.constant 0 : i32
        %dma_wait3A_880 = tpu.memref_slice %arg12[%rem3A_48, %dma_wait3A_873, %dma_wait3A_879] : memref<2x16x125xi32, #tpu.memory_space<vmem>> -> memref<1x1x125xi32, #tpu.memory_space<vmem>>
        %dma_wait3A_881 = tpu.memref_squeeze %dma_wait3A_880 : memref<1x1x125xi32, #tpu.memory_space<vmem>> -> memref<125xi32, #tpu.memory_space<vmem>>
        %dma_wait3A_882 = arith.constant 0 : i32
        %dma_wait3A_883 = arith.constant 0 : i32
        %dma_wait3A_884 = tpu.memref_slice %arg9[%dma_wait3A_882, %dma_wait3A_883] : memref<10240x128xf32, #tpu.memory_space<vmem_shared>> -> memref<10240x128xf32, #tpu.memory_space<vmem_shared>>
        %dma_wait3A_885 = tpu.memref_slice %arg16[%dma_wait3A_874] : memref<2x!tpu.dma_semaphore, #tpu.memory_space<semaphore_mem>> -> memref<1x!tpu.dma_semaphore, #tpu.memory_space<semaphore_mem>>
        %dma_wait3A_886 = tpu.memref_squeeze %dma_wait3A_885 : memref<1x!tpu.dma_semaphore, #tpu.memory_space<semaphore_mem>> -> memref<!tpu.dma_semaphore, #tpu.memory_space<semaphore_mem>>
        tpu.wait_indirect_dma semaphore(%dma_wait3A_886 : memref<!tpu.dma_semaphore, #tpu.memory_space<semaphore_mem>>) src(%dma_wait3A_878 : memref<125x128xf32, #tpu.memory_space<vmem>>) dst(%dma_wait3A_884 : memref<10240x128xf32, #tpu.memory_space<vmem_shared>>)
        %dma_wait3A_887 = arith.constant 11 : i32
        %dma_wait3A_888 = arith.constant 0 : i32
        %dma_wait3A_889 = tpu.memref_slice %arg12[%rem3A_48, %dma_wait3A_887, %dma_wait3A_888] : memref<2x16x125xi32, #tpu.memory_space<vmem>> -> memref<1x1x125xi32, #tpu.memory_space<vmem>>
        %dma_wait3A_890 = tpu.memref_squeeze %dma_wait3A_889 : memref<1x1x125xi32, #tpu.memory_space<vmem>> -> memref<125xi32, #tpu.memory_space<vmem>>
        %dma_wait3A_891 = arith.constant 0 : i32
        %dma_wait3A_892 = tpu.memref_slice %arg10[%dma_wait3A_891] : memref<10240xf32, #tpu.memory_space<vmem_shared>> -> memref<10240xf32, #tpu.memory_space<vmem_shared>>
        tpu.wait_indirect_dma semaphore(%arg17 : memref<!tpu.dma_semaphore, #tpu.memory_space<semaphore_mem>>) src(%arg14 : memref<125xf32, #tpu.memory_space<vmem>>) dst(%dma_wait3A_892 : memref<10240xf32, #tpu.memory_space<vmem_shared>>)
      } else {
      }
      %add3A_640 = arith.constant 1 : i32
      %add3A_641 = arith.addi %add3A_620, %add3A_640 : i32
      %lt3A_642 = arith.constant 80 : i32
      %lt3A_643 = arith.cmpi slt, %add3A_641, %lt3A_642 : i32
      %convert_element_type3A_644 = arith.extui %lt3A_643 : i1 to i32
      %cond3A_645 = arith.constant 0 : i32
      %cond3A_646 = arith.cmpi ne, %convert_element_type3A_644, %cond3A_645 : i32
      scf.if %cond3A_646 {
        %add3A_872 = arith.constant 1 : i32
        %add3A_873 = arith.addi %add3A_620, %add3A_872 : i32
        %dma_start3A_874 = arith.constant 0 : i32
        %dma_start3A_875 = arith.constant 0 : i32
        %dma_start3A_876 = arith.constant 0 : i32
        %dma_start3A_877 = arith.constant 0 : i32
        %dma_start3A_878 = tpu.memref_slice %arg13[%dma_start3A_874, %dma_start3A_876, %dma_start3A_877] : memref<2x125x128xf32, #tpu.memory_space<vmem>> -> memref<1x125x128xf32, #tpu.memory_space<vmem>>
        %dma_start3A_879 = tpu.memref_squeeze %dma_start3A_878 : memref<1x125x128xf32, #tpu.memory_space<vmem>> -> memref<125x128xf32, #tpu.memory_space<vmem>>
        %dma_start3A_880 = arith.constant 0 : i32
        %dma_start3A_881 = tpu.memref_slice %arg11[%add3A_873, %dma_start3A_880] : memref<80x125xi32, #tpu.memory_space<vmem>> -> memref<1x125xi32, #tpu.memory_space<vmem>>
        %dma_start3A_882 = tpu.memref_squeeze %dma_start3A_881 : memref<1x125xi32, #tpu.memory_space<vmem>> -> memref<125xi32, #tpu.memory_space<vmem>>
        %dma_start3A_883 = arith.constant 0 : i32
        %dma_start3A_884 = arith.constant 0 : i32
        %dma_start3A_885 = tpu.memref_slice %arg2[%dma_start3A_883, %dma_start3A_884] : memref<10000x128xf32, #tpu.memory_space<hbm>> -> memref<10000x128xf32, #tpu.memory_space<hbm>>
        %dma_start3A_886 = tpu.memref_slice %arg15[%dma_start3A_875] : memref<2x!tpu.dma_semaphore, #tpu.memory_space<semaphore_mem>> -> memref<1x!tpu.dma_semaphore, #tpu.memory_space<semaphore_mem>>
        %dma_start3A_887 = tpu.memref_squeeze %dma_start3A_886 : memref<1x!tpu.dma_semaphore, #tpu.memory_space<semaphore_mem>> -> memref<!tpu.dma_semaphore, #tpu.memory_space<semaphore_mem>>
        tpu.enqueue_indirect_dma source(%dma_start3A_885 : memref<10000x128xf32, #tpu.memory_space<hbm>>) target(%dma_start3A_879 : memref<125x128xf32, #tpu.memory_space<vmem>>) offsets(%dma_start3A_882 : memref<125xi32, #tpu.memory_space<vmem>>) semaphore(%dma_start3A_887 : memref<!tpu.dma_semaphore, #tpu.memory_space<semaphore_mem>>)
      } else {
      }
      %dma_start3A_647 = arith.constant 1 : i32
      %dma_start3A_648 = arith.constant 11 : i32
      %dma_start3A_649 = arith.constant 1 : i32
      %dma_start3A_650 = arith.constant 0 : i32
      %dma_start3A_651 = arith.constant 0 : i32
      %dma_start3A_652 = tpu.memref_slice %arg13[%dma_start3A_647, %dma_start3A_650, %dma_start3A_651] : memref<2x125x128xf32, #tpu.memory_space<vmem>> -> memref<1x125x128xf32, #tpu.memory_space<vmem>>
      %dma_start3A_653 = tpu.memref_squeeze %dma_start3A_652 : memref<1x125x128xf32, #tpu.memory_space<vmem>> -> memref<125x128xf32, #tpu.memory_space<vmem>>
      %dma_start3A_654 = arith.constant 0 : i32
      %dma_start3A_655 = tpu.memref_slice %arg12[%rem3A_48, %dma_start3A_648, %dma_start3A_654] : memref<2x16x125xi32, #tpu.memory_space<vmem>> -> memref<1x1x125xi32, #tpu.memory_space<vmem>>
      %dma_start3A_656 = tpu.memref_squeeze %dma_start3A_655 : memref<1x1x125xi32, #tpu.memory_space<vmem>> -> memref<125xi32, #tpu.memory_space<vmem>>
      %dma_start3A_657 = arith.constant 0 : i32
      %dma_start3A_658 = arith.constant 0 : i32
      %dma_start3A_659 = tpu.memref_slice %arg9[%dma_start3A_657, %dma_start3A_658] : memref<10240x128xf32, #tpu.memory_space<vmem_shared>> -> memref<10240x128xf32, #tpu.memory_space<vmem_shared>>
      %dma_start3A_660 = tpu.memref_slice %arg16[%dma_start3A_649] : memref<2x!tpu.dma_semaphore, #tpu.memory_space<semaphore_mem>> -> memref<1x!tpu.dma_semaphore, #tpu.memory_space<semaphore_mem>>
      %dma_start3A_661 = tpu.memref_squeeze %dma_start3A_660 : memref<1x!tpu.dma_semaphore, #tpu.memory_space<semaphore_mem>> -> memref<!tpu.dma_semaphore, #tpu.memory_space<semaphore_mem>>
      tpu.enqueue_indirect_dma source(%dma_start3A_653 : memref<125x128xf32, #tpu.memory_space<vmem>>) target(%dma_start3A_659 : memref<10240x128xf32, #tpu.memory_space<vmem_shared>>) offsets(%dma_start3A_656 : memref<125xi32, #tpu.memory_space<vmem>>) semaphore(%dma_start3A_661 : memref<!tpu.dma_semaphore, #tpu.memory_space<semaphore_mem>>) {add = true}
      %dma_start3A_662 = arith.constant 11 : i32
      %dma_start3A_663 = arith.constant 0 : i32
      %dma_start3A_664 = tpu.memref_slice %arg12[%rem3A_48, %dma_start3A_662, %dma_start3A_663] : memref<2x16x125xi32, #tpu.memory_space<vmem>> -> memref<1x1x125xi32, #tpu.memory_space<vmem>>
      %dma_start3A_665 = tpu.memref_squeeze %dma_start3A_664 : memref<1x1x125xi32, #tpu.memory_space<vmem>> -> memref<125xi32, #tpu.memory_space<vmem>>
      %dma_start3A_666 = arith.constant 0 : i32
      %dma_start3A_667 = tpu.memref_slice %arg10[%dma_start3A_666] : memref<10240xf32, #tpu.memory_space<vmem_shared>> -> memref<10240xf32, #tpu.memory_space<vmem_shared>>
      tpu.enqueue_indirect_dma source(%arg14 : memref<125xf32, #tpu.memory_space<vmem>>) target(%dma_start3A_667 : memref<10240xf32, #tpu.memory_space<vmem_shared>>) offsets(%dma_start3A_665 : memref<125xi32, #tpu.memory_space<vmem>>) semaphore(%arg17 : memref<!tpu.dma_semaphore, #tpu.memory_space<semaphore_mem>>) {add = true}
      %mul3A_668 = arith.constant 16 : i32
      %mul3A_669 = arith.muli %scan3A_47, %mul3A_668 : i32
      %add3A_670 = arith.constant 12 : i32
      %add3A_671 = arith.addi %mul3A_669, %add3A_670 : i32
      %dma_wait3A_672 = arith.constant 0 : i32
      %dma_wait3A_673 = arith.constant 0 : i32
      %dma_wait3A_674 = arith.constant 0 : i32
      %dma_wait3A_675 = arith.constant 0 : i32
      %dma_wait3A_676 = tpu.memref_slice %arg13[%dma_wait3A_672, %dma_wait3A_674, %dma_wait3A_675] : memref<2x125x128xf32, #tpu.memory_space<vmem>> -> memref<1x125x128xf32, #tpu.memory_space<vmem>>
      %dma_wait3A_677 = tpu.memref_squeeze %dma_wait3A_676 : memref<1x125x128xf32, #tpu.memory_space<vmem>> -> memref<125x128xf32, #tpu.memory_space<vmem>>
      %dma_wait3A_678 = arith.constant 0 : i32
      %dma_wait3A_679 = tpu.memref_slice %arg11[%add3A_671, %dma_wait3A_678] : memref<80x125xi32, #tpu.memory_space<vmem>> -> memref<1x125xi32, #tpu.memory_space<vmem>>
      %dma_wait3A_680 = tpu.memref_squeeze %dma_wait3A_679 : memref<1x125xi32, #tpu.memory_space<vmem>> -> memref<125xi32, #tpu.memory_space<vmem>>
      %dma_wait3A_681 = arith.constant 0 : i32
      %dma_wait3A_682 = arith.constant 0 : i32
      %dma_wait3A_683 = tpu.memref_slice %arg2[%dma_wait3A_681, %dma_wait3A_682] : memref<10000x128xf32, #tpu.memory_space<hbm>> -> memref<10000x128xf32, #tpu.memory_space<hbm>>
      %dma_wait3A_684 = tpu.memref_slice %arg15[%dma_wait3A_673] : memref<2x!tpu.dma_semaphore, #tpu.memory_space<semaphore_mem>> -> memref<1x!tpu.dma_semaphore, #tpu.memory_space<semaphore_mem>>
      %dma_wait3A_685 = tpu.memref_squeeze %dma_wait3A_684 : memref<1x!tpu.dma_semaphore, #tpu.memory_space<semaphore_mem>> -> memref<!tpu.dma_semaphore, #tpu.memory_space<semaphore_mem>>
      tpu.wait_indirect_dma semaphore(%dma_wait3A_685 : memref<!tpu.dma_semaphore, #tpu.memory_space<semaphore_mem>>) src(%dma_wait3A_683 : memref<10000x128xf32, #tpu.memory_space<hbm>>) dst(%dma_wait3A_677 : memref<125x128xf32, #tpu.memory_space<vmem>>)
      %ge3A_686 = arith.constant 1 : i32
      %ge3A_687 = arith.cmpi sge, %add3A_671, %ge3A_686 : i32
      %convert_element_type3A_688 = arith.extui %ge3A_687 : i1 to i32
      %cond3A_689 = arith.constant 0 : i32
      %cond3A_690 = arith.cmpi ne, %convert_element_type3A_688, %cond3A_689 : i32
      scf.if %cond3A_690 {
        %dma_wait3A_872 = arith.constant 1 : i32
        %dma_wait3A_873 = arith.constant 12 : i32
        %dma_wait3A_874 = arith.constant 1 : i32
        %dma_wait3A_875 = arith.constant 0 : i32
        %dma_wait3A_876 = arith.constant 0 : i32
        %dma_wait3A_877 = tpu.memref_slice %arg13[%dma_wait3A_872, %dma_wait3A_875, %dma_wait3A_876] : memref<2x125x128xf32, #tpu.memory_space<vmem>> -> memref<1x125x128xf32, #tpu.memory_space<vmem>>
        %dma_wait3A_878 = tpu.memref_squeeze %dma_wait3A_877 : memref<1x125x128xf32, #tpu.memory_space<vmem>> -> memref<125x128xf32, #tpu.memory_space<vmem>>
        %dma_wait3A_879 = arith.constant 0 : i32
        %dma_wait3A_880 = tpu.memref_slice %arg12[%rem3A_48, %dma_wait3A_873, %dma_wait3A_879] : memref<2x16x125xi32, #tpu.memory_space<vmem>> -> memref<1x1x125xi32, #tpu.memory_space<vmem>>
        %dma_wait3A_881 = tpu.memref_squeeze %dma_wait3A_880 : memref<1x1x125xi32, #tpu.memory_space<vmem>> -> memref<125xi32, #tpu.memory_space<vmem>>
        %dma_wait3A_882 = arith.constant 0 : i32
        %dma_wait3A_883 = arith.constant 0 : i32
        %dma_wait3A_884 = tpu.memref_slice %arg9[%dma_wait3A_882, %dma_wait3A_883] : memref<10240x128xf32, #tpu.memory_space<vmem_shared>> -> memref<10240x128xf32, #tpu.memory_space<vmem_shared>>
        %dma_wait3A_885 = tpu.memref_slice %arg16[%dma_wait3A_874] : memref<2x!tpu.dma_semaphore, #tpu.memory_space<semaphore_mem>> -> memref<1x!tpu.dma_semaphore, #tpu.memory_space<semaphore_mem>>
        %dma_wait3A_886 = tpu.memref_squeeze %dma_wait3A_885 : memref<1x!tpu.dma_semaphore, #tpu.memory_space<semaphore_mem>> -> memref<!tpu.dma_semaphore, #tpu.memory_space<semaphore_mem>>
        tpu.wait_indirect_dma semaphore(%dma_wait3A_886 : memref<!tpu.dma_semaphore, #tpu.memory_space<semaphore_mem>>) src(%dma_wait3A_878 : memref<125x128xf32, #tpu.memory_space<vmem>>) dst(%dma_wait3A_884 : memref<10240x128xf32, #tpu.memory_space<vmem_shared>>)
        %dma_wait3A_887 = arith.constant 12 : i32
        %dma_wait3A_888 = arith.constant 0 : i32
        %dma_wait3A_889 = tpu.memref_slice %arg12[%rem3A_48, %dma_wait3A_887, %dma_wait3A_888] : memref<2x16x125xi32, #tpu.memory_space<vmem>> -> memref<1x1x125xi32, #tpu.memory_space<vmem>>
        %dma_wait3A_890 = tpu.memref_squeeze %dma_wait3A_889 : memref<1x1x125xi32, #tpu.memory_space<vmem>> -> memref<125xi32, #tpu.memory_space<vmem>>
        %dma_wait3A_891 = arith.constant 0 : i32
        %dma_wait3A_892 = tpu.memref_slice %arg10[%dma_wait3A_891] : memref<10240xf32, #tpu.memory_space<vmem_shared>> -> memref<10240xf32, #tpu.memory_space<vmem_shared>>
        tpu.wait_indirect_dma semaphore(%arg17 : memref<!tpu.dma_semaphore, #tpu.memory_space<semaphore_mem>>) src(%arg14 : memref<125xf32, #tpu.memory_space<vmem>>) dst(%dma_wait3A_892 : memref<10240xf32, #tpu.memory_space<vmem_shared>>)
      } else {
      }
      %add3A_691 = arith.constant 1 : i32
      %add3A_692 = arith.addi %add3A_671, %add3A_691 : i32
      %lt3A_693 = arith.constant 80 : i32
      %lt3A_694 = arith.cmpi slt, %add3A_692, %lt3A_693 : i32
      %convert_element_type3A_695 = arith.extui %lt3A_694 : i1 to i32
      %cond3A_696 = arith.constant 0 : i32
      %cond3A_697 = arith.cmpi ne, %convert_element_type3A_695, %cond3A_696 : i32
      scf.if %cond3A_697 {
        %add3A_872 = arith.constant 1 : i32
        %add3A_873 = arith.addi %add3A_671, %add3A_872 : i32
        %dma_start3A_874 = arith.constant 1 : i32
        %dma_start3A_875 = arith.constant 1 : i32
        %dma_start3A_876 = arith.constant 0 : i32
        %dma_start3A_877 = arith.constant 0 : i32
        %dma_start3A_878 = tpu.memref_slice %arg13[%dma_start3A_874, %dma_start3A_876, %dma_start3A_877] : memref<2x125x128xf32, #tpu.memory_space<vmem>> -> memref<1x125x128xf32, #tpu.memory_space<vmem>>
        %dma_start3A_879 = tpu.memref_squeeze %dma_start3A_878 : memref<1x125x128xf32, #tpu.memory_space<vmem>> -> memref<125x128xf32, #tpu.memory_space<vmem>>
        %dma_start3A_880 = arith.constant 0 : i32
        %dma_start3A_881 = tpu.memref_slice %arg11[%add3A_873, %dma_start3A_880] : memref<80x125xi32, #tpu.memory_space<vmem>> -> memref<1x125xi32, #tpu.memory_space<vmem>>
        %dma_start3A_882 = tpu.memref_squeeze %dma_start3A_881 : memref<1x125xi32, #tpu.memory_space<vmem>> -> memref<125xi32, #tpu.memory_space<vmem>>
        %dma_start3A_883 = arith.constant 0 : i32
        %dma_start3A_884 = arith.constant 0 : i32
        %dma_start3A_885 = tpu.memref_slice %arg2[%dma_start3A_883, %dma_start3A_884] : memref<10000x128xf32, #tpu.memory_space<hbm>> -> memref<10000x128xf32, #tpu.memory_space<hbm>>
        %dma_start3A_886 = tpu.memref_slice %arg15[%dma_start3A_875] : memref<2x!tpu.dma_semaphore, #tpu.memory_space<semaphore_mem>> -> memref<1x!tpu.dma_semaphore, #tpu.memory_space<semaphore_mem>>
        %dma_start3A_887 = tpu.memref_squeeze %dma_start3A_886 : memref<1x!tpu.dma_semaphore, #tpu.memory_space<semaphore_mem>> -> memref<!tpu.dma_semaphore, #tpu.memory_space<semaphore_mem>>
        tpu.enqueue_indirect_dma source(%dma_start3A_885 : memref<10000x128xf32, #tpu.memory_space<hbm>>) target(%dma_start3A_879 : memref<125x128xf32, #tpu.memory_space<vmem>>) offsets(%dma_start3A_882 : memref<125xi32, #tpu.memory_space<vmem>>) semaphore(%dma_start3A_887 : memref<!tpu.dma_semaphore, #tpu.memory_space<semaphore_mem>>)
      } else {
      }
      %dma_start3A_698 = arith.constant 0 : i32
      %dma_start3A_699 = arith.constant 12 : i32
      %dma_start3A_700 = arith.constant 0 : i32
      %dma_start3A_701 = arith.constant 0 : i32
      %dma_start3A_702 = arith.constant 0 : i32
      %dma_start3A_703 = tpu.memref_slice %arg13[%dma_start3A_698, %dma_start3A_701, %dma_start3A_702] : memref<2x125x128xf32, #tpu.memory_space<vmem>> -> memref<1x125x128xf32, #tpu.memory_space<vmem>>
      %dma_start3A_704 = tpu.memref_squeeze %dma_start3A_703 : memref<1x125x128xf32, #tpu.memory_space<vmem>> -> memref<125x128xf32, #tpu.memory_space<vmem>>
      %dma_start3A_705 = arith.constant 0 : i32
      %dma_start3A_706 = tpu.memref_slice %arg12[%rem3A_48, %dma_start3A_699, %dma_start3A_705] : memref<2x16x125xi32, #tpu.memory_space<vmem>> -> memref<1x1x125xi32, #tpu.memory_space<vmem>>
      %dma_start3A_707 = tpu.memref_squeeze %dma_start3A_706 : memref<1x1x125xi32, #tpu.memory_space<vmem>> -> memref<125xi32, #tpu.memory_space<vmem>>
      %dma_start3A_708 = arith.constant 0 : i32
      %dma_start3A_709 = arith.constant 0 : i32
      %dma_start3A_710 = tpu.memref_slice %arg9[%dma_start3A_708, %dma_start3A_709] : memref<10240x128xf32, #tpu.memory_space<vmem_shared>> -> memref<10240x128xf32, #tpu.memory_space<vmem_shared>>
      %dma_start3A_711 = tpu.memref_slice %arg16[%dma_start3A_700] : memref<2x!tpu.dma_semaphore, #tpu.memory_space<semaphore_mem>> -> memref<1x!tpu.dma_semaphore, #tpu.memory_space<semaphore_mem>>
      %dma_start3A_712 = tpu.memref_squeeze %dma_start3A_711 : memref<1x!tpu.dma_semaphore, #tpu.memory_space<semaphore_mem>> -> memref<!tpu.dma_semaphore, #tpu.memory_space<semaphore_mem>>
      tpu.enqueue_indirect_dma source(%dma_start3A_704 : memref<125x128xf32, #tpu.memory_space<vmem>>) target(%dma_start3A_710 : memref<10240x128xf32, #tpu.memory_space<vmem_shared>>) offsets(%dma_start3A_707 : memref<125xi32, #tpu.memory_space<vmem>>) semaphore(%dma_start3A_712 : memref<!tpu.dma_semaphore, #tpu.memory_space<semaphore_mem>>) {add = true}
      %dma_start3A_713 = arith.constant 12 : i32
      %dma_start3A_714 = arith.constant 0 : i32
      %dma_start3A_715 = tpu.memref_slice %arg12[%rem3A_48, %dma_start3A_713, %dma_start3A_714] : memref<2x16x125xi32, #tpu.memory_space<vmem>> -> memref<1x1x125xi32, #tpu.memory_space<vmem>>
      %dma_start3A_716 = tpu.memref_squeeze %dma_start3A_715 : memref<1x1x125xi32, #tpu.memory_space<vmem>> -> memref<125xi32, #tpu.memory_space<vmem>>
      %dma_start3A_717 = arith.constant 0 : i32
      %dma_start3A_718 = tpu.memref_slice %arg10[%dma_start3A_717] : memref<10240xf32, #tpu.memory_space<vmem_shared>> -> memref<10240xf32, #tpu.memory_space<vmem_shared>>
      tpu.enqueue_indirect_dma source(%arg14 : memref<125xf32, #tpu.memory_space<vmem>>) target(%dma_start3A_718 : memref<10240xf32, #tpu.memory_space<vmem_shared>>) offsets(%dma_start3A_716 : memref<125xi32, #tpu.memory_space<vmem>>) semaphore(%arg17 : memref<!tpu.dma_semaphore, #tpu.memory_space<semaphore_mem>>) {add = true}
      %mul3A_719 = arith.constant 16 : i32
      %mul3A_720 = arith.muli %scan3A_47, %mul3A_719 : i32
      %add3A_721 = arith.constant 13 : i32
      %add3A_722 = arith.addi %mul3A_720, %add3A_721 : i32
      %dma_wait3A_723 = arith.constant 1 : i32
      %dma_wait3A_724 = arith.constant 1 : i32
      %dma_wait3A_725 = arith.constant 0 : i32
      %dma_wait3A_726 = arith.constant 0 : i32
      %dma_wait3A_727 = tpu.memref_slice %arg13[%dma_wait3A_723, %dma_wait3A_725, %dma_wait3A_726] : memref<2x125x128xf32, #tpu.memory_space<vmem>> -> memref<1x125x128xf32, #tpu.memory_space<vmem>>
      %dma_wait3A_728 = tpu.memref_squeeze %dma_wait3A_727 : memref<1x125x128xf32, #tpu.memory_space<vmem>> -> memref<125x128xf32, #tpu.memory_space<vmem>>
      %dma_wait3A_729 = arith.constant 0 : i32
      %dma_wait3A_730 = tpu.memref_slice %arg11[%add3A_722, %dma_wait3A_729] : memref<80x125xi32, #tpu.memory_space<vmem>> -> memref<1x125xi32, #tpu.memory_space<vmem>>
      %dma_wait3A_731 = tpu.memref_squeeze %dma_wait3A_730 : memref<1x125xi32, #tpu.memory_space<vmem>> -> memref<125xi32, #tpu.memory_space<vmem>>
      %dma_wait3A_732 = arith.constant 0 : i32
      %dma_wait3A_733 = arith.constant 0 : i32
      %dma_wait3A_734 = tpu.memref_slice %arg2[%dma_wait3A_732, %dma_wait3A_733] : memref<10000x128xf32, #tpu.memory_space<hbm>> -> memref<10000x128xf32, #tpu.memory_space<hbm>>
      %dma_wait3A_735 = tpu.memref_slice %arg15[%dma_wait3A_724] : memref<2x!tpu.dma_semaphore, #tpu.memory_space<semaphore_mem>> -> memref<1x!tpu.dma_semaphore, #tpu.memory_space<semaphore_mem>>
      %dma_wait3A_736 = tpu.memref_squeeze %dma_wait3A_735 : memref<1x!tpu.dma_semaphore, #tpu.memory_space<semaphore_mem>> -> memref<!tpu.dma_semaphore, #tpu.memory_space<semaphore_mem>>
      tpu.wait_indirect_dma semaphore(%dma_wait3A_736 : memref<!tpu.dma_semaphore, #tpu.memory_space<semaphore_mem>>) src(%dma_wait3A_734 : memref<10000x128xf32, #tpu.memory_space<hbm>>) dst(%dma_wait3A_728 : memref<125x128xf32, #tpu.memory_space<vmem>>)
      %ge3A_737 = arith.constant 1 : i32
      %ge3A_738 = arith.cmpi sge, %add3A_722, %ge3A_737 : i32
      %convert_element_type3A_739 = arith.extui %ge3A_738 : i1 to i32
      %cond3A_740 = arith.constant 0 : i32
      %cond3A_741 = arith.cmpi ne, %convert_element_type3A_739, %cond3A_740 : i32
      scf.if %cond3A_741 {
        %dma_wait3A_872 = arith.constant 0 : i32
        %dma_wait3A_873 = arith.constant 13 : i32
        %dma_wait3A_874 = arith.constant 0 : i32
        %dma_wait3A_875 = arith.constant 0 : i32
        %dma_wait3A_876 = arith.constant 0 : i32
        %dma_wait3A_877 = tpu.memref_slice %arg13[%dma_wait3A_872, %dma_wait3A_875, %dma_wait3A_876] : memref<2x125x128xf32, #tpu.memory_space<vmem>> -> memref<1x125x128xf32, #tpu.memory_space<vmem>>
        %dma_wait3A_878 = tpu.memref_squeeze %dma_wait3A_877 : memref<1x125x128xf32, #tpu.memory_space<vmem>> -> memref<125x128xf32, #tpu.memory_space<vmem>>
        %dma_wait3A_879 = arith.constant 0 : i32
        %dma_wait3A_880 = tpu.memref_slice %arg12[%rem3A_48, %dma_wait3A_873, %dma_wait3A_879] : memref<2x16x125xi32, #tpu.memory_space<vmem>> -> memref<1x1x125xi32, #tpu.memory_space<vmem>>
        %dma_wait3A_881 = tpu.memref_squeeze %dma_wait3A_880 : memref<1x1x125xi32, #tpu.memory_space<vmem>> -> memref<125xi32, #tpu.memory_space<vmem>>
        %dma_wait3A_882 = arith.constant 0 : i32
        %dma_wait3A_883 = arith.constant 0 : i32
        %dma_wait3A_884 = tpu.memref_slice %arg9[%dma_wait3A_882, %dma_wait3A_883] : memref<10240x128xf32, #tpu.memory_space<vmem_shared>> -> memref<10240x128xf32, #tpu.memory_space<vmem_shared>>
        %dma_wait3A_885 = tpu.memref_slice %arg16[%dma_wait3A_874] : memref<2x!tpu.dma_semaphore, #tpu.memory_space<semaphore_mem>> -> memref<1x!tpu.dma_semaphore, #tpu.memory_space<semaphore_mem>>
        %dma_wait3A_886 = tpu.memref_squeeze %dma_wait3A_885 : memref<1x!tpu.dma_semaphore, #tpu.memory_space<semaphore_mem>> -> memref<!tpu.dma_semaphore, #tpu.memory_space<semaphore_mem>>
        tpu.wait_indirect_dma semaphore(%dma_wait3A_886 : memref<!tpu.dma_semaphore, #tpu.memory_space<semaphore_mem>>) src(%dma_wait3A_878 : memref<125x128xf32, #tpu.memory_space<vmem>>) dst(%dma_wait3A_884 : memref<10240x128xf32, #tpu.memory_space<vmem_shared>>)
        %dma_wait3A_887 = arith.constant 13 : i32
        %dma_wait3A_888 = arith.constant 0 : i32
        %dma_wait3A_889 = tpu.memref_slice %arg12[%rem3A_48, %dma_wait3A_887, %dma_wait3A_888] : memref<2x16x125xi32, #tpu.memory_space<vmem>> -> memref<1x1x125xi32, #tpu.memory_space<vmem>>
        %dma_wait3A_890 = tpu.memref_squeeze %dma_wait3A_889 : memref<1x1x125xi32, #tpu.memory_space<vmem>> -> memref<125xi32, #tpu.memory_space<vmem>>
        %dma_wait3A_891 = arith.constant 0 : i32
        %dma_wait3A_892 = tpu.memref_slice %arg10[%dma_wait3A_891] : memref<10240xf32, #tpu.memory_space<vmem_shared>> -> memref<10240xf32, #tpu.memory_space<vmem_shared>>
        tpu.wait_indirect_dma semaphore(%arg17 : memref<!tpu.dma_semaphore, #tpu.memory_space<semaphore_mem>>) src(%arg14 : memref<125xf32, #tpu.memory_space<vmem>>) dst(%dma_wait3A_892 : memref<10240xf32, #tpu.memory_space<vmem_shared>>)
      } else {
      }
      %add3A_742 = arith.constant 1 : i32
      %add3A_743 = arith.addi %add3A_722, %add3A_742 : i32
      %lt3A_744 = arith.constant 80 : i32
      %lt3A_745 = arith.cmpi slt, %add3A_743, %lt3A_744 : i32
      %convert_element_type3A_746 = arith.extui %lt3A_745 : i1 to i32
      %cond3A_747 = arith.constant 0 : i32
      %cond3A_748 = arith.cmpi ne, %convert_element_type3A_746, %cond3A_747 : i32
      scf.if %cond3A_748 {
        %add3A_872 = arith.constant 1 : i32
        %add3A_873 = arith.addi %add3A_722, %add3A_872 : i32
        %dma_start3A_874 = arith.constant 0 : i32
        %dma_start3A_875 = arith.constant 0 : i32
        %dma_start3A_876 = arith.constant 0 : i32
        %dma_start3A_877 = arith.constant 0 : i32
        %dma_start3A_878 = tpu.memref_slice %arg13[%dma_start3A_874, %dma_start3A_876, %dma_start3A_877] : memref<2x125x128xf32, #tpu.memory_space<vmem>> -> memref<1x125x128xf32, #tpu.memory_space<vmem>>
        %dma_start3A_879 = tpu.memref_squeeze %dma_start3A_878 : memref<1x125x128xf32, #tpu.memory_space<vmem>> -> memref<125x128xf32, #tpu.memory_space<vmem>>
        %dma_start3A_880 = arith.constant 0 : i32
        %dma_start3A_881 = tpu.memref_slice %arg11[%add3A_873, %dma_start3A_880] : memref<80x125xi32, #tpu.memory_space<vmem>> -> memref<1x125xi32, #tpu.memory_space<vmem>>
        %dma_start3A_882 = tpu.memref_squeeze %dma_start3A_881 : memref<1x125xi32, #tpu.memory_space<vmem>> -> memref<125xi32, #tpu.memory_space<vmem>>
        %dma_start3A_883 = arith.constant 0 : i32
        %dma_start3A_884 = arith.constant 0 : i32
        %dma_start3A_885 = tpu.memref_slice %arg2[%dma_start3A_883, %dma_start3A_884] : memref<10000x128xf32, #tpu.memory_space<hbm>> -> memref<10000x128xf32, #tpu.memory_space<hbm>>
        %dma_start3A_886 = tpu.memref_slice %arg15[%dma_start3A_875] : memref<2x!tpu.dma_semaphore, #tpu.memory_space<semaphore_mem>> -> memref<1x!tpu.dma_semaphore, #tpu.memory_space<semaphore_mem>>
        %dma_start3A_887 = tpu.memref_squeeze %dma_start3A_886 : memref<1x!tpu.dma_semaphore, #tpu.memory_space<semaphore_mem>> -> memref<!tpu.dma_semaphore, #tpu.memory_space<semaphore_mem>>
        tpu.enqueue_indirect_dma source(%dma_start3A_885 : memref<10000x128xf32, #tpu.memory_space<hbm>>) target(%dma_start3A_879 : memref<125x128xf32, #tpu.memory_space<vmem>>) offsets(%dma_start3A_882 : memref<125xi32, #tpu.memory_space<vmem>>) semaphore(%dma_start3A_887 : memref<!tpu.dma_semaphore, #tpu.memory_space<semaphore_mem>>)
      } else {
      }
      %dma_start3A_749 = arith.constant 1 : i32
      %dma_start3A_750 = arith.constant 13 : i32
      %dma_start3A_751 = arith.constant 1 : i32
      %dma_start3A_752 = arith.constant 0 : i32
      %dma_start3A_753 = arith.constant 0 : i32
      %dma_start3A_754 = tpu.memref_slice %arg13[%dma_start3A_749, %dma_start3A_752, %dma_start3A_753] : memref<2x125x128xf32, #tpu.memory_space<vmem>> -> memref<1x125x128xf32, #tpu.memory_space<vmem>>
      %dma_start3A_755 = tpu.memref_squeeze %dma_start3A_754 : memref<1x125x128xf32, #tpu.memory_space<vmem>> -> memref<125x128xf32, #tpu.memory_space<vmem>>
      %dma_start3A_756 = arith.constant 0 : i32
      %dma_start3A_757 = tpu.memref_slice %arg12[%rem3A_48, %dma_start3A_750, %dma_start3A_756] : memref<2x16x125xi32, #tpu.memory_space<vmem>> -> memref<1x1x125xi32, #tpu.memory_space<vmem>>
      %dma_start3A_758 = tpu.memref_squeeze %dma_start3A_757 : memref<1x1x125xi32, #tpu.memory_space<vmem>> -> memref<125xi32, #tpu.memory_space<vmem>>
      %dma_start3A_759 = arith.constant 0 : i32
      %dma_start3A_760 = arith.constant 0 : i32
      %dma_start3A_761 = tpu.memref_slice %arg9[%dma_start3A_759, %dma_start3A_760] : memref<10240x128xf32, #tpu.memory_space<vmem_shared>> -> memref<10240x128xf32, #tpu.memory_space<vmem_shared>>
      %dma_start3A_762 = tpu.memref_slice %arg16[%dma_start3A_751] : memref<2x!tpu.dma_semaphore, #tpu.memory_space<semaphore_mem>> -> memref<1x!tpu.dma_semaphore, #tpu.memory_space<semaphore_mem>>
      %dma_start3A_763 = tpu.memref_squeeze %dma_start3A_762 : memref<1x!tpu.dma_semaphore, #tpu.memory_space<semaphore_mem>> -> memref<!tpu.dma_semaphore, #tpu.memory_space<semaphore_mem>>
      tpu.enqueue_indirect_dma source(%dma_start3A_755 : memref<125x128xf32, #tpu.memory_space<vmem>>) target(%dma_start3A_761 : memref<10240x128xf32, #tpu.memory_space<vmem_shared>>) offsets(%dma_start3A_758 : memref<125xi32, #tpu.memory_space<vmem>>) semaphore(%dma_start3A_763 : memref<!tpu.dma_semaphore, #tpu.memory_space<semaphore_mem>>) {add = true}
      %dma_start3A_764 = arith.constant 13 : i32
      %dma_start3A_765 = arith.constant 0 : i32
      %dma_start3A_766 = tpu.memref_slice %arg12[%rem3A_48, %dma_start3A_764, %dma_start3A_765] : memref<2x16x125xi32, #tpu.memory_space<vmem>> -> memref<1x1x125xi32, #tpu.memory_space<vmem>>
      %dma_start3A_767 = tpu.memref_squeeze %dma_start3A_766 : memref<1x1x125xi32, #tpu.memory_space<vmem>> -> memref<125xi32, #tpu.memory_space<vmem>>
      %dma_start3A_768 = arith.constant 0 : i32
      %dma_start3A_769 = tpu.memref_slice %arg10[%dma_start3A_768] : memref<10240xf32, #tpu.memory_space<vmem_shared>> -> memref<10240xf32, #tpu.memory_space<vmem_shared>>
      tpu.enqueue_indirect_dma source(%arg14 : memref<125xf32, #tpu.memory_space<vmem>>) target(%dma_start3A_769 : memref<10240xf32, #tpu.memory_space<vmem_shared>>) offsets(%dma_start3A_767 : memref<125xi32, #tpu.memory_space<vmem>>) semaphore(%arg17 : memref<!tpu.dma_semaphore, #tpu.memory_space<semaphore_mem>>) {add = true}
      %mul3A_770 = arith.constant 16 : i32
      %mul3A_771 = arith.muli %scan3A_47, %mul3A_770 : i32
      %add3A_772 = arith.constant 14 : i32
      %add3A_773 = arith.addi %mul3A_771, %add3A_772 : i32
      %dma_wait3A_774 = arith.constant 0 : i32
      %dma_wait3A_775 = arith.constant 0 : i32
      %dma_wait3A_776 = arith.constant 0 : i32
      %dma_wait3A_777 = arith.constant 0 : i32
      %dma_wait3A_778 = tpu.memref_slice %arg13[%dma_wait3A_774, %dma_wait3A_776, %dma_wait3A_777] : memref<2x125x128xf32, #tpu.memory_space<vmem>> -> memref<1x125x128xf32, #tpu.memory_space<vmem>>
      %dma_wait3A_779 = tpu.memref_squeeze %dma_wait3A_778 : memref<1x125x128xf32, #tpu.memory_space<vmem>> -> memref<125x128xf32, #tpu.memory_space<vmem>>
      %dma_wait3A_780 = arith.constant 0 : i32
      %dma_wait3A_781 = tpu.memref_slice %arg11[%add3A_773, %dma_wait3A_780] : memref<80x125xi32, #tpu.memory_space<vmem>> -> memref<1x125xi32, #tpu.memory_space<vmem>>
      %dma_wait3A_782 = tpu.memref_squeeze %dma_wait3A_781 : memref<1x125xi32, #tpu.memory_space<vmem>> -> memref<125xi32, #tpu.memory_space<vmem>>
      %dma_wait3A_783 = arith.constant 0 : i32
      %dma_wait3A_784 = arith.constant 0 : i32
      %dma_wait3A_785 = tpu.memref_slice %arg2[%dma_wait3A_783, %dma_wait3A_784] : memref<10000x128xf32, #tpu.memory_space<hbm>> -> memref<10000x128xf32, #tpu.memory_space<hbm>>
      %dma_wait3A_786 = tpu.memref_slice %arg15[%dma_wait3A_775] : memref<2x!tpu.dma_semaphore, #tpu.memory_space<semaphore_mem>> -> memref<1x!tpu.dma_semaphore, #tpu.memory_space<semaphore_mem>>
      %dma_wait3A_787 = tpu.memref_squeeze %dma_wait3A_786 : memref<1x!tpu.dma_semaphore, #tpu.memory_space<semaphore_mem>> -> memref<!tpu.dma_semaphore, #tpu.memory_space<semaphore_mem>>
      tpu.wait_indirect_dma semaphore(%dma_wait3A_787 : memref<!tpu.dma_semaphore, #tpu.memory_space<semaphore_mem>>) src(%dma_wait3A_785 : memref<10000x128xf32, #tpu.memory_space<hbm>>) dst(%dma_wait3A_779 : memref<125x128xf32, #tpu.memory_space<vmem>>)
      %ge3A_788 = arith.constant 1 : i32
      %ge3A_789 = arith.cmpi sge, %add3A_773, %ge3A_788 : i32
      %convert_element_type3A_790 = arith.extui %ge3A_789 : i1 to i32
      %cond3A_791 = arith.constant 0 : i32
      %cond3A_792 = arith.cmpi ne, %convert_element_type3A_790, %cond3A_791 : i32
      scf.if %cond3A_792 {
        %dma_wait3A_872 = arith.constant 1 : i32
        %dma_wait3A_873 = arith.constant 14 : i32
        %dma_wait3A_874 = arith.constant 1 : i32
        %dma_wait3A_875 = arith.constant 0 : i32
        %dma_wait3A_876 = arith.constant 0 : i32
        %dma_wait3A_877 = tpu.memref_slice %arg13[%dma_wait3A_872, %dma_wait3A_875, %dma_wait3A_876] : memref<2x125x128xf32, #tpu.memory_space<vmem>> -> memref<1x125x128xf32, #tpu.memory_space<vmem>>
        %dma_wait3A_878 = tpu.memref_squeeze %dma_wait3A_877 : memref<1x125x128xf32, #tpu.memory_space<vmem>> -> memref<125x128xf32, #tpu.memory_space<vmem>>
        %dma_wait3A_879 = arith.constant 0 : i32
        %dma_wait3A_880 = tpu.memref_slice %arg12[%rem3A_48, %dma_wait3A_873, %dma_wait3A_879] : memref<2x16x125xi32, #tpu.memory_space<vmem>> -> memref<1x1x125xi32, #tpu.memory_space<vmem>>
        %dma_wait3A_881 = tpu.memref_squeeze %dma_wait3A_880 : memref<1x1x125xi32, #tpu.memory_space<vmem>> -> memref<125xi32, #tpu.memory_space<vmem>>
        %dma_wait3A_882 = arith.constant 0 : i32
        %dma_wait3A_883 = arith.constant 0 : i32
        %dma_wait3A_884 = tpu.memref_slice %arg9[%dma_wait3A_882, %dma_wait3A_883] : memref<10240x128xf32, #tpu.memory_space<vmem_shared>> -> memref<10240x128xf32, #tpu.memory_space<vmem_shared>>
        %dma_wait3A_885 = tpu.memref_slice %arg16[%dma_wait3A_874] : memref<2x!tpu.dma_semaphore, #tpu.memory_space<semaphore_mem>> -> memref<1x!tpu.dma_semaphore, #tpu.memory_space<semaphore_mem>>
        %dma_wait3A_886 = tpu.memref_squeeze %dma_wait3A_885 : memref<1x!tpu.dma_semaphore, #tpu.memory_space<semaphore_mem>> -> memref<!tpu.dma_semaphore, #tpu.memory_space<semaphore_mem>>
        tpu.wait_indirect_dma semaphore(%dma_wait3A_886 : memref<!tpu.dma_semaphore, #tpu.memory_space<semaphore_mem>>) src(%dma_wait3A_878 : memref<125x128xf32, #tpu.memory_space<vmem>>) dst(%dma_wait3A_884 : memref<10240x128xf32, #tpu.memory_space<vmem_shared>>)
        %dma_wait3A_887 = arith.constant 14 : i32
        %dma_wait3A_888 = arith.constant 0 : i32
        %dma_wait3A_889 = tpu.memref_slice %arg12[%rem3A_48, %dma_wait3A_887, %dma_wait3A_888] : memref<2x16x125xi32, #tpu.memory_space<vmem>> -> memref<1x1x125xi32, #tpu.memory_space<vmem>>
        %dma_wait3A_890 = tpu.memref_squeeze %dma_wait3A_889 : memref<1x1x125xi32, #tpu.memory_space<vmem>> -> memref<125xi32, #tpu.memory_space<vmem>>
        %dma_wait3A_891 = arith.constant 0 : i32
        %dma_wait3A_892 = tpu.memref_slice %arg10[%dma_wait3A_891] : memref<10240xf32, #tpu.memory_space<vmem_shared>> -> memref<10240xf32, #tpu.memory_space<vmem_shared>>
        tpu.wait_indirect_dma semaphore(%arg17 : memref<!tpu.dma_semaphore, #tpu.memory_space<semaphore_mem>>) src(%arg14 : memref<125xf32, #tpu.memory_space<vmem>>) dst(%dma_wait3A_892 : memref<10240xf32, #tpu.memory_space<vmem_shared>>)
      } else {
      }
      %add3A_793 = arith.constant 1 : i32
      %add3A_794 = arith.addi %add3A_773, %add3A_793 : i32
      %lt3A_795 = arith.constant 80 : i32
      %lt3A_796 = arith.cmpi slt, %add3A_794, %lt3A_795 : i32
      %convert_element_type3A_797 = arith.extui %lt3A_796 : i1 to i32
      %cond3A_798 = arith.constant 0 : i32
      %cond3A_799 = arith.cmpi ne, %convert_element_type3A_797, %cond3A_798 : i32
      scf.if %cond3A_799 {
        %add3A_872 = arith.constant 1 : i32
        %add3A_873 = arith.addi %add3A_773, %add3A_872 : i32
        %dma_start3A_874 = arith.constant 1 : i32
        %dma_start3A_875 = arith.constant 1 : i32
        %dma_start3A_876 = arith.constant 0 : i32
        %dma_start3A_877 = arith.constant 0 : i32
        %dma_start3A_878 = tpu.memref_slice %arg13[%dma_start3A_874, %dma_start3A_876, %dma_start3A_877] : memref<2x125x128xf32, #tpu.memory_space<vmem>> -> memref<1x125x128xf32, #tpu.memory_space<vmem>>
        %dma_start3A_879 = tpu.memref_squeeze %dma_start3A_878 : memref<1x125x128xf32, #tpu.memory_space<vmem>> -> memref<125x128xf32, #tpu.memory_space<vmem>>
        %dma_start3A_880 = arith.constant 0 : i32
        %dma_start3A_881 = tpu.memref_slice %arg11[%add3A_873, %dma_start3A_880] : memref<80x125xi32, #tpu.memory_space<vmem>> -> memref<1x125xi32, #tpu.memory_space<vmem>>
        %dma_start3A_882 = tpu.memref_squeeze %dma_start3A_881 : memref<1x125xi32, #tpu.memory_space<vmem>> -> memref<125xi32, #tpu.memory_space<vmem>>
        %dma_start3A_883 = arith.constant 0 : i32
        %dma_start3A_884 = arith.constant 0 : i32
        %dma_start3A_885 = tpu.memref_slice %arg2[%dma_start3A_883, %dma_start3A_884] : memref<10000x128xf32, #tpu.memory_space<hbm>> -> memref<10000x128xf32, #tpu.memory_space<hbm>>
        %dma_start3A_886 = tpu.memref_slice %arg15[%dma_start3A_875] : memref<2x!tpu.dma_semaphore, #tpu.memory_space<semaphore_mem>> -> memref<1x!tpu.dma_semaphore, #tpu.memory_space<semaphore_mem>>
        %dma_start3A_887 = tpu.memref_squeeze %dma_start3A_886 : memref<1x!tpu.dma_semaphore, #tpu.memory_space<semaphore_mem>> -> memref<!tpu.dma_semaphore, #tpu.memory_space<semaphore_mem>>
        tpu.enqueue_indirect_dma source(%dma_start3A_885 : memref<10000x128xf32, #tpu.memory_space<hbm>>) target(%dma_start3A_879 : memref<125x128xf32, #tpu.memory_space<vmem>>) offsets(%dma_start3A_882 : memref<125xi32, #tpu.memory_space<vmem>>) semaphore(%dma_start3A_887 : memref<!tpu.dma_semaphore, #tpu.memory_space<semaphore_mem>>)
      } else {
      }
      %dma_start3A_800 = arith.constant 0 : i32
      %dma_start3A_801 = arith.constant 14 : i32
      %dma_start3A_802 = arith.constant 0 : i32
      %dma_start3A_803 = arith.constant 0 : i32
      %dma_start3A_804 = arith.constant 0 : i32
      %dma_start3A_805 = tpu.memref_slice %arg13[%dma_start3A_800, %dma_start3A_803, %dma_start3A_804] : memref<2x125x128xf32, #tpu.memory_space<vmem>> -> memref<1x125x128xf32, #tpu.memory_space<vmem>>
      %dma_start3A_806 = tpu.memref_squeeze %dma_start3A_805 : memref<1x125x128xf32, #tpu.memory_space<vmem>> -> memref<125x128xf32, #tpu.memory_space<vmem>>
      %dma_start3A_807 = arith.constant 0 : i32
      %dma_start3A_808 = tpu.memref_slice %arg12[%rem3A_48, %dma_start3A_801, %dma_start3A_807] : memref<2x16x125xi32, #tpu.memory_space<vmem>> -> memref<1x1x125xi32, #tpu.memory_space<vmem>>
      %dma_start3A_809 = tpu.memref_squeeze %dma_start3A_808 : memref<1x1x125xi32, #tpu.memory_space<vmem>> -> memref<125xi32, #tpu.memory_space<vmem>>
      %dma_start3A_810 = arith.constant 0 : i32
      %dma_start3A_811 = arith.constant 0 : i32
      %dma_start3A_812 = tpu.memref_slice %arg9[%dma_start3A_810, %dma_start3A_811] : memref<10240x128xf32, #tpu.memory_space<vmem_shared>> -> memref<10240x128xf32, #tpu.memory_space<vmem_shared>>
      %dma_start3A_813 = tpu.memref_slice %arg16[%dma_start3A_802] : memref<2x!tpu.dma_semaphore, #tpu.memory_space<semaphore_mem>> -> memref<1x!tpu.dma_semaphore, #tpu.memory_space<semaphore_mem>>
      %dma_start3A_814 = tpu.memref_squeeze %dma_start3A_813 : memref<1x!tpu.dma_semaphore, #tpu.memory_space<semaphore_mem>> -> memref<!tpu.dma_semaphore, #tpu.memory_space<semaphore_mem>>
      tpu.enqueue_indirect_dma source(%dma_start3A_806 : memref<125x128xf32, #tpu.memory_space<vmem>>) target(%dma_start3A_812 : memref<10240x128xf32, #tpu.memory_space<vmem_shared>>) offsets(%dma_start3A_809 : memref<125xi32, #tpu.memory_space<vmem>>) semaphore(%dma_start3A_814 : memref<!tpu.dma_semaphore, #tpu.memory_space<semaphore_mem>>) {add = true}
      %dma_start3A_815 = arith.constant 14 : i32
      %dma_start3A_816 = arith.constant 0 : i32
      %dma_start3A_817 = tpu.memref_slice %arg12[%rem3A_48, %dma_start3A_815, %dma_start3A_816] : memref<2x16x125xi32, #tpu.memory_space<vmem>> -> memref<1x1x125xi32, #tpu.memory_space<vmem>>
      %dma_start3A_818 = tpu.memref_squeeze %dma_start3A_817 : memref<1x1x125xi32, #tpu.memory_space<vmem>> -> memref<125xi32, #tpu.memory_space<vmem>>
      %dma_start3A_819 = arith.constant 0 : i32
      %dma_start3A_820 = tpu.memref_slice %arg10[%dma_start3A_819] : memref<10240xf32, #tpu.memory_space<vmem_shared>> -> memref<10240xf32, #tpu.memory_space<vmem_shared>>
      tpu.enqueue_indirect_dma source(%arg14 : memref<125xf32, #tpu.memory_space<vmem>>) target(%dma_start3A_820 : memref<10240xf32, #tpu.memory_space<vmem_shared>>) offsets(%dma_start3A_818 : memref<125xi32, #tpu.memory_space<vmem>>) semaphore(%arg17 : memref<!tpu.dma_semaphore, #tpu.memory_space<semaphore_mem>>) {add = true}
      %mul3A_821 = arith.constant 16 : i32
      %mul3A_822 = arith.muli %scan3A_47, %mul3A_821 : i32
      %add3A_823 = arith.constant 15 : i32
      %add3A_824 = arith.addi %mul3A_822, %add3A_823 : i32
      %dma_wait3A_825 = arith.constant 1 : i32
      %dma_wait3A_826 = arith.constant 1 : i32
      %dma_wait3A_827 = arith.constant 0 : i32
      %dma_wait3A_828 = arith.constant 0 : i32
      %dma_wait3A_829 = tpu.memref_slice %arg13[%dma_wait3A_825, %dma_wait3A_827, %dma_wait3A_828] : memref<2x125x128xf32, #tpu.memory_space<vmem>> -> memref<1x125x128xf32, #tpu.memory_space<vmem>>
      %dma_wait3A_830 = tpu.memref_squeeze %dma_wait3A_829 : memref<1x125x128xf32, #tpu.memory_space<vmem>> -> memref<125x128xf32, #tpu.memory_space<vmem>>
      %dma_wait3A_831 = arith.constant 0 : i32
      %dma_wait3A_832 = tpu.memref_slice %arg11[%add3A_824, %dma_wait3A_831] : memref<80x125xi32, #tpu.memory_space<vmem>> -> memref<1x125xi32, #tpu.memory_space<vmem>>
      %dma_wait3A_833 = tpu.memref_squeeze %dma_wait3A_832 : memref<1x125xi32, #tpu.memory_space<vmem>> -> memref<125xi32, #tpu.memory_space<vmem>>
      %dma_wait3A_834 = arith.constant 0 : i32
      %dma_wait3A_835 = arith.constant 0 : i32
      %dma_wait3A_836 = tpu.memref_slice %arg2[%dma_wait3A_834, %dma_wait3A_835] : memref<10000x128xf32, #tpu.memory_space<hbm>> -> memref<10000x128xf32, #tpu.memory_space<hbm>>
      %dma_wait3A_837 = tpu.memref_slice %arg15[%dma_wait3A_826] : memref<2x!tpu.dma_semaphore, #tpu.memory_space<semaphore_mem>> -> memref<1x!tpu.dma_semaphore, #tpu.memory_space<semaphore_mem>>
      %dma_wait3A_838 = tpu.memref_squeeze %dma_wait3A_837 : memref<1x!tpu.dma_semaphore, #tpu.memory_space<semaphore_mem>> -> memref<!tpu.dma_semaphore, #tpu.memory_space<semaphore_mem>>
      tpu.wait_indirect_dma semaphore(%dma_wait3A_838 : memref<!tpu.dma_semaphore, #tpu.memory_space<semaphore_mem>>) src(%dma_wait3A_836 : memref<10000x128xf32, #tpu.memory_space<hbm>>) dst(%dma_wait3A_830 : memref<125x128xf32, #tpu.memory_space<vmem>>)
      %ge3A_839 = arith.constant 1 : i32
      %ge3A_840 = arith.cmpi sge, %add3A_824, %ge3A_839 : i32
      %convert_element_type3A_841 = arith.extui %ge3A_840 : i1 to i32
      %cond3A_842 = arith.constant 0 : i32
      %cond3A_843 = arith.cmpi ne, %convert_element_type3A_841, %cond3A_842 : i32
      scf.if %cond3A_843 {
        %dma_wait3A_872 = arith.constant 0 : i32
        %dma_wait3A_873 = arith.constant 15 : i32
        %dma_wait3A_874 = arith.constant 0 : i32
        %dma_wait3A_875 = arith.constant 0 : i32
        %dma_wait3A_876 = arith.constant 0 : i32
        %dma_wait3A_877 = tpu.memref_slice %arg13[%dma_wait3A_872, %dma_wait3A_875, %dma_wait3A_876] : memref<2x125x128xf32, #tpu.memory_space<vmem>> -> memref<1x125x128xf32, #tpu.memory_space<vmem>>
        %dma_wait3A_878 = tpu.memref_squeeze %dma_wait3A_877 : memref<1x125x128xf32, #tpu.memory_space<vmem>> -> memref<125x128xf32, #tpu.memory_space<vmem>>
        %dma_wait3A_879 = arith.constant 0 : i32
        %dma_wait3A_880 = tpu.memref_slice %arg12[%rem3A_48, %dma_wait3A_873, %dma_wait3A_879] : memref<2x16x125xi32, #tpu.memory_space<vmem>> -> memref<1x1x125xi32, #tpu.memory_space<vmem>>
        %dma_wait3A_881 = tpu.memref_squeeze %dma_wait3A_880 : memref<1x1x125xi32, #tpu.memory_space<vmem>> -> memref<125xi32, #tpu.memory_space<vmem>>
        %dma_wait3A_882 = arith.constant 0 : i32
        %dma_wait3A_883 = arith.constant 0 : i32
        %dma_wait3A_884 = tpu.memref_slice %arg9[%dma_wait3A_882, %dma_wait3A_883] : memref<10240x128xf32, #tpu.memory_space<vmem_shared>> -> memref<10240x128xf32, #tpu.memory_space<vmem_shared>>
        %dma_wait3A_885 = tpu.memref_slice %arg16[%dma_wait3A_874] : memref<2x!tpu.dma_semaphore, #tpu.memory_space<semaphore_mem>> -> memref<1x!tpu.dma_semaphore, #tpu.memory_space<semaphore_mem>>
        %dma_wait3A_886 = tpu.memref_squeeze %dma_wait3A_885 : memref<1x!tpu.dma_semaphore, #tpu.memory_space<semaphore_mem>> -> memref<!tpu.dma_semaphore, #tpu.memory_space<semaphore_mem>>
        tpu.wait_indirect_dma semaphore(%dma_wait3A_886 : memref<!tpu.dma_semaphore, #tpu.memory_space<semaphore_mem>>) src(%dma_wait3A_878 : memref<125x128xf32, #tpu.memory_space<vmem>>) dst(%dma_wait3A_884 : memref<10240x128xf32, #tpu.memory_space<vmem_shared>>)
        %dma_wait3A_887 = arith.constant 15 : i32
        %dma_wait3A_888 = arith.constant 0 : i32
        %dma_wait3A_889 = tpu.memref_slice %arg12[%rem3A_48, %dma_wait3A_887, %dma_wait3A_888] : memref<2x16x125xi32, #tpu.memory_space<vmem>> -> memref<1x1x125xi32, #tpu.memory_space<vmem>>
        %dma_wait3A_890 = tpu.memref_squeeze %dma_wait3A_889 : memref<1x1x125xi32, #tpu.memory_space<vmem>> -> memref<125xi32, #tpu.memory_space<vmem>>
        %dma_wait3A_891 = arith.constant 0 : i32
        %dma_wait3A_892 = tpu.memref_slice %arg10[%dma_wait3A_891] : memref<10240xf32, #tpu.memory_space<vmem_shared>> -> memref<10240xf32, #tpu.memory_space<vmem_shared>>
        tpu.wait_indirect_dma semaphore(%arg17 : memref<!tpu.dma_semaphore, #tpu.memory_space<semaphore_mem>>) src(%arg14 : memref<125xf32, #tpu.memory_space<vmem>>) dst(%dma_wait3A_892 : memref<10240xf32, #tpu.memory_space<vmem_shared>>)
      } else {
      }
      %add3A_844 = arith.constant 1 : i32
      %add3A_845 = arith.addi %add3A_824, %add3A_844 : i32
      %lt3A_846 = arith.constant 80 : i32
      %lt3A_847 = arith.cmpi slt, %add3A_845, %lt3A_846 : i32
      %convert_element_type3A_848 = arith.extui %lt3A_847 : i1 to i32
      %cond3A_849 = arith.constant 0 : i32
      %cond3A_850 = arith.cmpi ne, %convert_element_type3A_848, %cond3A_849 : i32
      scf.if %cond3A_850 {
        %add3A_872 = arith.constant 1 : i32
        %add3A_873 = arith.addi %add3A_824, %add3A_872 : i32
        %dma_start3A_874 = arith.constant 0 : i32
        %dma_start3A_875 = arith.constant 0 : i32
        %dma_start3A_876 = arith.constant 0 : i32
        %dma_start3A_877 = arith.constant 0 : i32
        %dma_start3A_878 = tpu.memref_slice %arg13[%dma_start3A_874, %dma_start3A_876, %dma_start3A_877] : memref<2x125x128xf32, #tpu.memory_space<vmem>> -> memref<1x125x128xf32, #tpu.memory_space<vmem>>
        %dma_start3A_879 = tpu.memref_squeeze %dma_start3A_878 : memref<1x125x128xf32, #tpu.memory_space<vmem>> -> memref<125x128xf32, #tpu.memory_space<vmem>>
        %dma_start3A_880 = arith.constant 0 : i32
        %dma_start3A_881 = tpu.memref_slice %arg11[%add3A_873, %dma_start3A_880] : memref<80x125xi32, #tpu.memory_space<vmem>> -> memref<1x125xi32, #tpu.memory_space<vmem>>
        %dma_start3A_882 = tpu.memref_squeeze %dma_start3A_881 : memref<1x125xi32, #tpu.memory_space<vmem>> -> memref<125xi32, #tpu.memory_space<vmem>>
        %dma_start3A_883 = arith.constant 0 : i32
        %dma_start3A_884 = arith.constant 0 : i32
        %dma_start3A_885 = tpu.memref_slice %arg2[%dma_start3A_883, %dma_start3A_884] : memref<10000x128xf32, #tpu.memory_space<hbm>> -> memref<10000x128xf32, #tpu.memory_space<hbm>>
        %dma_start3A_886 = tpu.memref_slice %arg15[%dma_start3A_875] : memref<2x!tpu.dma_semaphore, #tpu.memory_space<semaphore_mem>> -> memref<1x!tpu.dma_semaphore, #tpu.memory_space<semaphore_mem>>
        %dma_start3A_887 = tpu.memref_squeeze %dma_start3A_886 : memref<1x!tpu.dma_semaphore, #tpu.memory_space<semaphore_mem>> -> memref<!tpu.dma_semaphore, #tpu.memory_space<semaphore_mem>>
        tpu.enqueue_indirect_dma source(%dma_start3A_885 : memref<10000x128xf32, #tpu.memory_space<hbm>>) target(%dma_start3A_879 : memref<125x128xf32, #tpu.memory_space<vmem>>) offsets(%dma_start3A_882 : memref<125xi32, #tpu.memory_space<vmem>>) semaphore(%dma_start3A_887 : memref<!tpu.dma_semaphore, #tpu.memory_space<semaphore_mem>>)
      } else {
      }
      %dma_start3A_851 = arith.constant 1 : i32
      %dma_start3A_852 = arith.constant 15 : i32
      %dma_start3A_853 = arith.constant 1 : i32
      %dma_start3A_854 = arith.constant 0 : i32
      %dma_start3A_855 = arith.constant 0 : i32
      %dma_start3A_856 = tpu.memref_slice %arg13[%dma_start3A_851, %dma_start3A_854, %dma_start3A_855] : memref<2x125x128xf32, #tpu.memory_space<vmem>> -> memref<1x125x128xf32, #tpu.memory_space<vmem>>
      %dma_start3A_857 = tpu.memref_squeeze %dma_start3A_856 : memref<1x125x128xf32, #tpu.memory_space<vmem>> -> memref<125x128xf32, #tpu.memory_space<vmem>>
      %dma_start3A_858 = arith.constant 0 : i32
      %dma_start3A_859 = tpu.memref_slice %arg12[%rem3A_48, %dma_start3A_852, %dma_start3A_858] : memref<2x16x125xi32, #tpu.memory_space<vmem>> -> memref<1x1x125xi32, #tpu.memory_space<vmem>>
      %dma_start3A_860 = tpu.memref_squeeze %dma_start3A_859 : memref<1x1x125xi32, #tpu.memory_space<vmem>> -> memref<125xi32, #tpu.memory_space<vmem>>
      %dma_start3A_861 = arith.constant 0 : i32
      %dma_start3A_862 = arith.constant 0 : i32
      %dma_start3A_863 = tpu.memref_slice %arg9[%dma_start3A_861, %dma_start3A_862] : memref<10240x128xf32, #tpu.memory_space<vmem_shared>> -> memref<10240x128xf32, #tpu.memory_space<vmem_shared>>
      %dma_start3A_864 = tpu.memref_slice %arg16[%dma_start3A_853] : memref<2x!tpu.dma_semaphore, #tpu.memory_space<semaphore_mem>> -> memref<1x!tpu.dma_semaphore, #tpu.memory_space<semaphore_mem>>
      %dma_start3A_865 = tpu.memref_squeeze %dma_start3A_864 : memref<1x!tpu.dma_semaphore, #tpu.memory_space<semaphore_mem>> -> memref<!tpu.dma_semaphore, #tpu.memory_space<semaphore_mem>>
      tpu.enqueue_indirect_dma source(%dma_start3A_857 : memref<125x128xf32, #tpu.memory_space<vmem>>) target(%dma_start3A_863 : memref<10240x128xf32, #tpu.memory_space<vmem_shared>>) offsets(%dma_start3A_860 : memref<125xi32, #tpu.memory_space<vmem>>) semaphore(%dma_start3A_865 : memref<!tpu.dma_semaphore, #tpu.memory_space<semaphore_mem>>) {add = true}
      %dma_start3A_866 = arith.constant 15 : i32
      %dma_start3A_867 = arith.constant 0 : i32
      %dma_start3A_868 = tpu.memref_slice %arg12[%rem3A_48, %dma_start3A_866, %dma_start3A_867] : memref<2x16x125xi32, #tpu.memory_space<vmem>> -> memref<1x1x125xi32, #tpu.memory_space<vmem>>
      %dma_start3A_869 = tpu.memref_squeeze %dma_start3A_868 : memref<1x1x125xi32, #tpu.memory_space<vmem>> -> memref<125xi32, #tpu.memory_space<vmem>>
      %dma_start3A_870 = arith.constant 0 : i32
      %dma_start3A_871 = tpu.memref_slice %arg10[%dma_start3A_870] : memref<10240xf32, #tpu.memory_space<vmem_shared>> -> memref<10240xf32, #tpu.memory_space<vmem_shared>>
      tpu.enqueue_indirect_dma source(%arg14 : memref<125xf32, #tpu.memory_space<vmem>>) target(%dma_start3A_871 : memref<10240xf32, #tpu.memory_space<vmem_shared>>) offsets(%dma_start3A_869 : memref<125xi32, #tpu.memory_space<vmem>>) semaphore(%arg17 : memref<!tpu.dma_semaphore, #tpu.memory_space<semaphore_mem>>) {add = true}
    }
    %scan3A_23 = arith.constant 5 : i32
    %dma_wait3A = arith.constant 1 : i32
    %dma_wait3A_24 = arith.constant 1 : i32
    %dma_wait3A_25 = arith.constant 15 : i32
    %dma_wait3A_26 = arith.constant 1 : i32
    %dma_wait3A_27 = arith.constant 0 : i32
    %dma_wait3A_28 = arith.constant 0 : i32
    %dma_wait3A_29 = tpu.memref_slice %arg13[%dma_wait3A, %dma_wait3A_27, %dma_wait3A_28] : memref<2x125x128xf32, #tpu.memory_space<vmem>> -> memref<1x125x128xf32, #tpu.memory_space<vmem>>
    %dma_wait3A_30 = tpu.memref_squeeze %dma_wait3A_29 : memref<1x125x128xf32, #tpu.memory_space<vmem>> -> memref<125x128xf32, #tpu.memory_space<vmem>>
    %dma_wait3A_31 = arith.constant 0 : i32
    %dma_wait3A_32 = tpu.memref_slice %arg12[%dma_wait3A_24, %dma_wait3A_25, %dma_wait3A_31] : memref<2x16x125xi32, #tpu.memory_space<vmem>> -> memref<1x1x125xi32, #tpu.memory_space<vmem>>
    %dma_wait3A_33 = tpu.memref_squeeze %dma_wait3A_32 : memref<1x1x125xi32, #tpu.memory_space<vmem>> -> memref<125xi32, #tpu.memory_space<vmem>>
    %dma_wait3A_34 = arith.constant 0 : i32
    %dma_wait3A_35 = arith.constant 0 : i32
    %dma_wait3A_36 = tpu.memref_slice %arg9[%dma_wait3A_34, %dma_wait3A_35] : memref<10240x128xf32, #tpu.memory_space<vmem_shared>> -> memref<10240x128xf32, #tpu.memory_space<vmem_shared>>
    %dma_wait3A_37 = tpu.memref_slice %arg16[%dma_wait3A_26] : memref<2x!tpu.dma_semaphore, #tpu.memory_space<semaphore_mem>> -> memref<1x!tpu.dma_semaphore, #tpu.memory_space<semaphore_mem>>
    %dma_wait3A_38 = tpu.memref_squeeze %dma_wait3A_37 : memref<1x!tpu.dma_semaphore, #tpu.memory_space<semaphore_mem>> -> memref<!tpu.dma_semaphore, #tpu.memory_space<semaphore_mem>>
    tpu.wait_indirect_dma semaphore(%dma_wait3A_38 : memref<!tpu.dma_semaphore, #tpu.memory_space<semaphore_mem>>) src(%dma_wait3A_30 : memref<125x128xf32, #tpu.memory_space<vmem>>) dst(%dma_wait3A_36 : memref<10240x128xf32, #tpu.memory_space<vmem_shared>>)
    %dma_wait3A_39 = arith.constant 1 : i32
    %dma_wait3A_40 = arith.constant 15 : i32
    %dma_wait3A_41 = arith.constant 0 : i32
    %dma_wait3A_42 = tpu.memref_slice %arg12[%dma_wait3A_39, %dma_wait3A_40, %dma_wait3A_41] : memref<2x16x125xi32, #tpu.memory_space<vmem>> -> memref<1x1x125xi32, #tpu.memory_space<vmem>>
    %dma_wait3A_43 = tpu.memref_squeeze %dma_wait3A_42 : memref<1x1x125xi32, #tpu.memory_space<vmem>> -> memref<125xi32, #tpu.memory_space<vmem>>
    %dma_wait3A_44 = arith.constant 0 : i32
    %dma_wait3A_45 = tpu.memref_slice %arg10[%dma_wait3A_44] : memref<10240xf32, #tpu.memory_space<vmem_shared>> -> memref<10240xf32, #tpu.memory_space<vmem_shared>>
    tpu.wait_indirect_dma semaphore(%arg17 : memref<!tpu.dma_semaphore, #tpu.memory_space<semaphore_mem>>) src(%arg14 : memref<125xf32, #tpu.memory_space<vmem>>) dst(%dma_wait3A_45 : memref<10240xf32, #tpu.memory_space<vmem_shared>>)
    %barrier3A_46 = arith.constant 0 : index
    tpu.barrier barrier_id(%barrier3A_46)
    "tpu.region"() ({
      %run_scoped3A_47 = tpu.sem_alloc : memref<!tpu.dma_semaphore, #tpu.memory_space<semaphore_mem>>
      %dma_start3A_48 = arith.constant 0 : i32
      %dma_start3A_49 = tpu.memref_slice %arg7[%arg0, %mul3A_2, %dma_start3A_48] : memref<2x10240x128xf32, #tpu.memory_space<hbm>> -> memref<1x640x128xf32, #tpu.memory_space<hbm>>
      %dma_start3A_50 = tpu.memref_squeeze %dma_start3A_49 : memref<1x640x128xf32, #tpu.memory_space<hbm>> -> memref<640x128xf32, #tpu.memory_space<hbm>>
      %dma_start3A_51 = arith.constant 0 : i32
      %dma_start3A_52 = tpu.memref_slice %arg9[%mul3A_2, %dma_start3A_51] : memref<10240x128xf32, #tpu.memory_space<vmem_shared>> -> memref<640x128xf32, #tpu.memory_space<vmem_shared>>
      tpu.enqueue_dma source(%dma_start3A_52 : memref<640x128xf32, #tpu.memory_space<vmem_shared>>) target(%dma_start3A_50 : memref<640x128xf32, #tpu.memory_space<hbm>>) target_semaphore(%run_scoped3A_47 : memref<!tpu.dma_semaphore, #tpu.memory_space<semaphore_mem>>)
      %dma_wait3A_53 = arith.constant 0 : i32
      %dma_wait3A_54 = tpu.memref_slice %arg7[%arg0, %mul3A_2, %dma_wait3A_53] : memref<2x10240x128xf32, #tpu.memory_space<hbm>> -> memref<1x640x128xf32, #tpu.memory_space<hbm>>
      %dma_wait3A_55 = tpu.memref_squeeze %dma_wait3A_54 : memref<1x640x128xf32, #tpu.memory_space<hbm>> -> memref<640x128xf32, #tpu.memory_space<hbm>>
      %dma_wait3A_56 = arith.constant 0 : i32
      %dma_wait3A_57 = tpu.memref_slice %arg9[%mul3A_2, %dma_wait3A_56] : memref<10240x128xf32, #tpu.memory_space<vmem_shared>> -> memref<640x128xf32, #tpu.memory_space<vmem_shared>>
      tpu.wait_dma2 semaphore(%run_scoped3A_47 : memref<!tpu.dma_semaphore, #tpu.memory_space<semaphore_mem>>) src(%dma_wait3A_57 : memref<640x128xf32, #tpu.memory_space<vmem_shared>>) dst(%dma_wait3A_55 : memref<640x128xf32, #tpu.memory_space<hbm>>)
      tpu.yield
    }) : () -> ()
    "tpu.region"() ({
      %run_scoped3A_47 = tpu.sem_alloc : memref<!tpu.dma_semaphore, #tpu.memory_space<semaphore_mem>>
      %dma_start3A_48 = tpu.memref_slice %arg8[%arg0, %mul3A_2] : memref<2x10240xf32, #tpu.memory_space<hbm>> -> memref<1x640xf32, #tpu.memory_space<hbm>>
      %dma_start3A_49 = tpu.memref_squeeze %dma_start3A_48 : memref<1x640xf32, #tpu.memory_space<hbm>> -> memref<640xf32, #tpu.memory_space<hbm>>
      %dma_start3A_50 = tpu.memref_slice %arg10[%mul3A_2] : memref<10240xf32, #tpu.memory_space<vmem_shared>> -> memref<640xf32, #tpu.memory_space<vmem_shared>>
      tpu.enqueue_dma source(%dma_start3A_50 : memref<640xf32, #tpu.memory_space<vmem_shared>>) target(%dma_start3A_49 : memref<640xf32, #tpu.memory_space<hbm>>) target_semaphore(%run_scoped3A_47 : memref<!tpu.dma_semaphore, #tpu.memory_space<semaphore_mem>>)
      %dma_wait3A_51 = tpu.memref_slice %arg8[%arg0, %mul3A_2] : memref<2x10240xf32, #tpu.memory_space<hbm>> -> memref<1x640xf32, #tpu.memory_space<hbm>>
      %dma_wait3A_52 = tpu.memref_squeeze %dma_wait3A_51 : memref<1x640xf32, #tpu.memory_space<hbm>> -> memref<640xf32, #tpu.memory_space<hbm>>
      %dma_wait3A_53 = tpu.memref_slice %arg10[%mul3A_2] : memref<10240xf32, #tpu.memory_space<vmem_shared>> -> memref<640xf32, #tpu.memory_space<vmem_shared>>
      tpu.wait_dma2 semaphore(%run_scoped3A_47 : memref<!tpu.dma_semaphore, #tpu.memory_space<semaphore_mem>>) src(%dma_wait3A_53 : memref<640xf32, #tpu.memory_space<vmem_shared>>) dst(%dma_wait3A_52 : memref<640xf32, #tpu.memory_space<hbm>>)
      tpu.yield
    }) : () -> ()
    return
  }
}

</mosaic_0001>

<sc_bundles>
// kernel: _sc_agg.3.cloned.1.call-start
scs
__scs_entry_jumppad:
0x0: {  	(pc) =	sbr.rel $0x88, $3  }
0x1: {  	(tag) =	ssettag $0x0;
	lr =	simm.s32 $0x1  }
0x2: {  	[smem:$0x3F9F] =	sst lr;
	_ =	strace $0xD0000000  }
0x3: {  	_ = 	snop  }
0x4: {  	_ = 	snop  }
0x5: {  	_ = 	snop  }
0x6: {  	_ = 	snop  }
0x7: {  	_ = 	snop  }
__scs_overlays_trampoline_lowered:
0x8: {  	[smem:$0x3FAE] =	sst s0  }
0x9: {  	[smem:$0x3FAF] =	sst s1  }
0xa: {  	[smem:$0x3FB0] =	sst s2  }
0xb: {  	[smem:$0x3FB1] =	sst s3  }
0xc: {  	[smem:$0x3FB2] =	sst s4  }
0xd: {  	[smem:$0x3FB3] =	sst s5  }
0xe: {  	[smem:$0x3FB4] =	sst s6  }
0xf: {  	[smem:$0x3FB5] =	sst s7  }
0x10: {  	[smem:$0x3FB6] =	sst s8  }
0x11: {  	[smem:$0x3FB7] =	sst s9;
	s0 =	simm.s32 @!p0 $0x0  }
0x12: {  	s1 =	sld [smem:$0x3F9D];
	s0 =	simm.s32 @p0 $0x1  }
0x13: {  	[smem:$0x3FB8] =	sst s0;
	s0 =	simm.s32 @!p1 $0x0  }
0x14: {  	s2 =	sld [smem:$0x3F9C];
	s0 =	simm.s32 @p1 $0x1  }
0x15: {  	[smem:$0x3FB9] =	sst s0;
	s0 =	simm.s32 @!p2 $0x0  }
0x16: {  	s3 =	sld [smem:$0x3FDB];
	s0 =	simm.s32 @p2 $0x1  }
0x17: {  	s4 =	simm.s32 $0x1BF5;
	[smem:$0x3FBB] =	sst s0  }
0x18: {  	s0 =	sld [smem:$0x3F9E];
	_ =	swait.ge [sflag:s4], $0x0  }
0x19: {  	s7 =	sld [smem:$0x3F9F]  }
0x1a: {  	s8 =	sadd.s32 $0xFFFFE003, lr  }
0x1b: {  	s9 =	sadd.s32 $0xFFFFFEF7, lr;
	s5 =	simm.s32 $0xFFFFFFFF;
	p2 =	slt.u32 s8, $0xFFFFF086  }
0x1c: {  	p1 =	slt.u32 s9, $0xF7A;
	s5 =	simm.s32 @!p2 $0x0  }
0x1d: {  	s5 =	simm.s32 @p1 $0x1;
	p0 =	seq.s32 s7, s2  }
0x1e: {  	s7 =	smul.u32 @!p0 $0xF7A, s2;
	p2 =	seq.s32 @!p0 s5, $0x0  }
0x1f: {  	s9 =	smul.u32 $0xF7A, s1;
	s8 =	simm.s32 @!p0 $0x1BF5;
	p2 =	por !p2, p0  }
0x20: {  	[sflag:s8] =	ssyncset.s32 @!p0 $0xFFFFF086;
	s6 =	sadd.s32 @!p0 s3, s7;
	s7 =	simm.s32 @!p0 $0x108  }
0x21: {  	s3 =	sadd.s32 s3, s9;
	s6 =	sadd.s32 @!p0 $0x88, s6;
	s7 =	simm.s32 @p2 $0x1082  }
0x22: {  	[simem:s7], [sflag:s8] =	dma.local @!p0 [hbm:s6], $0xF7A  }
0x23: {  	s9 =	sor.u32 $0xD0000000, s2;
	s6 =	simm.s32 $0x108;
	_ =	swait.ge @!p0 [sflag:s8], $0x0  }
0x24: {  	s3 =	sadd.s32 $0x88, s3;
	s6 =	simm.s32 @!p1 $0x1082;
	[sflag:s4] =	ssyncset.s32 $0xFFFFF086  }
0x25: {  	[simem:s6], [sflag:s4] =	dma.local [hbm:s3], $0xF7A  }
0x26: {  	[smem:$0x3F9F] =	sst s1;
	(tag) =	ssettag s2;
	_ =	strace s9  }
0x27: {  	s1 =	sld [smem:$0x3FAF]  }
0x28: {  	s2 =	sld [smem:$0x3FB0]  }
0x29: {  	s4 =	sld [smem:$0x3FB2]  }
0x2a: {  	p0 =	seq.s32 s5, $0x0;
	s5 =	sld [smem:$0x3FB3]  }
0x2b: {  	s6 =	sld [smem:$0x3FB4]  }
0x2c: {  	s7 =	sld [smem:$0x3FB5]  }
0x2d: {  	s3 =	simm.s32 $0x108;
	s8 =	sld [smem:$0x3FB6]  }
0x2e: {  	s3 =	simm.s32 @!p0 $0x1082;
	s9 =	sld [smem:$0x3FB7]  }
0x2f: {  	lr =	sadd.s32 s0, s3;
	s0 =	sld [smem:$0x3FAE]  }
0x30: {  	s3 =	sld [smem:$0x3FB1]  }
0x31: {  	[smem:$0x3FBA] =	sst s10  }
0x32: {  	s10 =	sld [smem:$0x3FB8];
	_ =	sdelay $0x3  }
0x33: {  	p0 =	seq.s32 s10, $0x1;
	s10 =	sld [smem:$0x3FBA];
	_ =	sdelay $0x3  }
0x34: {  	[smem:$0x3FBA] =	sst s10  }
0x35: {  	s10 =	sld [smem:$0x3FB9];
	_ =	sdelay $0x3  }
0x36: {  	p1 =	seq.s32 s10, $0x1;
	s10 =	sld [smem:$0x3FBA];
	_ =	sdelay $0x3  }
0x37: {  	[smem:$0x3FBA] =	sst s10  }
0x38: {  	s10 =	sld [smem:$0x3FBB]  }
0x39: {  	_ = 	snop;
	(pc) =	sbr.ind lr, $3  }
0x3a: {  	_ = 	snop  }
0x3b: {  	_ = 	snop  }
0x3c: {  	p2 =	seq.s32 s10, $0x1;
	s10 =	sld [smem:$0x3FBA]  }
0x3d: {  	_ =	shalt  }
0x3e: {  	_ =	shalt  }
0x3f: {  	_ =	shalt  }
0x40: {  	_ =	shalt  }
0x41: {  	_ =	shalt  }
0x42: {  	_ =	shalt  }
0x43: {  	_ =	shalt  }
0x44: {  	_ =	shalt  }
0x45: {  	_ =	shalt  }
0x46: {  	_ =	shalt  }
0x47: {  	_ =	shalt  }
0x48: {  	_ =	shalt  }
0x49: {  	_ =	shalt  }
0x4a: {  	_ =	shalt  }
0x4b: {  	_ =	shalt  }
0x4c: {  	_ =	shalt  }
0x4d: {  	_ =	shalt  }
0x4e: {  	_ =	shalt  }
0x4f: {  	_ =	shalt  }
0x50: {  	_ =	shalt  }
0x51: {  	_ =	shalt  }
0x52: {  	_ =	shalt  }
0x53: {  	_ =	shalt  }
0x54: {  	_ =	shalt  }
0x55: {  	_ =	shalt  }
0x56: {  	_ =	shalt  }
0x57: {  	_ =	shalt  }
0x58: {  	_ =	shalt  }
0x59: {  	_ =	shalt  }
0x5a: {  	_ =	shalt  }
0x5b: {  	_ =	shalt  }
0x5c: {  	_ =	shalt  }
0x5d: {  	_ =	shalt  }
0x5e: {  	_ =	shalt  }
0x5f: {  	_ =	shalt  }
0x60: {  	_ =	shalt  }
0x61: {  	_ =	shalt  }
0x62: {  	_ =	shalt  }
0x63: {  	_ =	shalt  }
0x64: {  	_ =	shalt  }
0x65: {  	_ =	shalt  }
0x66: {  	_ =	shalt  }
0x67: {  	_ =	shalt  }
0x68: {  	_ =	shalt  }
0x69: {  	_ =	shalt  }
0x6a: {  	_ =	shalt  }
0x6b: {  	_ =	shalt  }
0x6c: {  	_ =	shalt  }
0x6d: {  	_ =	shalt  }
0x6e: {  	_ =	shalt  }
0x6f: {  	_ =	shalt  }
0x70: {  	_ =	shalt  }
0x71: {  	_ =	shalt  }
0x72: {  	_ =	shalt  }
0x73: {  	_ =	shalt  }
0x74: {  	_ =	shalt  }
0x75: {  	_ =	shalt  }
0x76: {  	_ =	shalt  }
0x77: {  	_ =	shalt  }
0x78: {  	_ =	shalt  }
0x79: {  	_ =	shalt  }
0x7a: {  	_ =	shalt  }
0x7b: {  	_ =	shalt  }
0x7c: {  	_ =	shalt  }
0x7d: {  	_ =	shalt  }
0x7e: {  	_ =	shalt  }
0x7f: {  	_ =	shalt  }
0x80: {  	_ =	shalt  }
0x81: {  	_ =	shalt  }
0x82: {  	_ =	shalt  }
0x83: {  	_ =	shalt  }
0x84: {  	_ =	shalt  }
0x85: {  	_ =	shalt  }
0x86: {  	_ =	shalt  }
0x87: {  	_ =	shalt  }
.Lfunc_end0:
.L_simem_size_0:
called_computation_lowered:
.L_overlay_start_0:
0x88: {  	s2 =	sld [smem:$0x3FD9]  }
0x89: {  	s3 =	sld [smem:$0x3FFE];
	_ =	sdelay $0x1  }
0x8a: {  	s1 =	srdreg.scid  }
0x8b: {  	s0 =	sand.u32 $0x1, s1  }
0x8c: {  	s14 =	sshll.u32 s0, $0xA;
	s2 =	sadd.s32 s3, s2  }
0x8d: {  	s2 =	sadd.s32 s2, s14  }
0x8e: {  	[smem:$0x3FC6] =	sst s2  }
0x8f: {  	_ = 	snop  }
0x90: {  	s2 =	sld [smem:$0x3FD0];
	_ =	sdelay $0x1  }
0x91: {  	s15 =	sld [smem:$0x3FC9]  }
0x92: {  	s5 =	simm.s32 $0xA;
	s6 =	simm.s32 $0x10;
	s4 =	sld [smem:$0x3FC8]  }
0x93: {  	[smem:s6], [sflag:s5] =	dma.local [hbm:s2], $0x1  }
0x94: {  	_ =	swait.eq [sflag:s5], $0x1  }
0x95: {  	[sflag:s5] =	ssyncset.done $0x0  }
0x96: {  	s16 =	sld [smem:$0x10];
	[sflag:s5] =	ssyncadd.s32 $0xFFFFFFFF  }
0x97: {  	s17 =	sld [smem:$0x11];
	(tm) =	ssettm $0x1  }
0x98: {  	s18 =	sld [smem:$0x3FFB];
	_ =	sdelay $0x3  }
0x99: {  	_ =	strace s18  }
0x9a: {  	s6 =	sld [smem:$0x3FFC];
	_ =	sdelay $0x3  }
0x9b: {  	_ =	strace s6  }
0x9c: {  	s6 =	sld [smem:$0x3FFD];
	_ =	sdelay $0x3  }
0x9d: {  	_ =	strace s6  }
0x9e: {  	_ =	strace $0x8FFFFFFF  }
0x9f: {  	s19 =	sld [smem:$0x3FDB];
	_ =	sdelay $0x1  }
0xa0: {  	s7 =	simm.s32 $_scs_section_size  }
0xa1: {  	s8 =	simm.s32 $_size__tile_overlayer_lowered;
	s9 =	simm.s32 $_tile_overlayer_lowered  }
0xa2: {  	s22 =	simm.s32 $0x1BFF;
	s21 =	sshll.u32 s9, $0x1;
	s6 =	sadd.s32 s7, s19  }
0xa3: {  	s10 =	simm.s32 $0x0;
	s20 =	sshll.u32 s8, $0x1;
	s8 =	sadd.s32 s21, s6  }
0xa4: {  	[timem:s10], [sflag:s22] =	dma.local [hbm:s8], s20  }
0xa5: {  	_ =	swait.ge [sflag:s22], s20  }
0xa6: {  	s7 =	ssub.s32 $0x0, s20;
	[sflag:s22] =	ssyncset.done $0x0  }
0xa7: {  	[sflag:s22] =	ssyncadd.s32 s7;
	_ =	sdelay $0x1  }
0xa8: {  	s23 =	simm.s32 $0x1B8B  }
0xa9: {  	_ =	swait.ge [sflag:s23], $0x1  }
0xaa: {  	[sflag:s23] =	ssyncset.done $0x0  }
0xab: {  	s25 =	simm.s32 $0x1B8E;
	s24 =	sld [smem:$0x3FFE];
	[sflag:s23] =	ssyncadd.s32 $0xFFFFFFFF  }
0xac: {  	s26 =	simm.s32 $execute0_lowered;
	[smem:$0x3FD2] =	sst s25  }
0xad: {  	s8 =	sshll.u32 s26, $0x1;
	_ =	strace $0x80000046;
	[dreg:$0x1] =	wrdreg $0xFFFFFFFF  }
0xae: {  	s28 =	simm.s32 $_size_execute0_lowered;
	s6 =	sadd.s32 s6, s8;
	[dreg:$0x0] =	wrdreg $0x0  }
0xaf: {  	s8 =	sshll.u32 s28, $0x1;
	[dreg:$0x2] =	wrdreg s6  }
0xb0: {  	[dreg:$0x3] =	wrdreg s8  }
0xb1: {  	[dreg:$0x4] =	wrdreg $0xC0  }
0xb2: {  	_ =	task [dreg:s10], $0x5FFFF  }
0xb3: {  	[dreg:$0x1] =	wrdreg $0xFFFFFFFF  }
0xb4: {  	[dreg:$0x0] =	wrdreg $0x60  }
0xb5: {  	[dreg:$0x2] =	wrdreg s15  }
0xb6: {  	[dreg:$0x3] =	wrdreg s4  }
0xb7: {  	[dreg:$0x4] =	wrdreg s24  }
0xb8: {  	[dreg:$0x5] =	wrdreg s16  }
0xb9: {  	[dreg:$0x6] =	wrdreg s17  }
0xba: {  	[dreg:$0x7] =	wrdreg $0x0  }
0xbb: {  	[dreg:$0x8] =	wrdreg $0x140000  }
0xbc: {  	[dreg:$0x9] =	wrdreg $0x9  }
0xbd: {  	_ =	task.clear_ibuf [dreg:s10], $0xAFFFF;
	_ =	strace $0x90000046  }
0xbe: {  	s29 =	simm.s32 $0x9;
	_ =	strace $0x80000048  }
0xbf: {  	_ =	swait.ge [sflag:s29], $0x1  }
0xc0: {  	[sflag:s29] =	ssyncadd.s32 $0xFFFFFFFF  }
0xc1: {  	_ =	strace $0x90000048  }
0xc2: {  	_ =	sfence  }
0xc3: {  	s30 =	sld [smem:$0x0];
	_ =	sdelay $0x2  }
0xc4: {  	s31 =	sshll.u32 s1, $0xD;
	s1 =	sshrl.u32 s1, $0x2  }
0xc5: {  	s3 =	sand.u32 $0x4000, s31;
	s1 =	sadd.s32 s1, s30  }
0xc6: {  	s0 =	sor.u32 s3, s0;
	s1 =	sshll.u32 s1, $0x11  }
0xc7: {  	s0 =	sor.u32 s1, s0  }
0xc8: {  	s0 =	sadd.s32 $0x8F2B, s0  }
0xc9: {  	[sflag:s0] =	ssyncadd.remote.s32 $0x1  }
0xca: {  	_ =	sfence.sel $0xFFFF  }
0xcb: {  	[dreg:$0x0] =	wrdreg $0xFFFFFFFF;
	(pc) =	sbr.abs _section_cstart, $3  }
0xcc: {  	[dreg:$0x1] =	wrdreg $0xFFFFFFFF  }
0xcd: {  	_ =	task.clear_ibuf [dreg:s10], $0x2FFFF;
	_ =	strace $0x9FFFFFFF  }
0xce: {  	(tm) =	ssettm $0x7FFFFFFF  }
0xcf: {  	_ =	shalt  }
tec
execute0_lowered:
.L_overlay_start_1:
0x0: {  	(tag) =	ssettag $0x1  }
0x1: {  	s0 =	rddreg [dreg:$0x0]  }
0x2: {  	s2 =	rddreg [dreg:$0x1]  }
0x3: {  	s1 =	rddreg [dreg:$0x2]  }
0x4: {  	s6 =	rddreg [dreg:$0x3]  }
0x5: {  	s7 =	rddreg [dreg:$0x4]  }
0x6: {  	s3 =	rddreg [dreg:$0x5]  }
0x7: {  	s4 =	rddreg [dreg:$0x6]  }
0x8: {  	s5 =	simm.s32 $0x0;
	s15 =	srdreg.scid;
	s16 =	stileid.u32  }
0x9: {  	s28 =	simm.s32 $0x2;
	s29 =	simm.s32 $0x3;
	s30 =	simm.s32 $0x5  }
0xa: {  	s31 =	simm.s32 $0x4;
	[smem:$0x7FF] =	sst s5;
	s11 =	smul.u32 $0x50000, s16  }
0xb: {  	s8 =	sadd.s32 $0xA00, s1;
	s9 =	sadd.s32 $0x800, s1;
	s14 =	smul.u32 $0xA00, s16  }
0xc: {  	s1 =	sadd.s32 $0x600, s1;
	_ =	strace $0x80000047;
	[dreg:$0x8] =	wrdreg s8  }
0xd: {  	s22 =	sshll.u32 s16, $0x6;
	[dreg:$0x9] =	wrdreg s9;
	s8 =	sand.u32 $0x1, s15  }
0xe: {  	[dreg:$0xa] =	wrdreg s1;
	s15 =	smul.u32 $0x14000, s16;
	s10 =	ssub.s32 $0x2, s8  }
0xf: {  	s17 =	sshll.u32 s8, $0x4;
	s21 =	sshrl.u32 s11, $0x2;
	s23 =	smul.u32 $0x140000, s8  }
0x10: {  	s24 =	sshrl.u32 s14, $0x2;
	s8 =	sshll.u32 s8, $0x7;
	s12 =	sshrl.u32 s10, $0x1  }
0x11: {  	s13 =	sor.u32 s16, s17;
	s17 =	sadd.s32 s21, s3;
	s16 =	smul.u32 $0x500, s16  }
0x12: {  	s19 =	sadd.s32 s24, s4;
	s21 =	simm.s32 $0x14280;
	s24 =	simm.s32 $0x17A80  }
0x13: {  	s18 =	ssub.s32 s10, s12;
	s20 =	smul.u32 $0x2800, s13;
	s10 =	sor.u32 $0x1C07, s22  }
0x14: {  	s13 =	sadd.s32 s15, s23;
	s17 =	sshrl.u32 s17, $0x3;
	s19 =	sshrl.u32 s19, $0x3  }
0x15: {  	s23 =	simm.s32 $0x7D;
	s22 =	simm.s32 $0x0;
	s8 =	sor.u32 s8, s16  }
.Ltmp0:
0x16: {  	s15 =	sshrl.u32 s13, $0x3;
	s16 =	smax.u32 s18, $0x1;
	(pc) =	sbr.rel .LBB2_1-.Ltmp0, $4  }
0x17: {  	s18 =	simm.s32 $0x7;
	s25 =	sshrl.u32 s20, $0x3;
	s12 =	sadd.s32 $0x50000, s20  }
0x18: {  	s8 =	sshrl.u32 s8, $0x3;
	s14 =	sadd.s32 s6, s15;
	s20 =	simm.s32 $0x1FA80  }
0x19: {  	s11 =	sadd.s32 s2, s25;
	s26 =	sshrl.u32 s12, $0x3;
	s15 =	sadd.s32 s7, s8  }
0x1a: {  	s25 =	simm.s32 $0x1;
	s13 =	sadd.s32 s2, s26;
	s26 =	simm.s32 $0x1BA80  }
.LBB2_5:
0x1b: {  	_ =	swait.ge [sflag:s31], $0x3E80  }
0x1c: {  	[sflag:s31] =	ssyncset.done $0x0  }
0x1d: {  	[sflag:s31] =	ssyncadd.s32 $0xFFFFC180  }
0x1e: {  	_ =	swait.ge [sflag:s30], $0x7D  }
0x1f: {  	[sflag:s30] =	ssyncset.done $0x0  }
0x20: {  	[sflag:s30] =	ssyncadd.s32 $0xFFFFFF83  }
0x21: {  	[bflag:$0x0] =	sbarrier.arrive $0xFFFF  }
0x22: {  	[hbm:s14], [sflag:s10] =	dma.local [spmem:s17], $0x2800  }
0x23: {  	s22 =	sadd.s32 $0x1, s22;
	_ =	swait.ge [sflag:s18], $0x2800  }
0x24: {  	s1 =	simm.s32 $0x20;
	p0 =	sne.s32 s22, s16;
	[sflag:s18] =	ssyncset.done $0x0  }
.Ltmp1:
0x25: {  	s6 =	simm.s32 $0x10;
	[sflag:s18] =	ssyncadd.s32 $0xFFFFD800;
	(pc) =	sbr.rel @!p0 .LBB2_6-.Ltmp1, $4  }
0x26: {  	[hbm:s15@s1], [sflag:s10] =	dma.strided [spmem:s19@s6], $0x50, s25, $0x10   }
0x27: {  	_ =	swait.ge [sflag:s18], $0x50  }
0x28: {  	[sflag:s18] =	ssyncset.done $0x0  }
0x29: {  	[sflag:s18] =	ssyncadd.s32 $0xFFFFFFB0  }
.LBB2_1:
0x2a: {  	s1 =	rddreg [dreg:$0x8]  }
0x2b: {  	[spmem:s17], [sflag:s10] =	dma.local [hbm:s1], $0x2800  }
0x2c: {  	_ =	swait.ge [sflag:s18], $0x2800  }
0x2d: {  	[sflag:s18] =	ssyncset.done $0x0  }
0x2e: {  	s7 =	rddreg [dreg:$0x9];
	[sflag:s18] =	ssyncadd.s32 $0xFFFFD800  }
0x2f: {  	[spmem:s19], [sflag:s10] =	dma.local [hbm:s7], $0x50  }
0x30: {  	_ =	swait.ge [sflag:s18], $0x50  }
0x31: {  	[sflag:s18] =	ssyncset.done $0x0  }
0x32: {  	s8 =	rddreg [dreg:$0xa];
	[sflag:s18] =	ssyncadd.s32 $0xFFFFFFB0  }
0x33: {  	[tilespmem:s20], [sflag:$0x7] =	stream.linear.gather [hbm4b:s8+s5], $0x80, $0x38;
	[tilespmem:$0x1FB00] =	vst v63  }
0x34: {  	_ =	swait.ge [sflag:s18], $0x80  }
0x35: {  	[sflag:s18] =	ssyncset.done $0x0  }
0x36: {  	[sflag:s18] =	ssyncadd.s32 $0xFFFFFF80  }
0x37: {  	[tilespmem:s21], [sflag:$0x7] =	stream.linear.gather [hbm4b:s11+s5], $0x2800, $0x38;
	[tilespmem:$0x1FB00] =	vst v63  }
0x38: {  	_ =	swait.ge [sflag:s18], $0x2800  }
0x39: {  	[sflag:s18] =	ssyncset.done $0x0  }
0x3a: {  	s9 =	simm.s32 $0x16A80;
	[sflag:s18] =	ssyncadd.s32 $0xFFFFD800  }
0x3b: {  	[tilespmem:s9], [sflag:$0x7] =	stream.linear.gather [hbm4b:s13+s5], $0x800, $0x38;
	[tilespmem:$0x1FB00] =	vst v63  }
.Ltmp2:
0x3c: {  	_ =	swait.ge [sflag:s18], $0x800;
	(pc) =	sbr.rel .LBB2_2-.Ltmp2, $4  }
0x3d: {  	[sflag:s18] =	ssyncset.done $0x0  }
0x3e: {  	[sflag:s18] =	ssyncadd.s32 $0xFFFFF800  }
0x3f: {  	s6 =	simm.s32 $0x0;
	[bflag:$0x0] =	sbarrier.arrive $0xFFFF  }
0x40: {  	[tilespmem:s24], [sflag:$0x1] =	stream.indirect.gather [hbm4b:s0+s23], $0x80, s21, s23, $0xb8;
	[tilespmem:$0x1FB00] =	vst v63  }
.LBB2_4:
0x41: {  	s6 =	sshll.u32 s6, $0xD  }
0x42: {  	s7 =	sshrl.u32 s6, $0x2  }
0x43: {  	s6 =	sadd.s32 $0x14300, s7  }
0x44: {  	[tilespmem:s26], [sflag:$0x2] =	stream.indirect.gather [hbm4b:s0+s23], $0x80, s6, s23, $0xb8;
	[tilespmem:$0x1FB00] =	vst v63  }
0x45: {  	s6 =	sshll.u32 s8, $0xB  }
0x46: {  	s8 =	sadd.s32 $0x16A80, s6  }
0x47: {  	[spmem:s3] =	stream.indirect.scatter.add.f32 [tilespmem:s24], [sflag:$0x3], $0x80, s8, s23, $0xb8;
	[tilespmem:$0x1FB00] =	vst v63  }
0x48: {  	_ = 	snop  }
0x49: {  	[spmem:s4] =	stream.indirect.scatter.add.f32 [tilespmem:s20], [sflag:$0x5], $0x1, s8, s23, $0xb8;
	[tilespmem:$0x1FB00] =	vst v63  }
0x4a: {  	_ =	swait.ge [sflag:s28], $0x3E80  }
0x4b: {  	[sflag:s28] =	ssyncset.done $0x0  }
0x4c: {  	[sflag:s28] =	ssyncadd.s32 $0xFFFFC180  }
0x4d: {  	_ =	swait.ge [sflag:s29], $0x3E80  }
0x4e: {  	[sflag:s29] =	ssyncset.done $0x0  }
0x4f: {  	[sflag:s29] =	ssyncadd.s32 $0xFFFFC180  }
0x50: {  	_ =	swait.ge [sflag:s30], $0x7D  }
0x51: {  	[sflag:s30] =	ssyncset.done $0x0  }
0x52: {  	s9 =	sadd.s32 $0x14380, s7;
	[sflag:s30] =	ssyncadd.s32 $0xFFFFFF83  }
0x53: {  	[tilespmem:s24], [sflag:$0x1] =	stream.indirect.gather [hbm4b:s0+s23], $0x80, s9, s23, $0xb8;
	[tilespmem:$0x1FB00] =	vst v63  }
0x54: {  	s9 =	sadd.s32 $0x16B00, s6  }
0x55: {  	[spmem:s3] =	stream.indirect.scatter.add.f32 [tilespmem:s26], [sflag:$0x4], $0x80, s9, s23, $0xb8;
	[tilespmem:$0x1FB00] =	vst v63  }
0x56: {  	_ = 	snop  }
0x57: {  	[spmem:s4] =	stream.indirect.scatter.add.f32 [tilespmem:s20], [sflag:$0x5], $0x1, s9, s23, $0xb8;
	[tilespmem:$0x1FB00] =	vst v63  }
0x58: {  	_ =	swait.ge [sflag:s25], $0x3E80  }
0x59: {  	[sflag:s25] =	ssyncset.done $0x0  }
0x5a: {  	[sflag:s25] =	ssyncadd.s32 $0xFFFFC180  }
0x5b: {  	_ =	swait.ge [sflag:s31], $0x3E80  }
0x5c: {  	[sflag:s31] =	ssyncset.done $0x0  }
0x5d: {  	[sflag:s31] =	ssyncadd.s32 $0xFFFFC180  }
0x5e: {  	_ =	swait.ge [sflag:s30], $0x7D  }
0x5f: {  	[sflag:s30] =	ssyncset.done $0x0  }
0x60: {  	s9 =	sadd.s32 $0x14400, s7;
	[sflag:s30] =	ssyncadd.s32 $0xFFFFFF83  }
0x61: {  	[tilespmem:s26], [sflag:$0x2] =	stream.indirect.gather [hbm4b:s0+s23], $0x80, s9, s23, $0xb8;
	[tilespmem:$0x1FB00] =	vst v63  }
0x62: {  	s9 =	sadd.s32 $0x16B80, s6  }
0x63: {  	[spmem:s3] =	stream.indirect.scatter.add.f32 [tilespmem:s24], [sflag:$0x3], $0x80, s9, s23, $0xb8;
	[tilespmem:$0x1FB00] =	vst v63  }
0x64: {  	_ = 	snop  }
0x65: {  	[spmem:s4] =	stream.indirect.scatter.add.f32 [tilespmem:s20], [sflag:$0x5], $0x1, s9, s23, $0xb8;
	[tilespmem:$0x1FB00] =	vst v63  }
0x66: {  	_ =	swait.ge [sflag:s28], $0x3E80  }
0x67: {  	[sflag:s28] =	ssyncset.done $0x0  }
0x68: {  	[sflag:s28] =	ssyncadd.s32 $0xFFFFC180  }
0x69: {  	_ =	swait.ge [sflag:s29], $0x3E80  }
0x6a: {  	[sflag:s29] =	ssyncset.done $0x0  }
0x6b: {  	[sflag:s29] =	ssyncadd.s32 $0xFFFFC180  }
0x6c: {  	_ =	swait.ge [sflag:s30], $0x7D  }
0x6d: {  	[sflag:s30] =	ssyncset.done $0x0  }
0x6e: {  	s9 =	sadd.s32 $0x14480, s7;
	[sflag:s30] =	ssyncadd.s32 $0xFFFFFF83  }
0x6f: {  	[tilespmem:s24], [sflag:$0x1] =	stream.indirect.gather [hbm4b:s0+s23], $0x80, s9, s23, $0xb8;
	[tilespmem:$0x1FB00] =	vst v63  }
0x70: {  	s9 =	sadd.s32 $0x16C00, s6  }
0x71: {  	[spmem:s3] =	stream.indirect.scatter.add.f32 [tilespmem:s26], [sflag:$0x4], $0x80, s9, s23, $0xb8;
	[tilespmem:$0x1FB00] =	vst v63  }
0x72: {  	_ = 	snop  }
0x73: {  	[spmem:s4] =	stream.indirect.scatter.add.f32 [tilespmem:s20], [sflag:$0x5], $0x1, s9, s23, $0xb8;
	[tilespmem:$0x1FB00] =	vst v63  }
0x74: {  	_ =	swait.ge [sflag:s25], $0x3E80  }
0x75: {  	[sflag:s25] =	ssyncset.done $0x0  }
0x76: {  	[sflag:s25] =	ssyncadd.s32 $0xFFFFC180  }
0x77: {  	_ =	swait.ge [sflag:s31], $0x3E80  }
0x78: {  	[sflag:s31] =	ssyncset.done $0x0  }
0x79: {  	[sflag:s31] =	ssyncadd.s32 $0xFFFFC180  }
0x7a: {  	_ =	swait.ge [sflag:s30], $0x7D  }
0x7b: {  	[sflag:s30] =	ssyncset.done $0x0  }
0x7c: {  	s9 =	sadd.s32 $0x14500, s7;
	[sflag:s30] =	ssyncadd.s32 $0xFFFFFF83  }
0x7d: {  	[tilespmem:s26], [sflag:$0x2] =	stream.indirect.gather [hbm4b:s0+s23], $0x80, s9, s23, $0xb8;
	[tilespmem:$0x1FB00] =	vst v63  }
0x7e: {  	s9 =	sadd.s32 $0x16C80, s6  }
0x7f: {  	[spmem:s3] =	stream.indirect.scatter.add.f32 [tilespmem:s24], [sflag:$0x3], $0x80, s9, s23, $0xb8;
	[tilespmem:$0x1FB00] =	vst v63  }
0x80: {  	_ = 	snop  }
0x81: {  	[spmem:s4] =	stream.indirect.scatter.add.f32 [tilespmem:s20], [sflag:$0x5], $0x1, s9, s23, $0xb8;
	[tilespmem:$0x1FB00] =	vst v63  }
0x82: {  	_ =	swait.ge [sflag:s28], $0x3E80  }
0x83: {  	[sflag:s28] =	ssyncset.done $0x0  }
0x84: {  	[sflag:s28] =	ssyncadd.s32 $0xFFFFC180  }
0x85: {  	_ =	swait.ge [sflag:s29], $0x3E80  }
0x86: {  	[sflag:s29] =	ssyncset.done $0x0  }
0x87: {  	[sflag:s29] =	ssyncadd.s32 $0xFFFFC180  }
0x88: {  	_ =	swait.ge [sflag:s30], $0x7D  }
0x89: {  	[sflag:s30] =	ssyncset.done $0x0  }
0x8a: {  	s9 =	sadd.s32 $0x14580, s7;
	[sflag:s30] =	ssyncadd.s32 $0xFFFFFF83  }
0x8b: {  	[tilespmem:s24], [sflag:$0x1] =	stream.indirect.gather [hbm4b:s0+s23], $0x80, s9, s23, $0xb8;
	[tilespmem:$0x1FB00] =	vst v63  }
0x8c: {  	s9 =	sadd.s32 $0x16D00, s6  }
0x8d: {  	[spmem:s3] =	stream.indirect.scatter.add.f32 [tilespmem:s26], [sflag:$0x4], $0x80, s9, s23, $0xb8;
	[tilespmem:$0x1FB00] =	vst v63  }
0x8e: {  	_ = 	snop  }
0x8f: {  	[spmem:s4] =	stream.indirect.scatter.add.f32 [tilespmem:s20], [sflag:$0x5], $0x1, s9, s23, $0xb8;
	[tilespmem:$0x1FB00] =	vst v63  }
0x90: {  	_ =	swait.ge [sflag:s25], $0x3E80  }
0x91: {  	[sflag:s25] =	ssyncset.done $0x0  }
0x92: {  	[sflag:s25] =	ssyncadd.s32 $0xFFFFC180  }
0x93: {  	_ =	swait.ge [sflag:s31], $0x3E80  }
0x94: {  	[sflag:s31] =	ssyncset.done $0x0  }
0x95: {  	[sflag:s31] =	ssyncadd.s32 $0xFFFFC180  }
0x96: {  	_ =	swait.ge [sflag:s30], $0x7D  }
0x97: {  	[sflag:s30] =	ssyncset.done $0x0  }
0x98: {  	s9 =	sadd.s32 $0x14600, s7;
	[sflag:s30] =	ssyncadd.s32 $0xFFFFFF83  }
0x99: {  	[tilespmem:s26], [sflag:$0x2] =	stream.indirect.gather [hbm4b:s0+s23], $0x80, s9, s23, $0xb8;
	[tilespmem:$0x1FB00] =	vst v63  }
0x9a: {  	s9 =	sadd.s32 $0x16D80, s6  }
0x9b: {  	[spmem:s3] =	stream.indirect.scatter.add.f32 [tilespmem:s24], [sflag:$0x3], $0x80, s9, s23, $0xb8;
	[tilespmem:$0x1FB00] =	vst v63  }
0x9c: {  	_ = 	snop  }
0x9d: {  	[spmem:s4] =	stream.indirect.scatter.add.f32 [tilespmem:s20], [sflag:$0x5], $0x1, s9, s23, $0xb8;
	[tilespmem:$0x1FB00] =	vst v63  }
0x9e: {  	_ =	swait.ge [sflag:s28], $0x3E80  }
0x9f: {  	[sflag:s28] =	ssyncset.done $0x0  }
0xa0: {  	[sflag:s28] =	ssyncadd.s32 $0xFFFFC180  }
0xa1: {  	_ =	swait.ge [sflag:s29], $0x3E80  }
0xa2: {  	[sflag:s29] =	ssyncset.done $0x0  }
0xa3: {  	[sflag:s29] =	ssyncadd.s32 $0xFFFFC180  }
0xa4: {  	_ =	swait.ge [sflag:s30], $0x7D  }
0xa5: {  	[sflag:s30] =	ssyncset.done $0x0  }
0xa6: {  	s9 =	sadd.s32 $0x14680, s7;
	[sflag:s30] =	ssyncadd.s32 $0xFFFFFF83  }
0xa7: {  	[tilespmem:s24], [sflag:$0x1] =	stream.indirect.gather [hbm4b:s0+s23], $0x80, s9, s23, $0xb8;
	[tilespmem:$0x1FB00] =	vst v63  }
0xa8: {  	s9 =	sadd.s32 $0x16E00, s6  }
0xa9: {  	[spmem:s3] =	stream.indirect.scatter.add.f32 [tilespmem:s26], [sflag:$0x4], $0x80, s9, s23, $0xb8;
	[tilespmem:$0x1FB00] =	vst v63  }
0xaa: {  	_ = 	snop  }
0xab: {  	[spmem:s4] =	stream.indirect.scatter.add.f32 [tilespmem:s20], [sflag:$0x5], $0x1, s9, s23, $0xb8;
	[tilespmem:$0x1FB00] =	vst v63  }
0xac: {  	_ =	swait.ge [sflag:s25], $0x3E80  }
0xad: {  	[sflag:s25] =	ssyncset.done $0x0  }
0xae: {  	[sflag:s25] =	ssyncadd.s32 $0xFFFFC180  }
0xaf: {  	_ =	swait.ge [sflag:s31], $0x3E80  }
0xb0: {  	[sflag:s31] =	ssyncset.done $0x0  }
0xb1: {  	[sflag:s31] =	ssyncadd.s32 $0xFFFFC180  }
0xb2: {  	_ =	swait.ge [sflag:s30], $0x7D  }
0xb3: {  	[sflag:s30] =	ssyncset.done $0x0  }
0xb4: {  	s9 =	sadd.s32 $0x14700, s7;
	[sflag:s30] =	ssyncadd.s32 $0xFFFFFF83  }
0xb5: {  	[tilespmem:s26], [sflag:$0x2] =	stream.indirect.gather [hbm4b:s0+s23], $0x80, s9, s23, $0xb8;
	[tilespmem:$0x1FB00] =	vst v63  }
0xb6: {  	s9 =	sadd.s32 $0x16E80, s6  }
0xb7: {  	[spmem:s3] =	stream.indirect.scatter.add.f32 [tilespmem:s24], [sflag:$0x3], $0x80, s9, s23, $0xb8;
	[tilespmem:$0x1FB00] =	vst v63  }
0xb8: {  	_ = 	snop  }
0xb9: {  	[spmem:s4] =	stream.indirect.scatter.add.f32 [tilespmem:s20], [sflag:$0x5], $0x1, s9, s23, $0xb8;
	[tilespmem:$0x1FB00] =	vst v63  }
0xba: {  	_ =	swait.ge [sflag:s28], $0x3E80  }
0xbb: {  	[sflag:s28] =	ssyncset.done $0x0  }
0xbc: {  	[sflag:s28] =	ssyncadd.s32 $0xFFFFC180  }
0xbd: {  	_ =	swait.ge [sflag:s29], $0x3E80  }
0xbe: {  	[sflag:s29] =	ssyncset.done $0x0  }
0xbf: {  	[sflag:s29] =	ssyncadd.s32 $0xFFFFC180  }
0xc0: {  	_ =	swait.ge [sflag:s30], $0x7D  }
0xc1: {  	[sflag:s30] =	ssyncset.done $0x0  }
0xc2: {  	s9 =	sadd.s32 $0x14780, s7;
	[sflag:s30] =	ssyncadd.s32 $0xFFFFFF83  }
0xc3: {  	[tilespmem:s24], [sflag:$0x1] =	stream.indirect.gather [hbm4b:s0+s23], $0x80, s9, s23, $0xb8;
	[tilespmem:$0x1FB00] =	vst v63  }
0xc4: {  	s9 =	sadd.s32 $0x16F00, s6  }
0xc5: {  	[spmem:s3] =	stream.indirect.scatter.add.f32 [tilespmem:s26], [sflag:$0x4], $0x80, s9, s23, $0xb8;
	[tilespmem:$0x1FB00] =	vst v63  }
0xc6: {  	_ = 	snop  }
0xc7: {  	[spmem:s4] =	stream.indirect.scatter.add.f32 [tilespmem:s20], [sflag:$0x5], $0x1, s9, s23, $0xb8;
	[tilespmem:$0x1FB00] =	vst v63  }
0xc8: {  	_ =	swait.ge [sflag:s25], $0x3E80  }
0xc9: {  	[sflag:s25] =	ssyncset.done $0x0  }
0xca: {  	[sflag:s25] =	ssyncadd.s32 $0xFFFFC180  }
0xcb: {  	_ =	swait.ge [sflag:s31], $0x3E80  }
0xcc: {  	[sflag:s31] =	ssyncset.done $0x0  }
0xcd: {  	[sflag:s31] =	ssyncadd.s32 $0xFFFFC180  }
0xce: {  	_ =	swait.ge [sflag:s30], $0x7D  }
0xcf: {  	[sflag:s30] =	ssyncset.done $0x0  }
0xd0: {  	s9 =	sadd.s32 $0x14800, s7;
	[sflag:s30] =	ssyncadd.s32 $0xFFFFFF83  }
0xd1: {  	[tilespmem:s26], [sflag:$0x2] =	stream.indirect.gather [hbm4b:s0+s23], $0x80, s9, s23, $0xb8;
	[tilespmem:$0x1FB00] =	vst v63  }
0xd2: {  	s9 =	sadd.s32 $0x16F80, s6  }
0xd3: {  	[spmem:s3] =	stream.indirect.scatter.add.f32 [tilespmem:s24], [sflag:$0x3], $0x80, s9, s23, $0xb8;
	[tilespmem:$0x1FB00] =	vst v63  }
0xd4: {  	_ = 	snop  }
0xd5: {  	[spmem:s4] =	stream.indirect.scatter.add.f32 [tilespmem:s20], [sflag:$0x5], $0x1, s9, s23, $0xb8;
	[tilespmem:$0x1FB00] =	vst v63  }
0xd6: {  	_ =	swait.ge [sflag:s28], $0x3E80  }
0xd7: {  	[sflag:s28] =	ssyncset.done $0x0  }
0xd8: {  	[sflag:s28] =	ssyncadd.s32 $0xFFFFC180  }
0xd9: {  	_ =	swait.ge [sflag:s29], $0x3E80  }
0xda: {  	[sflag:s29] =	ssyncset.done $0x0  }
0xdb: {  	[sflag:s29] =	ssyncadd.s32 $0xFFFFC180  }
0xdc: {  	_ =	swait.ge [sflag:s30], $0x7D  }
0xdd: {  	[sflag:s30] =	ssyncset.done $0x0  }
0xde: {  	s9 =	sadd.s32 $0x14880, s7;
	[sflag:s30] =	ssyncadd.s32 $0xFFFFFF83  }
0xdf: {  	[tilespmem:s24], [sflag:$0x1] =	stream.indirect.gather [hbm4b:s0+s23], $0x80, s9, s23, $0xb8;
	[tilespmem:$0x1FB00] =	vst v63  }
0xe0: {  	s9 =	sor.u32 $0x17000, s6  }
0xe1: {  	[spmem:s3] =	stream.indirect.scatter.add.f32 [tilespmem:s26], [sflag:$0x4], $0x80, s9, s23, $0xb8;
	[tilespmem:$0x1FB00] =	vst v63  }
0xe2: {  	_ = 	snop  }
0xe3: {  	[spmem:s4] =	stream.indirect.scatter.add.f32 [tilespmem:s20], [sflag:$0x5], $0x1, s9, s23, $0xb8;
	[tilespmem:$0x1FB00] =	vst v63  }
0xe4: {  	_ =	swait.ge [sflag:s25], $0x3E80  }
0xe5: {  	[sflag:s25] =	ssyncset.done $0x0  }
0xe6: {  	[sflag:s25] =	ssyncadd.s32 $0xFFFFC180  }
0xe7: {  	_ =	swait.ge [sflag:s31], $0x3E80  }
0xe8: {  	[sflag:s31] =	ssyncset.done $0x0  }
0xe9: {  	[sflag:s31] =	ssyncadd.s32 $0xFFFFC180  }
0xea: {  	_ =	swait.ge [sflag:s30], $0x7D  }
0xeb: {  	[sflag:s30] =	ssyncset.done $0x0  }
0xec: {  	s9 =	sadd.s32 $0x14900, s7;
	[sflag:s30] =	ssyncadd.s32 $0xFFFFFF83  }
0xed: {  	[tilespmem:s26], [sflag:$0x2] =	stream.indirect.gather [hbm4b:s0+s23], $0x80, s9, s23, $0xb8;
	[tilespmem:$0x1FB00] =	vst v63  }
0xee: {  	s9 =	sor.u32 $0x17080, s6  }
0xef: {  	[spmem:s3] =	stream.indirect.scatter.add.f32 [tilespmem:s24], [sflag:$0x3], $0x80, s9, s23, $0xb8;
	[tilespmem:$0x1FB00] =	vst v63  }
0xf0: {  	_ = 	snop  }
0xf1: {  	[spmem:s4] =	stream.indirect.scatter.add.f32 [tilespmem:s20], [sflag:$0x5], $0x1, s9, s23, $0xb8;
	[tilespmem:$0x1FB00] =	vst v63  }
0xf2: {  	_ =	swait.ge [sflag:s28], $0x3E80  }
0xf3: {  	[sflag:s28] =	ssyncset.done $0x0  }
0xf4: {  	[sflag:s28] =	ssyncadd.s32 $0xFFFFC180  }
0xf5: {  	_ =	swait.ge [sflag:s29], $0x3E80  }
0xf6: {  	[sflag:s29] =	ssyncset.done $0x0  }
0xf7: {  	[sflag:s29] =	ssyncadd.s32 $0xFFFFC180  }
0xf8: {  	_ =	swait.ge [sflag:s30], $0x7D  }
0xf9: {  	[sflag:s30] =	ssyncset.done $0x0  }
0xfa: {  	s9 =	sadd.s32 $0x14980, s7;
	[sflag:s30] =	ssyncadd.s32 $0xFFFFFF83  }
0xfb: {  	[tilespmem:s24], [sflag:$0x1] =	stream.indirect.gather [hbm4b:s0+s23], $0x80, s9, s23, $0xb8;
	[tilespmem:$0x1FB00] =	vst v63  }
0xfc: {  	s9 =	sor.u32 $0x17100, s6  }
0xfd: {  	[spmem:s3] =	stream.indirect.scatter.add.f32 [tilespmem:s26], [sflag:$0x4], $0x80, s9, s23, $0xb8;
	[tilespmem:$0x1FB00] =	vst v63  }
0xfe: {  	_ = 	snop  }
0xff: {  	[spmem:s4] =	stream.indirect.scatter.add.f32 [tilespmem:s20], [sflag:$0x5], $0x1, s9, s23, $0xb8;
	[tilespmem:$0x1FB00] =	vst v63  }
0x100: {  	_ =	swait.ge [sflag:s25], $0x3E80  }
0x101: {  	[sflag:s25] =	ssyncset.done $0x0  }
0x102: {  	[sflag:s25] =	ssyncadd.s32 $0xFFFFC180  }
0x103: {  	_ =	swait.ge [sflag:s31], $0x3E80  }
0x104: {  	[sflag:s31] =	ssyncset.done $0x0  }
0x105: {  	[sflag:s31] =	ssyncadd.s32 $0xFFFFC180  }
0x106: {  	_ =	swait.ge [sflag:s30], $0x7D  }
0x107: {  	[sflag:s30] =	ssyncset.done $0x0  }
0x108: {  	s9 =	sadd.s32 $0x14A00, s7;
	[sflag:s30] =	ssyncadd.s32 $0xFFFFFF83  }
0x109: {  	[tilespmem:s26], [sflag:$0x2] =	stream.indirect.gather [hbm4b:s0+s23], $0x80, s9, s23, $0xb8;
	[tilespmem:$0x1FB00] =	vst v63  }
0x10a: {  	s9 =	sor.u32 $0x17180, s6  }
0x10b: {  	[spmem:s3] =	stream.indirect.scatter.add.f32 [tilespmem:s24], [sflag:$0x3], $0x80, s9, s23, $0xb8;
	[tilespmem:$0x1FB00] =	vst v63  }
0x10c: {  	_ = 	snop  }
0x10d: {  	[spmem:s4] =	stream.indirect.scatter.add.f32 [tilespmem:s20], [sflag:$0x5], $0x1, s9, s23, $0xb8;
	[tilespmem:$0x1FB00] =	vst v63  }
0x10e: {  	_ =	swait.ge [sflag:s28], $0x3E80  }
0x10f: {  	[sflag:s28] =	ssyncset.done $0x0  }
0x110: {  	[sflag:s28] =	ssyncadd.s32 $0xFFFFC180  }
0x111: {  	_ =	swait.ge [sflag:s29], $0x3E80  }
0x112: {  	[sflag:s29] =	ssyncset.done $0x0  }
0x113: {  	[sflag:s29] =	ssyncadd.s32 $0xFFFFC180  }
0x114: {  	_ =	swait.ge [sflag:s30], $0x7D  }
0x115: {  	s8 =	simm.s32 @!p0 $0x7D;
	[sflag:s30] =	ssyncset.done $0x0  }
0x116: {  	s7 =	sadd.s32 @!p0 $0x14A80, s7;
	s9 =	simm.s32 @!p0 $0x17A80;
	[sflag:s30] =	ssyncadd.s32 $0xFFFFFF83  }
0x117: {  	[tilespmem:s9], [sflag:$0x1] =	stream.indirect.gather @!p0 [hbm4b:s0+s8], $0x80, s7, s8, $0xb8;
	[tilespmem:$0x1FB00] =	vst v63  }
0x118: {  	p0 =	slt.u32 s1, $0x5  }
.Ltmp3:
0x119: {  	s6 =	sadd.s32 $0x17200, s6;
	(pc) =	sbr.rel @!p0 .LBB2_5-.Ltmp3, $4  }
0x11a: {  	[spmem:s3] =	stream.indirect.scatter.add.f32 [tilespmem:s26], [sflag:$0x4], $0x80, s6, s23, $0xb8;
	[tilespmem:$0x1FB00] =	vst v63  }
0x11b: {  	_ = 	snop  }
0x11c: {  	[spmem:s4] =	stream.indirect.scatter.add.f32 [tilespmem:s20], [sflag:$0x5], $0x1, s6, s23, $0xb8;
	[tilespmem:$0x1FB00] =	vst v63  }
0x11d: {  	s6 =	smov.u32 s1  }
.LBB2_2:
0x11e: {  	p1 =	seq.s32 s6, $0x0  }
0x11f: {  	s1 =	simm.s32 @!p1 $0x6  }
0x120: {  	_ =	swait.ge @!p1 [sflag:s1], $0x800  }
0x121: {  	[sflag:s1] =	ssyncset.done @!p1 $0x0  }
0x122: {  	[sflag:s1] =	ssyncadd.s32 @!p1 $0xFFFFF800  }
0x123: {  	_ =	swait.ge [sflag:s25], $0x3E80  }
0x124: {  	[sflag:s25] =	ssyncset.done $0x0  }
0x125: {  	p0 =	seq.s32 @!p1 s6, $0x4;
	s1 =	simm.s32 @!p1 $0x4;
	[sflag:s25] =	ssyncadd.s32 $0xFFFFC180  }
0x126: {  	p2 =	por p1, !p0;
	_ =	swait.ge @!p1 [sflag:s1], $0x3E80  }
.Ltmp4:
0x127: {  	[sflag:s1] =	ssyncset.done @!p1 $0x0;
	(pc) =	sbr.rel @!p2 .LBB2_4-.Ltmp4, $4  }
0x128: {  	[sflag:s1] =	ssyncadd.s32 @!p1 $0xFFFFC180;
	s1 =	simm.s32 @!p1 $0x5  }
0x129: {  	_ =	swait.ge @!p1 [sflag:s1], $0x7D  }
0x12a: {  	[sflag:s1] =	ssyncset.done @!p1 $0x0  }
0x12b: {  	s8 =	sand.u32 $0x1, s6;
	p0 =	por @!p1 $0x1, $0x1;
	[sflag:s1] =	ssyncadd.s32 @!p1 $0xFFFFFF83  }
0x12c: {  	s1 =	sadd.s32 @!p1 $0x1, s6  }
0x12d: {  	s1 =	simm.s32 @p1 $0x1  }
.Ltmp5:
0x12e: {  	s7 =	sshll.u32 s1, $0xB;
	(pc) =	sbr.rel .LBB2_4-.Ltmp5, $4  }
0x12f: {  	s7 =	sadd.s32 s7, s12  }
0x130: {  	s9 =	sshll.u32 s8, $0xB;
	s7 =	sshrl.u32 s7, $0x3  }
0x131: {  	p0 =	por $0x0, $0x0;
	s9 =	ssub.s32 $0x17280, s9;
	s7 =	sadd.s32 s2, s7  }
0x132: {  	[tilespmem:s9], [sflag:$0x6] =	stream.linear.gather [hbm4b:s7+s5], $0x800, $0x38;
	[tilespmem:$0x1FB00] =	vst v63  }
.LBB2_6:
0x133: {  	_ =	sfence.sel $0x180000  }
0x134: {  	[bflag:$0x0] =	sbarrier.arrive $0xFFFF  }
0x135: {  	_ =	strace $0x90000047  }
0x136: {  	s0 =	stileid.u32;
	[bflag:$0x2] =	sbarrier.arrive $0xFFFF  }
0x137: {  	p0 =	sne.s32 s0, $0x0;
	s0 =	rddreg [dreg:$0x7]  }
0x138: {  	s0 =	sadd.s32 @!p0 $0x100000, s0  }
0x139: {  	[sflag:s0] =	ssyncadd.tile.s32 @!p0 $0x1;
	_ =	shalt  }
.Lfunc_end2:
_tile_overlayer_lowered:
.L_overlay_start_2:
0x13a: {  	(tag) =	ssettag $0x2  }
0x13b: {  	s0 =	rddreg [dreg:$0x0];
	s2 =	stileid.u32  }
0x13c: {  	s1 =	rddreg [dreg:$0x1];
	p0 =	sne.s32 s2, $0x0  }
0x13d: {  	s3 =	rddreg [dreg:$0x2];
	[bflag:$0x3] =	sbarrier.arrive $0xFFFF;
	s2 =	simm.s32 @!p0 $0x1C07  }
0x13e: {  	[timem:s3], [sflag:s2] =	dma.local @!p0 [hbm:s0], s1  }
0x13f: {  	s0 =	simm.s32 @!p0 $0x7  }
0x140: {  	_ =	swait.ge @!p0 [sflag:s0], s1  }
0x141: {  	s1 =	ssub.s32 @!p0 $0x0, s1;
	[sflag:s0] =	ssyncset.done @!p0 $0x0  }
0x142: {  	[sflag:s0] =	ssyncadd.s32 @!p0 s1  }
0x143: {  	[bflag:$0x3] =	sbarrier.arrive $0xFFFF  }
0x144: {  	_ =	shalt  }

</sc_bundles>
